<compile_context>
chip_gen: v7x
topology: tpu7x:2x2x1
jax: 0.10.2.dev20260603
libtpu: 0.0.44.dev20260713+nightly
codegen_flags: <defaults>
</compile_context>

<pallas_src>
import functools

import jax
import jax.numpy as jnp
from jax import lax
from jax.experimental import pallas as pl
from jax.experimental.pallas import tpu as pltpu
from jax.experimental.pallas import tpu_sc as plsc

N = 10000
E = 320000
EP = 160000
D_IN = 128
D_H = 128
D_OUT = 64

NC = 2
NS = 16
NW = NC * NS

NPAD = 10240
ROWS_PER_TILE = NPAD // NS
CHUNK = 128
NCHUNK = 80
NCHUNK_MSG = 160
EPAD = NW * NCHUNK * CHUNK
NPHASE = 2
CPP = NCHUNK_MSG // NPHASE
SE_PER_TILE = (2 * EP) // NW

_mesh = functools.partial(
    plsc.VectorSubcoreMesh, core_axis_name="c", subcore_axis_name="s",
    num_cores=NC, num_subcores=NS)


def _wid():
    return lax.axis_index("c") * NS + lax.axis_index("s")


def _deg_body(dst_hbm, deg_out, dstv, ones_v, zb, acc):
    cid = lax.axis_index("c")
    sid = lax.axis_index("s")
    wid = cid * NS + sid

    def zb_init(i, _):
        zb[pl.ds(i * 16, 16)] = jnp.zeros((16,), jnp.float32)
        return 0
    lax.fori_loop(0, ROWS_PER_TILE // 16, zb_init, 0)

    def ones_init(i, _):
        ones_v[pl.ds(i * 16, 16)] = jnp.ones((16,), jnp.float32)
        return 0
    lax.fori_loop(0, CHUNK // 16, ones_init, 0)

    pltpu.sync_copy(zb, acc.at[pl.ds(sid * ROWS_PER_TILE, ROWS_PER_TILE)])
    pltpu.sync_copy(dst_hbm.at[wid], dstv)
    plsc.subcore_barrier()

    def body(j, _):
        pltpu.sync_copy(ones_v, acc.at[dstv.at[j]], add=True)
        return 0
    lax.fori_loop(0, NCHUNK, body, 0)

    plsc.subcore_barrier()
    pltpu.sync_copy(acc.at[pl.ds(sid * ROWS_PER_TILE, ROWS_PER_TILE)],
                    deg_out.at[cid, pl.ds(sid * ROWS_PER_TILE, ROWS_PER_TILE)])


@functools.cache
def _deg_kernel():
    return pl.kernel(
        _deg_body,
        out_type=jax.ShapeDtypeStruct((NC, NPAD), jnp.float32),
        mesh=_mesh(),
        scratch_types=[
            pltpu.VMEM((NCHUNK, CHUNK), jnp.int32),
            pltpu.VMEM((CHUNK,), jnp.float32),
            pltpu.VMEM((ROWS_PER_TILE,), jnp.float32),
            pltpu.VMEM_SHARED((NPAD,), jnp.float32),
        ],
    )


def _msg_body(dh, glo_hbm, ghi_hbm, src_hbm, dst_hbm, plo_out, phi_out,
              srcv, dstv, buf0, buf1, gs0, gs1, g_sh, acc):
    cid = lax.axis_index("c")
    sid = lax.axis_index("s")

    def buf_init(i, _):
        for c in range(dh // 16):
            buf0[i, pl.ds(c * 16, 16)] = jnp.zeros((16,), jnp.float32)
        return 0
    lax.fori_loop(0, CHUNK, buf_init, 0)

    for k in range(ROWS_PER_TILE // CHUNK):
        pltpu.sync_copy(
            buf0, acc.at[pl.ds(sid * ROWS_PER_TILE + k * CHUNK, CHUNK)])

    rows = pl.ds(sid * ROWS_PER_TILE, ROWS_PER_TILE)

    @pl.when(cid == 0)
    def _():
        pltpu.sync_copy(glo_hbm.at[rows], g_sh.at[rows])

    @pl.when(cid == 1)
    def _():
        pltpu.sync_copy(ghi_hbm.at[rows], g_sh.at[rows])

    plsc.subcore_barrier()

    for p in range(NPHASE):
        pltpu.sync_copy(src_hbm.at[sid, pl.ds(p * CPP, CPP)], srcv)
        pltpu.sync_copy(dst_hbm.at[sid, pl.ds(p * CPP, CPP)], dstv)
        pltpu.make_async_copy(g_sh.at[srcv.at[0]], buf0, gs0).start()

        def body(j2, _):
            j = j2 * 2
            pltpu.make_async_copy(g_sh.at[srcv.at[j]], buf0, gs0).wait()
            pltpu.make_async_copy(g_sh.at[srcv.at[j + 1]], buf1, gs1).start()
            pltpu.sync_copy(buf0, acc.at[dstv.at[j]], add=True)
            pltpu.make_async_copy(g_sh.at[srcv.at[j + 1]], buf1, gs1).wait()

            @pl.when(j + 2 < CPP)
            def _():
                pltpu.make_async_copy(g_sh.at[srcv.at[j + 2]], buf0,
                                      gs0).start()

            pltpu.sync_copy(buf1, acc.at[dstv.at[j + 1]], add=True)
            return 0
        lax.fori_loop(0, CPP // 2, body, 0)

    plsc.subcore_barrier()

    @pl.when(cid == 0)
    def _():
        pltpu.sync_copy(acc.at[rows], plo_out.at[rows])

    @pl.when(cid == 1)
    def _():
        pltpu.sync_copy(acc.at[rows], phi_out.at[rows])


@functools.cache
def _make_msg_kernel(dh):
    return pl.kernel(
        functools.partial(_msg_body, dh),
        out_type=(
            jax.ShapeDtypeStruct((NPAD, dh), jnp.float32),
            jax.ShapeDtypeStruct((NPAD, dh), jnp.float32),
        ),
        mesh=_mesh(),
        scratch_types=[
            pltpu.VMEM((CPP, CHUNK), jnp.int32),
            pltpu.VMEM((CPP, CHUNK), jnp.int32),
            pltpu.VMEM((CHUNK, dh), jnp.float32),
            pltpu.VMEM((CHUNK, dh), jnp.float32),
            pltpu.SemaphoreType.DMA,
            pltpu.SemaphoreType.DMA,
            pltpu.VMEM_SHARED((NPAD, dh), jnp.float32),
            pltpu.VMEM_SHARED((NPAD, dh), jnp.float32),
        ],
        compiler_params=pltpu.CompilerParams(use_tc_tiling_on_sc=False),
    )


def _score_body(s_hbm, src_hbm, dst_hbm, sb_hbm, out_hbm, loss_out,
                s_v, srcv, dstv, outv, sbv, lpv):
    wid = _wid()

    pltpu.sync_copy(s_hbm, s_v)
    pltpu.sync_copy(src_hbm.at[wid], srcv)
    pltpu.sync_copy(dst_hbm.at[wid], dstv)
    pltpu.sync_copy(sb_hbm, sbv)
    sb = sbv[...]

    def body(i, acc):
        sv = srcv[pl.ds(i * 16, 16)]
        dv = dstv[pl.ds(i * 16, 16)]
        a = plsc.load_gather(s_v, [sv])
        b = plsc.load_gather(s_v, [dv])
        dist = a - b
        outv[pl.ds(i * 16, 16)] = jnp.maximum(dist + sb, 0.0)
        return acc + dist

    acc = lax.fori_loop(0, SE_PER_TILE // 16, body,
                        jnp.zeros((16,), jnp.float32))
    lpv[...] = acc
    pltpu.sync_copy(outv, out_hbm.at[wid])
    pltpu.sync_copy(lpv, loss_out.at[wid])


@functools.cache
def _score_kernel():
    return pl.kernel(
        _score_body,
        out_type=(
            jax.ShapeDtypeStruct((NW, SE_PER_TILE), jnp.float32),
            jax.ShapeDtypeStruct((NW, 16), jnp.float32),
        ),
        mesh=_mesh(),
        scratch_types=[
            pltpu.VMEM((NPAD,), jnp.float32),
            pltpu.VMEM((SE_PER_TILE,), jnp.int32),
            pltpu.VMEM((SE_PER_TILE,), jnp.int32),
            pltpu.VMEM((SE_PER_TILE,), jnp.float32),
            pltpu.VMEM((16,), jnp.float32),
            pltpu.VMEM((16,), jnp.float32),
        ],
        compiler_params=pltpu.CompilerParams(needs_layout_passes=False),
    )


TC_B = 1024
TC_GRID = NPAD // TC_B


def _row_spec(d):
    return pl.BlockSpec((TC_B, d), lambda i: (i, 0))


def _full_spec(r, c):
    return pl.BlockSpec((r, c), lambda i: (0, 0))


def _mm0_body(x_ref, w_ref, h_ref):
    h_ref[...] = jnp.dot(x_ref[...], w_ref[...],
                         preferred_element_type=jnp.float32,
                         precision=lax.Precision.HIGHEST)


def _mm0(x_pad, w1):
    return pl.pallas_call(
        _mm0_body,
        grid=(TC_GRID,),
        in_specs=[_row_spec(D_IN), _full_spec(D_IN, D_H)],
        out_specs=_row_spec(D_H),
        out_shape=jax.ShapeDtypeStruct((NPAD, D_H), jnp.float32),
    )(x_pad, w1)


def _mm1_body(h_ref, da_ref, db_ref, glo_ref, ghi_ref, dinv_ref):
    deg = da_ref[...] + db_ref[...] + 1.0
    dinv = lax.rsqrt(jnp.maximum(deg, 1.0))
    g = h_ref[...] * dinv
    glo_ref[...] = g[:, :D_H // 2]
    ghi_ref[...] = g[:, D_H // 2:]
    dinv_ref[...] = dinv


def _mm1(h1, dega, degb):
    return pl.pallas_call(
        _mm1_body,
        grid=(TC_GRID,),
        in_specs=[_row_spec(D_H), _row_spec(1), _row_spec(1)],
        out_specs=[_row_spec(D_H // 2), _row_spec(D_H // 2), _row_spec(1)],
        out_shape=[
            jax.ShapeDtypeStruct((NPAD, D_H // 2), jnp.float32),
            jax.ShapeDtypeStruct((NPAD, D_H // 2), jnp.float32),
            jax.ShapeDtypeStruct((NPAD, 1), jnp.float32),
        ],
    )(h1, dega, degb)


def _mm2_body(a0_ref, a1_ref, glo_ref, ghi_ref, dinv_ref, w2_ref, b1_ref,
              g2lo_ref, g2hi_ref):
    dinv = dinv_ref[...]
    agg = jnp.concatenate([a0_ref[...] + glo_ref[...],
                           a1_ref[...] + ghi_ref[...]], axis=1)
    out1 = jnp.maximum(dinv * agg + b1_ref[...], 0.0)
    g2 = dinv * jnp.dot(out1, w2_ref[...],
                        preferred_element_type=jnp.float32,
                        precision=lax.Precision.HIGHEST)
    g2lo_ref[...] = g2[:, :D_OUT // 2]
    g2hi_ref[...] = g2[:, D_OUT // 2:]


def _mm2(a0, a1, glo, ghi, dinv, w2, b1):
    return pl.pallas_call(
        _mm2_body,
        grid=(TC_GRID,),
        in_specs=[
            _row_spec(D_H // 2), _row_spec(D_H // 2),
            _row_spec(D_H // 2), _row_spec(D_H // 2),
            _row_spec(1), _full_spec(D_H, D_OUT), _full_spec(1, D_H),
        ],
        out_specs=[_row_spec(D_OUT // 2), _row_spec(D_OUT // 2)],
        out_shape=[
            jax.ShapeDtypeStruct((NPAD, D_OUT // 2), jnp.float32),
            jax.ShapeDtypeStruct((NPAD, D_OUT // 2), jnp.float32),
        ],
    )(a0, a1, glo, ghi, dinv, w2, b1)


def _mm3_body(a0_ref, a1_ref, glo_ref, ghi_ref, dinv_ref, b2_ref, w_ref,
              s_ref):
    agg = jnp.concatenate([a0_ref[...] + glo_ref[...],
                           a1_ref[...] + ghi_ref[...]], axis=1)
    h2 = dinv_ref[...] * agg + b2_ref[...]
    s_ref[...] = jnp.dot(h2, w_ref[...], preferred_element_type=jnp.float32,
                         precision=lax.Precision.HIGHEST)


def _mm3(a0, a1, glo, ghi, dinv, b2, w):
    return pl.pallas_call(
        _mm3_body,
        grid=(TC_GRID,),
        in_specs=[
            _row_spec(D_OUT // 2), _row_spec(D_OUT // 2),
            _row_spec(D_OUT // 2), _row_spec(D_OUT // 2),
            _row_spec(1), _full_spec(1, D_OUT), _full_spec(D_OUT, 1),
        ],
        out_specs=_row_spec(1),
        out_shape=jax.ShapeDtypeStruct((NPAD, 1), jnp.float32),
    )(a0, a1, glo, ghi, dinv, b2, w)


def kernel(x, edge_index, pos_edge_index, neg_edge_index,
           W1, b1, W2, b2, score_w, score_b):
    x_pad = jnp.zeros((NPAD, D_IN), jnp.float32).at[:N].set(x)

    ei = edge_index.astype(jnp.int32)
    pad_e = EPAD - E
    src = jnp.concatenate([ei[0], jnp.zeros((pad_e,), jnp.int32)])
    dst = jnp.concatenate([ei[1], jnp.full((pad_e,), N, jnp.int32)])
    src16 = src.reshape(NS, NCHUNK_MSG, CHUNK)
    dst16 = dst.reshape(NS, NCHUNK_MSG, CHUNK)
    dst32 = dst.reshape(NW, NCHUNK, CHUNK)

    te = jnp.concatenate([pos_edge_index, neg_edge_index],
                         axis=-1).astype(jnp.int32)
    te_src = te[0].reshape(NW, SE_PER_TILE)
    te_dst = te[1].reshape(NW, SE_PER_TILE)

    sb16 = jnp.broadcast_to(score_b.astype(jnp.float32), (16,))

    deg_part = _deg_kernel()(dst32)
    h1 = _mm0(x_pad, W1)
    dega = deg_part[0].reshape(NPAD, 1)
    degb = deg_part[1].reshape(NPAD, 1)

    g1lo, g1hi, dinv = _mm1(h1, dega, degb)
    part1 = _make_msg_kernel(D_H // 2)(g1lo, g1hi, src16, dst16)

    g2lo, g2hi = _mm2(part1[0], part1[1], g1lo, g1hi, dinv, W2,
                      b1.reshape(1, D_H))
    part2 = _make_msg_kernel(D_OUT // 2)(g2lo, g2hi, src16, dst16)

    s = _mm3(part2[0], part2[1], g2lo, g2hi, dinv, b2.reshape(1, D_OUT),
             score_w.reshape(D_OUT, 1))
    s_flat = s.reshape(NPAD)

    out_tiles, loss_part = _score_kernel()(s_flat, te_src, te_dst, sb16)
    out = out_tiles.reshape(2 * EP)
    score_loss = jnp.sum(loss_part) / (2.0 * EP)
    return (out, score_loss)

# --- scband reference (transcript-rebuilt; emitter-appended) ---
"""Pipeline reference for scband-net-53712861003994 (READ-ONLY COPY).

The authoritative reference and input builder live on the scoring server;
editing this copy changes nothing except your own understanding.
"""

import jax, jax.numpy as jnp
import numpy as np

N = 10000
E = 320000
EP = 160000
D_IN = 128
D_H = 128
D_OUT = 64


def gcn_conv(x, edge_index, W, b):
    n = x.shape[0]
    src = edge_index[0]
    dst = edge_index[1]
    loop = jnp.arange(n, dtype=edge_index.dtype)
    src = jnp.concatenate([src, loop])
    dst = jnp.concatenate([dst, loop])
    h = x @ W
    deg = jax.ops.segment_sum(jnp.ones(src.shape[0], jnp.float32), dst, num_segments=n)
    dinv = jax.lax.rsqrt(jnp.maximum(deg, 1.0))
    norm = dinv[src] * dinv[dst]
    msg = jnp.take(h, src, axis=0) * norm[:, None]
    out = jax.ops.segment_sum(msg, dst, num_segments=n)
    return out + b


def setup_inputs(seed: int = 0) -> dict:
    key = jax.random.key(seed)
    ks = jax.random.split(key, 10)
    x = jax.random.normal(ks[0], (N, D_IN), dtype=jnp.float32)
    edge_index = jax.random.randint(ks[1], (2, E), 0, N).astype(jnp.int64)
    pos_edge_index = jax.random.randint(ks[2], (2, EP), 0, N).astype(jnp.int64)
    neg_edge_index = jax.random.randint(ks[3], (2, EP), 0, N).astype(jnp.int64)
    W1 = jax.random.normal(ks[4], (D_IN, D_H), jnp.float32) * (1.0 / np.sqrt(D_IN))
    b1 = jnp.zeros((D_H,), jnp.float32)
    W2 = jax.random.normal(ks[5], (D_H, D_OUT), jnp.float32) * (1.0 / np.sqrt(D_H))
    b2 = jnp.zeros((D_OUT,), jnp.float32)
    score_w = jax.random.normal(ks[6], (1, D_OUT), jnp.float32) * (1.0 / np.sqrt(D_OUT))
    score_b = jnp.zeros((1,), jnp.float32)
    return {
        'x': x,
        'edge_index': edge_index,
        'pos_edge_index': pos_edge_index,
        'neg_edge_index': neg_edge_index,
        'W1': W1,
        'b1': b1,
        'W2': W2,
        'b2': b2,
        'score_w': score_w,
        'score_b': score_b,
    }


def reference(x, edge_index, pos_edge_index, neg_edge_index, W1, b1, W2, b2, score_w, score_b):
    h = jax.nn.relu(gcn_conv(x, edge_index, W1, b1))
    h = gcn_conv(h, edge_index, W2, b2)
    total_edge_index = jnp.concatenate([pos_edge_index, neg_edge_index], axis=-1)
    x_j = jnp.take(h, total_edge_index[0], axis=0)
    x_i = jnp.take(h, total_edge_index[1], axis=0)
    dist = x_j - x_i
    out = jax.nn.relu(jnp.squeeze(dist @ score_w.T + score_b, axis=-1))
    score_loss = jnp.mean(dist @ jnp.squeeze(score_w, axis=0))
    return (out, score_loss)

if __name__ == "__main__":
    import jax
    _d = setup_inputs()
    print(jax.jit(kernel)(*tuple(_d.values())))

</pallas_src>

<mosaic_0001>
#map = affine_map<(d0, d1) -> (0)>
#map1 = affine_map<(d0, d1) -> (0, 0)>
module attributes {stable_mosaic.version = 14 : i64} {
  func.func @_score_body(%arg0: i32, %arg1: i32, %arg2: memref<10240xf32, #tpu.memory_space<hbm>>, %arg3: memref<32x10000xi32, #tpu.memory_space<hbm>>, %arg4: memref<32x10000xi32, #tpu.memory_space<hbm>>, %arg5: memref<16xf32, #tpu.memory_space<hbm>>, %arg6: memref<32x10000xf32, #tpu.memory_space<hbm>>, %arg7: memref<32x16xf32, #tpu.memory_space<hbm>>, %arg8: memref<10240xf32, #tpu.memory_space<vmem>>, %arg9: memref<10000xi32, #tpu.memory_space<vmem>>, %arg10: memref<10000xi32, #tpu.memory_space<vmem>>, %arg11: memref<10000xf32, #tpu.memory_space<vmem>>, %arg12: memref<16xf32, #tpu.memory_space<vmem>>, %arg13: memref<16xf32, #tpu.memory_space<vmem>>) attributes {dimension_semantics = [#tpu.dimension_semantics<core_parallel>, #tpu.dimension_semantics<subcore_parallel>], iteration_bounds = array<i64: 2, 16>, scalar_prefetch = 0 : i64, scratch_operands = 6 : i64, tpu.core_type = #tpu.core_type<sc_vector_subcore>, window_params = [{transform_indices = #map}, {transform_indices = #map1}, {transform_indices = #map1}, {transform_indices = #map}, {transform_indices = #map1}, {transform_indices = #map1}]} {
    %mul3A = arith.constant 16 : i32
    %mul3A_0 = arith.muli %arg0, %mul3A : i32
    %add3A = arith.addi %mul3A_0, %arg1 : i32
    "tpu.region"() ({
      %run_scoped3A = tpu.sem_alloc : memref<!tpu.dma_semaphore, #tpu.memory_space<semaphore_mem>>
      tpu.enqueue_dma source(%arg2 : memref<10240xf32, #tpu.memory_space<hbm>>) target(%arg8 : memref<10240xf32, #tpu.memory_space<vmem>>) target_semaphore(%run_scoped3A : memref<!tpu.dma_semaphore, #tpu.memory_space<semaphore_mem>>)
      tpu.wait_dma2 semaphore(%run_scoped3A : memref<!tpu.dma_semaphore, #tpu.memory_space<semaphore_mem>>) src(%arg2 : memref<10240xf32, #tpu.memory_space<hbm>>) dst(%arg8 : memref<10240xf32, #tpu.memory_space<vmem>>)
      tpu.yield
    }) : () -> ()
    "tpu.region"() ({
      %run_scoped3A = tpu.sem_alloc : memref<!tpu.dma_semaphore, #tpu.memory_space<semaphore_mem>>
      %dma_start3A = arith.constant 0 : i32
      %dma_start3A_9 = tpu.memref_slice %arg3[%add3A, %dma_start3A] : memref<32x10000xi32, #tpu.memory_space<hbm>> -> memref<1x10000xi32, #tpu.memory_space<hbm>>
      %dma_start3A_10 = tpu.memref_squeeze %dma_start3A_9 : memref<1x10000xi32, #tpu.memory_space<hbm>> -> memref<10000xi32, #tpu.memory_space<hbm>>
      %dma_start3A_11 = arith.constant 0 : i32
      %dma_start3A_12 = tpu.memref_slice %arg3[%add3A, %dma_start3A_11] : memref<32x10000xi32, #tpu.memory_space<hbm>> -> memref<1x10000xi32, #tpu.memory_space<hbm>>
      %dma_start3A_13 = tpu.memref_squeeze %dma_start3A_12 : memref<1x10000xi32, #tpu.memory_space<hbm>> -> memref<10000xi32, #tpu.memory_space<hbm>>
      tpu.enqueue_dma source(%dma_start3A_13 : memref<10000xi32, #tpu.memory_space<hbm>>) target(%arg9 : memref<10000xi32, #tpu.memory_space<vmem>>) target_semaphore(%run_scoped3A : memref<!tpu.dma_semaphore, #tpu.memory_space<semaphore_mem>>)
      %dma_wait3A = arith.constant 0 : i32
      %dma_wait3A_14 = tpu.memref_slice %arg3[%add3A, %dma_wait3A] : memref<32x10000xi32, #tpu.memory_space<hbm>> -> memref<1x10000xi32, #tpu.memory_space<hbm>>
      %dma_wait3A_15 = tpu.memref_squeeze %dma_wait3A_14 : memref<1x10000xi32, #tpu.memory_space<hbm>> -> memref<10000xi32, #tpu.memory_space<hbm>>
      %dma_wait3A_16 = arith.constant 0 : i32
      %dma_wait3A_17 = tpu.memref_slice %arg3[%add3A, %dma_wait3A_16] : memref<32x10000xi32, #tpu.memory_space<hbm>> -> memref<1x10000xi32, #tpu.memory_space<hbm>>
      %dma_wait3A_18 = tpu.memref_squeeze %dma_wait3A_17 : memref<1x10000xi32, #tpu.memory_space<hbm>> -> memref<10000xi32, #tpu.memory_space<hbm>>
      tpu.wait_dma2 semaphore(%run_scoped3A : memref<!tpu.dma_semaphore, #tpu.memory_space<semaphore_mem>>) src(%dma_wait3A_18 : memref<10000xi32, #tpu.memory_space<hbm>>) dst(%arg9 : memref<10000xi32, #tpu.memory_space<vmem>>)
      tpu.yield
    }) : () -> ()
    "tpu.region"() ({
      %run_scoped3A = tpu.sem_alloc : memref<!tpu.dma_semaphore, #tpu.memory_space<semaphore_mem>>
      %dma_start3A = arith.constant 0 : i32
      %dma_start3A_9 = tpu.memref_slice %arg4[%add3A, %dma_start3A] : memref<32x10000xi32, #tpu.memory_space<hbm>> -> memref<1x10000xi32, #tpu.memory_space<hbm>>
      %dma_start3A_10 = tpu.memref_squeeze %dma_start3A_9 : memref<1x10000xi32, #tpu.memory_space<hbm>> -> memref<10000xi32, #tpu.memory_space<hbm>>
      %dma_start3A_11 = arith.constant 0 : i32
      %dma_start3A_12 = tpu.memref_slice %arg4[%add3A, %dma_start3A_11] : memref<32x10000xi32, #tpu.memory_space<hbm>> -> memref<1x10000xi32, #tpu.memory_space<hbm>>
      %dma_start3A_13 = tpu.memref_squeeze %dma_start3A_12 : memref<1x10000xi32, #tpu.memory_space<hbm>> -> memref<10000xi32, #tpu.memory_space<hbm>>
      tpu.enqueue_dma source(%dma_start3A_13 : memref<10000xi32, #tpu.memory_space<hbm>>) target(%arg10 : memref<10000xi32, #tpu.memory_space<vmem>>) target_semaphore(%run_scoped3A : memref<!tpu.dma_semaphore, #tpu.memory_space<semaphore_mem>>)
      %dma_wait3A = arith.constant 0 : i32
      %dma_wait3A_14 = tpu.memref_slice %arg4[%add3A, %dma_wait3A] : memref<32x10000xi32, #tpu.memory_space<hbm>> -> memref<1x10000xi32, #tpu.memory_space<hbm>>
      %dma_wait3A_15 = tpu.memref_squeeze %dma_wait3A_14 : memref<1x10000xi32, #tpu.memory_space<hbm>> -> memref<10000xi32, #tpu.memory_space<hbm>>
      %dma_wait3A_16 = arith.constant 0 : i32
      %dma_wait3A_17 = tpu.memref_slice %arg4[%add3A, %dma_wait3A_16] : memref<32x10000xi32, #tpu.memory_space<hbm>> -> memref<1x10000xi32, #tpu.memory_space<hbm>>
      %dma_wait3A_18 = tpu.memref_squeeze %dma_wait3A_17 : memref<1x10000xi32, #tpu.memory_space<hbm>> -> memref<10000xi32, #tpu.memory_space<hbm>>
      tpu.wait_dma2 semaphore(%run_scoped3A : memref<!tpu.dma_semaphore, #tpu.memory_space<semaphore_mem>>) src(%dma_wait3A_18 : memref<10000xi32, #tpu.memory_space<hbm>>) dst(%arg10 : memref<10000xi32, #tpu.memory_space<vmem>>)
      tpu.yield
    }) : () -> ()
    "tpu.region"() ({
      %run_scoped3A = tpu.sem_alloc : memref<!tpu.dma_semaphore, #tpu.memory_space<semaphore_mem>>
      tpu.enqueue_dma source(%arg5 : memref<16xf32, #tpu.memory_space<hbm>>) target(%arg12 : memref<16xf32, #tpu.memory_space<vmem>>) target_semaphore(%run_scoped3A : memref<!tpu.dma_semaphore, #tpu.memory_space<semaphore_mem>>)
      tpu.wait_dma2 semaphore(%run_scoped3A : memref<!tpu.dma_semaphore, #tpu.memory_space<semaphore_mem>>) src(%arg5 : memref<16xf32, #tpu.memory_space<hbm>>) dst(%arg12 : memref<16xf32, #tpu.memory_space<vmem>>)
      tpu.yield
    }) : () -> ()
    %get3A = arith.constant 0 : index
    %get3A_1 = tpu.vector_load %arg12[%get3A] {strides = array<i32>} : memref<16xf32, #tpu.memory_space<vmem>>, vector<16xf32>,
    %broadcast_in_dim3A = arith.constant 0.000000e+00 : f32
    %broadcast_in_dim3A_2 = vector.broadcast %broadcast_in_dim3A : f32 to vector<16xf32>
    %scan3A = arith.constant 0 : i32
    %scan3A_3 = arith.constant 625 : i32
    %scan3A_4 = arith.addi %scan3A, %scan3A_3 : i32
    %scan3A_5 = arith.constant 1 : i32
    %scan3A_6 = scf.for %scan3A_9 = %scan3A to %scan3A_4 step %scan3A_5 iter_args(%scan3A_10 = %broadcast_in_dim3A_2) -> (vector<16xf32>)  : i32 {
      %mul3A_11 = arith.constant 16 : i32
      %mul3A_12 = arith.muli %scan3A_9, %mul3A_11 : i32
      %get3A_13 = arith.index_cast %mul3A_12 : i32 to index
      %get3A_14 = tpu.vector_load %arg9[%get3A_13] {strides = array<i32>} : memref<10000xi32, #tpu.memory_space<vmem>>, vector<16xi32>,
      %mul3A_15 = arith.constant 16 : i32
      %mul3A_16 = arith.muli %scan3A_9, %mul3A_15 : i32
      %get3A_17 = arith.index_cast %mul3A_16 : i32 to index
      %get3A_18 = tpu.vector_load %arg10[%get3A_17] {strides = array<i32>} : memref<10000xi32, #tpu.memory_space<vmem>>, vector<16xi32>,
      %gather3A = tpu.vector_load_idx %arg8[%get3A_14] : memref<10240xf32, #tpu.memory_space<vmem>>[vector<16xi32>], vector<16xf32>,
      %gather3A_19 = tpu.vector_load_idx %arg8[%get3A_18] : memref<10240xf32, #tpu.memory_space<vmem>>[vector<16xi32>], vector<16xf32>,
      %sub3A = arith.subf %gather3A, %gather3A_19 : vector<16xf32>
      %add3A_20 = arith.addf %sub3A, %get3A_1 : vector<16xf32>
      %max3A = arith.constant 0.000000e+00 : f32
      %max3A_21 = vector.broadcast %max3A : f32 to vector<16xf32>
      %max3A_22 = arith.maximumf %add3A_20, %max3A_21 : vector<16xf32>
      %mul3A_23 = arith.constant 16 : i32
      %mul3A_24 = arith.muli %scan3A_9, %mul3A_23 : i32
      %swap3A_25 = arith.index_cast %mul3A_24 : i32 to index
      %swap3A_26 = tpu.vector_load %arg11[%swap3A_25] {strides = array<i32>} : memref<10000xf32, #tpu.memory_space<vmem>>, vector<16xf32>,
      tpu.vector_store %arg11[%swap3A_25], %max3A_22 {strides = array<i32>} : memref<10000xf32, #tpu.memory_space<vmem>>, vector<16xf32>,
      %add3A_27 = arith.addf %scan3A_10, %sub3A : vector<16xf32>
      scf.yield %add3A_27 : vector<16xf32>
    }
    %scan3A_7 = arith.constant 625 : i32
    %swap3A = arith.constant 0 : index
    %swap3A_8 = tpu.vector_load %arg13[%swap3A] {strides = array<i32>} : memref<16xf32, #tpu.memory_space<vmem>>, vector<16xf32>,
    tpu.vector_store %arg13[%swap3A], %scan3A_6 {strides = array<i32>} : memref<16xf32, #tpu.memory_space<vmem>>, vector<16xf32>,
    "tpu.region"() ({
      %run_scoped3A = tpu.sem_alloc : memref<!tpu.dma_semaphore, #tpu.memory_space<semaphore_mem>>
      %dma_start3A = arith.constant 0 : i32
      %dma_start3A_9 = tpu.memref_slice %arg6[%add3A, %dma_start3A] : memref<32x10000xf32, #tpu.memory_space<hbm>> -> memref<1x10000xf32, #tpu.memory_space<hbm>>
      %dma_start3A_10 = tpu.memref_squeeze %dma_start3A_9 : memref<1x10000xf32, #tpu.memory_space<hbm>> -> memref<10000xf32, #tpu.memory_space<hbm>>
      %dma_start3A_11 = arith.constant 0 : i32
      %dma_start3A_12 = tpu.memref_slice %arg6[%add3A, %dma_start3A_11] : memref<32x10000xf32, #tpu.memory_space<hbm>> -> memref<1x10000xf32, #tpu.memory_space<hbm>>
      %dma_start3A_13 = tpu.memref_squeeze %dma_start3A_12 : memref<1x10000xf32, #tpu.memory_space<hbm>> -> memref<10000xf32, #tpu.memory_space<hbm>>
      tpu.enqueue_dma source(%arg11 : memref<10000xf32, #tpu.memory_space<vmem>>) target(%dma_start3A_13 : memref<10000xf32, #tpu.memory_space<hbm>>) target_semaphore(%run_scoped3A : memref<!tpu.dma_semaphore, #tpu.memory_space<semaphore_mem>>)
      %dma_wait3A = arith.constant 0 : i32
      %dma_wait3A_14 = tpu.memref_slice %arg6[%add3A, %dma_wait3A] : memref<32x10000xf32, #tpu.memory_space<hbm>> -> memref<1x10000xf32, #tpu.memory_space<hbm>>
      %dma_wait3A_15 = tpu.memref_squeeze %dma_wait3A_14 : memref<1x10000xf32, #tpu.memory_space<hbm>> -> memref<10000xf32, #tpu.memory_space<hbm>>
      %dma_wait3A_16 = arith.constant 0 : i32
      %dma_wait3A_17 = tpu.memref_slice %arg6[%add3A, %dma_wait3A_16] : memref<32x10000xf32, #tpu.memory_space<hbm>> -> memref<1x10000xf32, #tpu.memory_space<hbm>>
      %dma_wait3A_18 = tpu.memref_squeeze %dma_wait3A_17 : memref<1x10000xf32, #tpu.memory_space<hbm>> -> memref<10000xf32, #tpu.memory_space<hbm>>
      tpu.wait_dma2 semaphore(%run_scoped3A : memref<!tpu.dma_semaphore, #tpu.memory_space<semaphore_mem>>) src(%arg11 : memref<10000xf32, #tpu.memory_space<vmem>>) dst(%dma_wait3A_18 : memref<10000xf32, #tpu.memory_space<hbm>>)
      tpu.yield
    }) : () -> ()
    "tpu.region"() ({
      %run_scoped3A = tpu.sem_alloc : memref<!tpu.dma_semaphore, #tpu.memory_space<semaphore_mem>>
      %dma_start3A = arith.constant 0 : i32
      %dma_start3A_9 = tpu.memref_slice %arg7[%add3A, %dma_start3A] : memref<32x16xf32, #tpu.memory_space<hbm>> -> memref<1x16xf32, #tpu.memory_space<hbm>>
      %dma_start3A_10 = tpu.memref_squeeze %dma_start3A_9 : memref<1x16xf32, #tpu.memory_space<hbm>> -> memref<16xf32, #tpu.memory_space<hbm>>
      %dma_start3A_11 = arith.constant 0 : i32
      %dma_start3A_12 = tpu.memref_slice %arg7[%add3A, %dma_start3A_11] : memref<32x16xf32, #tpu.memory_space<hbm>> -> memref<1x16xf32, #tpu.memory_space<hbm>>
      %dma_start3A_13 = tpu.memref_squeeze %dma_start3A_12 : memref<1x16xf32, #tpu.memory_space<hbm>> -> memref<16xf32, #tpu.memory_space<hbm>>
      tpu.enqueue_dma source(%arg13 : memref<16xf32, #tpu.memory_space<vmem>>) target(%dma_start3A_13 : memref<16xf32, #tpu.memory_space<hbm>>) target_semaphore(%run_scoped3A : memref<!tpu.dma_semaphore, #tpu.memory_space<semaphore_mem>>)
      %dma_wait3A = arith.constant 0 : i32
      %dma_wait3A_14 = tpu.memref_slice %arg7[%add3A, %dma_wait3A] : memref<32x16xf32, #tpu.memory_space<hbm>> -> memref<1x16xf32, #tpu.memory_space<hbm>>
      %dma_wait3A_15 = tpu.memref_squeeze %dma_wait3A_14 : memref<1x16xf32, #tpu.memory_space<hbm>> -> memref<16xf32, #tpu.memory_space<hbm>>
      %dma_wait3A_16 = arith.constant 0 : i32
      %dma_wait3A_17 = tpu.memref_slice %arg7[%add3A, %dma_wait3A_16] : memref<32x16xf32, #tpu.memory_space<hbm>> -> memref<1x16xf32, #tpu.memory_space<hbm>>
      %dma_wait3A_18 = tpu.memref_squeeze %dma_wait3A_17 : memref<1x16xf32, #tpu.memory_space<hbm>> -> memref<16xf32, #tpu.memory_space<hbm>>
      tpu.wait_dma2 semaphore(%run_scoped3A : memref<!tpu.dma_semaphore, #tpu.memory_space<semaphore_mem>>) src(%arg13 : memref<16xf32, #tpu.memory_space<vmem>>) dst(%dma_wait3A_18 : memref<16xf32, #tpu.memory_space<hbm>>)
      tpu.yield
    }) : () -> ()
    return
  }
}

#map = affine_map<(d0, d1) -> (0, 0, 0)>
#map1 = affine_map<(d0, d1) -> (0, 0)>
module attributes {stable_mosaic.version = 14 : i64} {
  func.func @_deg_body(%arg0: i32, %arg1: i32, %arg2: memref<32x80x128xi32, #tpu.memory_space<hbm>>, %arg3: memref<2x10240xf32, #tpu.memory_space<hbm>>, %arg4: memref<80x128xi32, #tpu.memory_space<vmem>>, %arg5: memref<128xf32, #tpu.memory_space<vmem>>, %arg6: memref<640xf32, #tpu.memory_space<vmem>>, %arg7: memref<10240xf32, #tpu.memory_space<vmem_shared>>) attributes {dimension_semantics = [#tpu.dimension_semantics<core_parallel>, #tpu.dimension_semantics<subcore_parallel>], iteration_bounds = array<i64: 2, 16>, scalar_prefetch = 0 : i64, scratch_operands = 4 : i64, tpu.core_type = #tpu.core_type<sc_vector_subcore>, window_params = [{transform_indices = #map}, {transform_indices = #map1}]} {
    %mul3A = arith.constant 16 : i32
    %mul3A_0 = arith.muli %arg0, %mul3A : i32
    %add3A = arith.addi %mul3A_0, %arg1 : i32
    %scan3A = arith.constant 0 : i32
    %scan3A_1 = arith.constant 0 : i32
    %scan3A_2 = arith.constant 40 : i32
    %scan3A_3 = arith.addi %scan3A_1, %scan3A_2 : i32
    %scan3A_4 = arith.constant 1 : i32
    %scan3A_5 = scf.for %scan3A_28 = %scan3A_1 to %scan3A_3 step %scan3A_4 iter_args(%scan3A_29 = %scan3A) -> (i32)  : i32 {
      %broadcast_in_dim3A = arith.constant 0.000000e+00 : f32
      %broadcast_in_dim3A_30 = vector.broadcast %broadcast_in_dim3A : f32 to vector<16xf32>
      %mul3A_31 = arith.constant 16 : i32
      %mul3A_32 = arith.muli %scan3A_28, %mul3A_31 : i32
      %swap3A = arith.index_cast %mul3A_32 : i32 to index
      %swap3A_33 = tpu.vector_load %arg6[%swap3A] {strides = array<i32>} : memref<640xf32, #tpu.memory_space<vmem>>, vector<16xf32>,
      %swap3A_34 = vector.shape_cast %swap3A_33 : vector<16xf32> to vector<16xf32>
      %swap3A_35 = vector.shape_cast %broadcast_in_dim3A_30 : vector<16xf32> to vector<16xf32>
      tpu.vector_store %arg6[%swap3A], %swap3A_35 {strides = array<i32>} : memref<640xf32, #tpu.memory_space<vmem>>, vector<16xf32>,
      %scan3A_36 = arith.constant 0 : i32
      scf.yield %scan3A_36 : i32
    }
    %scan3A_6 = arith.constant 40 : i32
    %scan3A_7 = arith.constant 0 : i32
    %scan3A_8 = arith.constant 0 : i32
    %scan3A_9 = arith.constant 8 : i32
    %scan3A_10 = arith.addi %scan3A_8, %scan3A_9 : i32
    %scan3A_11 = arith.constant 1 : i32
    %scan3A_12 = scf.for %scan3A_28 = %scan3A_8 to %scan3A_10 step %scan3A_11 iter_args(%scan3A_29 = %scan3A_7) -> (i32)  : i32 {
      %broadcast_in_dim3A = arith.constant 1.000000e+00 : f32
      %broadcast_in_dim3A_30 = vector.broadcast %broadcast_in_dim3A : f32 to vector<16xf32>
      %mul3A_31 = arith.constant 16 : i32
      %mul3A_32 = arith.muli %scan3A_28, %mul3A_31 : i32
      %swap3A = arith.index_cast %mul3A_32 : i32 to index
      %swap3A_33 = tpu.vector_load %arg5[%swap3A] {strides = array<i32>} : memref<128xf32, #tpu.memory_space<vmem>>, vector<16xf32>,
      %swap3A_34 = vector.shape_cast %swap3A_33 : vector<16xf32> to vector<16xf32>
      %swap3A_35 = vector.shape_cast %broadcast_in_dim3A_30 : vector<16xf32> to vector<16xf32>
      tpu.vector_store %arg5[%swap3A], %swap3A_35 {strides = array<i32>} : memref<128xf32, #tpu.memory_space<vmem>>, vector<16xf32>,
      %scan3A_36 = arith.constant 0 : i32
      scf.yield %scan3A_36 : i32
    }
    %scan3A_13 = arith.constant 8 : i32
    %mul3A_14 = arith.constant 640 : i32
    %mul3A_15 = arith.muli %arg1, %mul3A_14 : i32
    "tpu.region"() ({
      %run_scoped3A = tpu.sem_alloc : memref<!tpu.dma_semaphore, #tpu.memory_space<semaphore_mem>>
      %dma_start3A = tpu.memref_slice %arg7[%mul3A_15] : memref<10240xf32, #tpu.memory_space<vmem_shared>> -> memref<640xf32, #tpu.memory_space<vmem_shared>>
      %dma_start3A_28 = tpu.memref_slice %arg7[%mul3A_15] : memref<10240xf32, #tpu.memory_space<vmem_shared>> -> memref<640xf32, #tpu.memory_space<vmem_shared>>
      tpu.enqueue_dma source(%arg6 : memref<640xf32, #tpu.memory_space<vmem>>) target(%dma_start3A_28 : memref<640xf32, #tpu.memory_space<vmem_shared>>) target_semaphore(%run_scoped3A : memref<!tpu.dma_semaphore, #tpu.memory_space<semaphore_mem>>)
      %dma_wait3A = tpu.memref_slice %arg7[%mul3A_15] : memref<10240xf32, #tpu.memory_space<vmem_shared>> -> memref<640xf32, #tpu.memory_space<vmem_shared>>
      %dma_wait3A_29 = tpu.memref_slice %arg7[%mul3A_15] : memref<10240xf32, #tpu.memory_space<vmem_shared>> -> memref<640xf32, #tpu.memory_space<vmem_shared>>
      tpu.wait_dma2 semaphore(%run_scoped3A : memref<!tpu.dma_semaphore, #tpu.memory_space<semaphore_mem>>) src(%arg6 : memref<640xf32, #tpu.memory_space<vmem>>) dst(%dma_wait3A_29 : memref<640xf32, #tpu.memory_space<vmem_shared>>)
      tpu.yield
    }) : () -> ()
    "tpu.region"() ({
      %run_scoped3A = tpu.sem_alloc : memref<!tpu.dma_semaphore, #tpu.memory_space<semaphore_mem>>
      %dma_start3A = arith.constant 0 : i32
      %dma_start3A_28 = arith.constant 0 : i32
      %dma_start3A_29 = tpu.memref_slice %arg2[%add3A, %dma_start3A, %dma_start3A_28] : memref<32x80x128xi32, #tpu.memory_space<hbm>> -> memref<1x80x128xi32, #tpu.memory_space<hbm>>
      %dma_start3A_30 = tpu.memref_squeeze %dma_start3A_29 : memref<1x80x128xi32, #tpu.memory_space<hbm>> -> memref<80x128xi32, #tpu.memory_space<hbm>>
      %dma_start3A_31 = arith.constant 0 : i32
      %dma_start3A_32 = arith.constant 0 : i32
      %dma_start3A_33 = tpu.memref_slice %arg2[%add3A, %dma_start3A_31, %dma_start3A_32] : memref<32x80x128xi32, #tpu.memory_space<hbm>> -> memref<1x80x128xi32, #tpu.memory_space<hbm>>
      %dma_start3A_34 = tpu.memref_squeeze %dma_start3A_33 : memref<1x80x128xi32, #tpu.memory_space<hbm>> -> memref<80x128xi32, #tpu.memory_space<hbm>>
      tpu.enqueue_dma source(%dma_start3A_34 : memref<80x128xi32, #tpu.memory_space<hbm>>) target(%arg4 : memref<80x128xi32, #tpu.memory_space<vmem>>) target_semaphore(%run_scoped3A : memref<!tpu.dma_semaphore, #tpu.memory_space<semaphore_mem>>)
      %dma_wait3A = arith.constant 0 : i32
      %dma_wait3A_35 = arith.constant 0 : i32
      %dma_wait3A_36 = tpu.memref_slice %arg2[%add3A, %dma_wait3A, %dma_wait3A_35] : memref<32x80x128xi32, #tpu.memory_space<hbm>> -> memref<1x80x128xi32, #tpu.memory_space<hbm>>
      %dma_wait3A_37 = tpu.memref_squeeze %dma_wait3A_36 : memref<1x80x128xi32, #tpu.memory_space<hbm>> -> memref<80x128xi32, #tpu.memory_space<hbm>>
      %dma_wait3A_38 = arith.constant 0 : i32
      %dma_wait3A_39 = arith.constant 0 : i32
      %dma_wait3A_40 = tpu.memref_slice %arg2[%add3A, %dma_wait3A_38, %dma_wait3A_39] : memref<32x80x128xi32, #tpu.memory_space<hbm>> -> memref<1x80x128xi32, #tpu.memory_space<hbm>>
      %dma_wait3A_41 = tpu.memref_squeeze %dma_wait3A_40 : memref<1x80x128xi32, #tpu.memory_space<hbm>> -> memref<80x128xi32, #tpu.memory_space<hbm>>
      tpu.wait_dma2 semaphore(%run_scoped3A : memref<!tpu.dma_semaphore, #tpu.memory_space<semaphore_mem>>) src(%dma_wait3A_41 : memref<80x128xi32, #tpu.memory_space<hbm>>) dst(%arg4 : memref<80x128xi32, #tpu.memory_space<vmem>>)
      tpu.yield
    }) : () -> ()
    %barrier3A = arith.constant 0 : index
    tpu.barrier barrier_id(%barrier3A)
    %scan3A_16 = arith.constant 0 : i32
    %scan3A_17 = arith.constant 0 : i32
    %scan3A_18 = arith.constant 80 : i32
    %scan3A_19 = arith.addi %scan3A_17, %scan3A_18 : i32
    %scan3A_20 = arith.constant 1 : i32
    %scan3A_21 = scf.for %scan3A_28 = %scan3A_17 to %scan3A_19 step %scan3A_20 iter_args(%scan3A_29 = %scan3A_16) -> (i32)  : i32 {
      "tpu.region"() ({
        %run_scoped3A = tpu.sem_alloc : memref<!tpu.dma_semaphore, #tpu.memory_space<semaphore_mem>>
        %dma_start3A = arith.constant 0 : i32
        %dma_start3A_31 = tpu.memref_slice %arg4[%scan3A_28, %dma_start3A] : memref<80x128xi32, #tpu.memory_space<vmem>> -> memref<1x128xi32, #tpu.memory_space<vmem>>
        %dma_start3A_32 = tpu.memref_squeeze %dma_start3A_31 : memref<1x128xi32, #tpu.memory_space<vmem>> -> memref<128xi32, #tpu.memory_space<vmem>>
        %dma_start3A_33 = arith.constant 0 : i32
        %dma_start3A_34 = tpu.memref_slice %arg7[%dma_start3A_33] : memref<10240xf32, #tpu.memory_space<vmem_shared>> -> memref<10240xf32, #tpu.memory_space<vmem_shared>>
        tpu.enqueue_indirect_dma source(%arg5 : memref<128xf32, #tpu.memory_space<vmem>>) target(%dma_start3A_34 : memref<10240xf32, #tpu.memory_space<vmem_shared>>) offsets(%dma_start3A_32 : memref<128xi32, #tpu.memory_space<vmem>>) semaphore(%run_scoped3A : memref<!tpu.dma_semaphore, #tpu.memory_space<semaphore_mem>>) {add = true}
        %dma_wait3A = arith.constant 0 : i32
        %dma_wait3A_35 = tpu.memref_slice %arg4[%scan3A_28, %dma_wait3A] : memref<80x128xi32, #tpu.memory_space<vmem>> -> memref<1x128xi32, #tpu.memory_space<vmem>>
        %dma_wait3A_36 = tpu.memref_squeeze %dma_wait3A_35 : memref<1x128xi32, #tpu.memory_space<vmem>> -> memref<128xi32, #tpu.memory_space<vmem>>
        %dma_wait3A_37 = arith.constant 0 : i32
        %dma_wait3A_38 = tpu.memref_slice %arg7[%dma_wait3A_37] : memref<10240xf32, #tpu.memory_space<vmem_shared>> -> memref<10240xf32, #tpu.memory_space<vmem_shared>>
        tpu.wait_indirect_dma semaphore(%run_scoped3A : memref<!tpu.dma_semaphore, #tpu.memory_space<semaphore_mem>>) src(%arg5 : memref<128xf32, #tpu.memory_space<vmem>>) dst(%dma_wait3A_38 : memref<10240xf32, #tpu.memory_space<vmem_shared>>)
        tpu.yield
      }) : () -> ()
      %scan3A_30 = arith.constant 0 : i32
      scf.yield %scan3A_30 : i32
    }
    %scan3A_22 = arith.constant 80 : i32
    %barrier3A_23 = arith.constant 0 : index
    tpu.barrier barrier_id(%barrier3A_23)
    %mul3A_24 = arith.constant 640 : i32
    %mul3A_25 = arith.muli %arg1, %mul3A_24 : i32
    %mul3A_26 = arith.constant 640 : i32
    %mul3A_27 = arith.muli %arg1, %mul3A_26 : i32
    "tpu.region"() ({
      %run_scoped3A = tpu.sem_alloc : memref<!tpu.dma_semaphore, #tpu.memory_space<semaphore_mem>>
      %dma_start3A = tpu.memref_slice %arg3[%arg0, %mul3A_27] : memref<2x10240xf32, #tpu.memory_space<hbm>> -> memref<1x640xf32, #tpu.memory_space<hbm>>
      %dma_start3A_28 = tpu.memref_squeeze %dma_start3A : memref<1x640xf32, #tpu.memory_space<hbm>> -> memref<640xf32, #tpu.memory_space<hbm>>
      %dma_start3A_29 = tpu.memref_slice %arg7[%mul3A_25] : memref<10240xf32, #tpu.memory_space<vmem_shared>> -> memref<640xf32, #tpu.memory_space<vmem_shared>>
      tpu.enqueue_dma source(%dma_start3A_29 : memref<640xf32, #tpu.memory_space<vmem_shared>>) target(%dma_start3A_28 : memref<640xf32, #tpu.memory_space<hbm>>) target_semaphore(%run_scoped3A : memref<!tpu.dma_semaphore, #tpu.memory_space<semaphore_mem>>)
      %dma_wait3A = tpu.memref_slice %arg3[%arg0, %mul3A_27] : memref<2x10240xf32, #tpu.memory_space<hbm>> -> memref<1x640xf32, #tpu.memory_space<hbm>>
      %dma_wait3A_30 = tpu.memref_squeeze %dma_wait3A : memref<1x640xf32, #tpu.memory_space<hbm>> -> memref<640xf32, #tpu.memory_space<hbm>>
      %dma_wait3A_31 = tpu.memref_slice %arg7[%mul3A_25] : memref<10240xf32, #tpu.memory_space<vmem_shared>> -> memref<640xf32, #tpu.memory_space<vmem_shared>>
      tpu.wait_dma2 semaphore(%run_scoped3A : memref<!tpu.dma_semaphore, #tpu.memory_space<semaphore_mem>>) src(%dma_wait3A_31 : memref<640xf32, #tpu.memory_space<vmem_shared>>) dst(%dma_wait3A_30 : memref<640xf32, #tpu.memory_space<hbm>>)
      tpu.yield
    }) : () -> ()
    return
  }
}

#map = affine_map<(d0, d1) -> (0, 0)>
#map1 = affine_map<(d0, d1) -> (0, 0, 0)>
module attributes {stable_mosaic.version = 14 : i64} {
  func.func @_msg_body(%arg0: i32, %arg1: i32, %arg2: memref<10240x64xf32, #tpu.memory_space<hbm>>, %arg3: memref<10240x64xf32, #tpu.memory_space<hbm>>, %arg4: memref<16x160x128xi32, #tpu.memory_space<hbm>>, %arg5: memref<16x160x128xi32, #tpu.memory_space<hbm>>, %arg6: memref<10240x64xf32, #tpu.memory_space<hbm>>, %arg7: memref<10240x64xf32, #tpu.memory_space<hbm>>, %arg8: memref<80x128xi32, #tpu.memory_space<vmem>>, %arg9: memref<80x128xi32, #tpu.memory_space<vmem>>, %arg10: memref<128x64xf32, #tpu.memory_space<vmem>>, %arg11: memref<128x64xf32, #tpu.memory_space<vmem>>, %arg12: memref<!tpu.dma_semaphore, #tpu.memory_space<semaphore_mem>>, %arg13: memref<!tpu.dma_semaphore, #tpu.memory_space<semaphore_mem>>, %arg14: memref<10240x64xf32, #tpu.memory_space<vmem_shared>>, %arg15: memref<10240x64xf32, #tpu.memory_space<vmem_shared>>) attributes {dimension_semantics = [#tpu.dimension_semantics<core_parallel>, #tpu.dimension_semantics<subcore_parallel>], iteration_bounds = array<i64: 2, 16>, scalar_prefetch = 0 : i64, scratch_operands = 8 : i64, tpu.core_type = #tpu.core_type<sc_vector_subcore>, window_params = [{transform_indices = #map}, {transform_indices = #map}, {transform_indices = #map1}, {transform_indices = #map1}, {transform_indices = #map}, {transform_indices = #map}]} {
    %scan3A = arith.constant 0 : i32
    %scan3A_0 = arith.constant 0 : i32
    %scan3A_1 = arith.constant 128 : i32
    %scan3A_2 = arith.addi %scan3A_0, %scan3A_1 : i32
    %scan3A_3 = arith.constant 1 : i32
    %scan3A_4 = scf.for %scan3A_71 = %scan3A_0 to %scan3A_2 step %scan3A_3 iter_args(%scan3A_72 = %scan3A) -> (i32)  : i32 {
      %broadcast_in_dim3A = arith.constant 0.000000e+00 : f32
      %broadcast_in_dim3A_73 = vector.broadcast %broadcast_in_dim3A : f32 to vector<16xf32>
      %swap3A = arith.index_cast %scan3A_71 : i32 to index
      %swap3A_74 = arith.constant 0 : index
      %swap3A_75 = tpu.vector_load %arg10[%swap3A, %swap3A_74] {strides = array<i32>} : memref<128x64xf32, #tpu.memory_space<vmem>>, vector<1x16xf32>,
      %swap3A_76 = vector.shape_cast %swap3A_75 : vector<1x16xf32> to vector<16xf32>
      %swap3A_77 = vector.shape_cast %broadcast_in_dim3A_73 : vector<16xf32> to vector<1x16xf32>
      tpu.vector_store %arg10[%swap3A, %swap3A_74], %swap3A_77 {strides = array<i32>} : memref<128x64xf32, #tpu.memory_space<vmem>>, vector<1x16xf32>,
      %broadcast_in_dim3A_78 = arith.constant 0.000000e+00 : f32
      %broadcast_in_dim3A_79 = vector.broadcast %broadcast_in_dim3A_78 : f32 to vector<16xf32>
      %swap3A_80 = arith.index_cast %scan3A_71 : i32 to index
      %swap3A_81 = arith.constant 16 : index
      %swap3A_82 = tpu.vector_load %arg10[%swap3A_80, %swap3A_81] {strides = array<i32>} : memref<128x64xf32, #tpu.memory_space<vmem>>, vector<1x16xf32>,
      %swap3A_83 = vector.shape_cast %swap3A_82 : vector<1x16xf32> to vector<16xf32>
      %swap3A_84 = vector.shape_cast %broadcast_in_dim3A_79 : vector<16xf32> to vector<1x16xf32>
      tpu.vector_store %arg10[%swap3A_80, %swap3A_81], %swap3A_84 {strides = array<i32>} : memref<128x64xf32, #tpu.memory_space<vmem>>, vector<1x16xf32>,
      %broadcast_in_dim3A_85 = arith.constant 0.000000e+00 : f32
      %broadcast_in_dim3A_86 = vector.broadcast %broadcast_in_dim3A_85 : f32 to vector<16xf32>
      %swap3A_87 = arith.index_cast %scan3A_71 : i32 to index
      %swap3A_88 = arith.constant 32 : index
      %swap3A_89 = tpu.vector_load %arg10[%swap3A_87, %swap3A_88] {strides = array<i32>} : memref<128x64xf32, #tpu.memory_space<vmem>>, vector<1x16xf32>,
      %swap3A_90 = vector.shape_cast %swap3A_89 : vector<1x16xf32> to vector<16xf32>
      %swap3A_91 = vector.shape_cast %broadcast_in_dim3A_86 : vector<16xf32> to vector<1x16xf32>
      tpu.vector_store %arg10[%swap3A_87, %swap3A_88], %swap3A_91 {strides = array<i32>} : memref<128x64xf32, #tpu.memory_space<vmem>>, vector<1x16xf32>,
      %broadcast_in_dim3A_92 = arith.constant 0.000000e+00 : f32
      %broadcast_in_dim3A_93 = vector.broadcast %broadcast_in_dim3A_92 : f32 to vector<16xf32>
      %swap3A_94 = arith.index_cast %scan3A_71 : i32 to index
      %swap3A_95 = arith.constant 48 : index
      %swap3A_96 = tpu.vector_load %arg10[%swap3A_94, %swap3A_95] {strides = array<i32>} : memref<128x64xf32, #tpu.memory_space<vmem>>, vector<1x16xf32>,
      %swap3A_97 = vector.shape_cast %swap3A_96 : vector<1x16xf32> to vector<16xf32>
      %swap3A_98 = vector.shape_cast %broadcast_in_dim3A_93 : vector<16xf32> to vector<1x16xf32>
      tpu.vector_store %arg10[%swap3A_94, %swap3A_95], %swap3A_98 {strides = array<i32>} : memref<128x64xf32, #tpu.memory_space<vmem>>, vector<1x16xf32>,
      %scan3A_99 = arith.constant 0 : i32
      scf.yield %scan3A_99 : i32
    }
    %scan3A_5 = arith.constant 128 : i32
    %mul3A = arith.constant 640 : i32
    %mul3A_6 = arith.muli %arg1, %mul3A : i32
    %add3A = arith.constant 0 : i32
    %add3A_7 = arith.addi %mul3A_6, %add3A : i32
    "tpu.region"() ({
      %run_scoped3A = tpu.sem_alloc : memref<!tpu.dma_semaphore, #tpu.memory_space<semaphore_mem>>
      %dma_start3A_71 = arith.constant 0 : i32
      %dma_start3A_72 = tpu.memref_slice %arg15[%add3A_7, %dma_start3A_71] : memref<10240x64xf32, #tpu.memory_space<vmem_shared>> -> memref<128x64xf32, #tpu.memory_space<vmem_shared>>
      %dma_start3A_73 = arith.constant 0 : i32
      %dma_start3A_74 = tpu.memref_slice %arg15[%add3A_7, %dma_start3A_73] : memref<10240x64xf32, #tpu.memory_space<vmem_shared>> -> memref<128x64xf32, #tpu.memory_space<vmem_shared>>
      tpu.enqueue_dma source(%arg10 : memref<128x64xf32, #tpu.memory_space<vmem>>) target(%dma_start3A_74 : memref<128x64xf32, #tpu.memory_space<vmem_shared>>) target_semaphore(%run_scoped3A : memref<!tpu.dma_semaphore, #tpu.memory_space<semaphore_mem>>)
      %dma_wait3A = arith.constant 0 : i32
      %dma_wait3A_75 = tpu.memref_slice %arg15[%add3A_7, %dma_wait3A] : memref<10240x64xf32, #tpu.memory_space<vmem_shared>> -> memref<128x64xf32, #tpu.memory_space<vmem_shared>>
      %dma_wait3A_76 = arith.constant 0 : i32
      %dma_wait3A_77 = tpu.memref_slice %arg15[%add3A_7, %dma_wait3A_76] : memref<10240x64xf32, #tpu.memory_space<vmem_shared>> -> memref<128x64xf32, #tpu.memory_space<vmem_shared>>
      tpu.wait_dma2 semaphore(%run_scoped3A : memref<!tpu.dma_semaphore, #tpu.memory_space<semaphore_mem>>) src(%arg10 : memref<128x64xf32, #tpu.memory_space<vmem>>) dst(%dma_wait3A_77 : memref<128x64xf32, #tpu.memory_space<vmem_shared>>)
      tpu.yield
    }) : () -> ()
    %mul3A_8 = arith.constant 640 : i32
    %mul3A_9 = arith.muli %arg1, %mul3A_8 : i32
    %add3A_10 = arith.constant 128 : i32
    %add3A_11 = arith.addi %mul3A_9, %add3A_10 : i32
    "tpu.region"() ({
      %run_scoped3A = tpu.sem_alloc : memref<!tpu.dma_semaphore, #tpu.memory_space<semaphore_mem>>
      %dma_start3A_71 = arith.constant 0 : i32
      %dma_start3A_72 = tpu.memref_slice %arg15[%add3A_11, %dma_start3A_71] : memref<10240x64xf32, #tpu.memory_space<vmem_shared>> -> memref<128x64xf32, #tpu.memory_space<vmem_shared>>
      %dma_start3A_73 = arith.constant 0 : i32
      %dma_start3A_74 = tpu.memref_slice %arg15[%add3A_11, %dma_start3A_73] : memref<10240x64xf32, #tpu.memory_space<vmem_shared>> -> memref<128x64xf32, #tpu.memory_space<vmem_shared>>
      tpu.enqueue_dma source(%arg10 : memref<128x64xf32, #tpu.memory_space<vmem>>) target(%dma_start3A_74 : memref<128x64xf32, #tpu.memory_space<vmem_shared>>) target_semaphore(%run_scoped3A : memref<!tpu.dma_semaphore, #tpu.memory_space<semaphore_mem>>)
      %dma_wait3A = arith.constant 0 : i32
      %dma_wait3A_75 = tpu.memref_slice %arg15[%add3A_11, %dma_wait3A] : memref<10240x64xf32, #tpu.memory_space<vmem_shared>> -> memref<128x64xf32, #tpu.memory_space<vmem_shared>>
      %dma_wait3A_76 = arith.constant 0 : i32
      %dma_wait3A_77 = tpu.memref_slice %arg15[%add3A_11, %dma_wait3A_76] : memref<10240x64xf32, #tpu.memory_space<vmem_shared>> -> memref<128x64xf32, #tpu.memory_space<vmem_shared>>
      tpu.wait_dma2 semaphore(%run_scoped3A : memref<!tpu.dma_semaphore, #tpu.memory_space<semaphore_mem>>) src(%arg10 : memref<128x64xf32, #tpu.memory_space<vmem>>) dst(%dma_wait3A_77 : memref<128x64xf32, #tpu.memory_space<vmem_shared>>)
      tpu.yield
    }) : () -> ()
    %mul3A_12 = arith.constant 640 : i32
    %mul3A_13 = arith.muli %arg1, %mul3A_12 : i32
    %add3A_14 = arith.constant 256 : i32
    %add3A_15 = arith.addi %mul3A_13, %add3A_14 : i32
    "tpu.region"() ({
      %run_scoped3A = tpu.sem_alloc : memref<!tpu.dma_semaphore, #tpu.memory_space<semaphore_mem>>
      %dma_start3A_71 = arith.constant 0 : i32
      %dma_start3A_72 = tpu.memref_slice %arg15[%add3A_15, %dma_start3A_71] : memref<10240x64xf32, #tpu.memory_space<vmem_shared>> -> memref<128x64xf32, #tpu.memory_space<vmem_shared>>
      %dma_start3A_73 = arith.constant 0 : i32
      %dma_start3A_74 = tpu.memref_slice %arg15[%add3A_15, %dma_start3A_73] : memref<10240x64xf32, #tpu.memory_space<vmem_shared>> -> memref<128x64xf32, #tpu.memory_space<vmem_shared>>
      tpu.enqueue_dma source(%arg10 : memref<128x64xf32, #tpu.memory_space<vmem>>) target(%dma_start3A_74 : memref<128x64xf32, #tpu.memory_space<vmem_shared>>) target_semaphore(%run_scoped3A : memref<!tpu.dma_semaphore, #tpu.memory_space<semaphore_mem>>)
      %dma_wait3A = arith.constant 0 : i32
      %dma_wait3A_75 = tpu.memref_slice %arg15[%add3A_15, %dma_wait3A] : memref<10240x64xf32, #tpu.memory_space<vmem_shared>> -> memref<128x64xf32, #tpu.memory_space<vmem_shared>>
      %dma_wait3A_76 = arith.constant 0 : i32
      %dma_wait3A_77 = tpu.memref_slice %arg15[%add3A_15, %dma_wait3A_76] : memref<10240x64xf32, #tpu.memory_space<vmem_shared>> -> memref<128x64xf32, #tpu.memory_space<vmem_shared>>
      tpu.wait_dma2 semaphore(%run_scoped3A : memref<!tpu.dma_semaphore, #tpu.memory_space<semaphore_mem>>) src(%arg10 : memref<128x64xf32, #tpu.memory_space<vmem>>) dst(%dma_wait3A_77 : memref<128x64xf32, #tpu.memory_space<vmem_shared>>)
      tpu.yield
    }) : () -> ()
    %mul3A_16 = arith.constant 640 : i32
    %mul3A_17 = arith.muli %arg1, %mul3A_16 : i32
    %add3A_18 = arith.constant 384 : i32
    %add3A_19 = arith.addi %mul3A_17, %add3A_18 : i32
    "tpu.region"() ({
      %run_scoped3A = tpu.sem_alloc : memref<!tpu.dma_semaphore, #tpu.memory_space<semaphore_mem>>
      %dma_start3A_71 = arith.constant 0 : i32
      %dma_start3A_72 = tpu.memref_slice %arg15[%add3A_19, %dma_start3A_71] : memref<10240x64xf32, #tpu.memory_space<vmem_shared>> -> memref<128x64xf32, #tpu.memory_space<vmem_shared>>
      %dma_start3A_73 = arith.constant 0 : i32
      %dma_start3A_74 = tpu.memref_slice %arg15[%add3A_19, %dma_start3A_73] : memref<10240x64xf32, #tpu.memory_space<vmem_shared>> -> memref<128x64xf32, #tpu.memory_space<vmem_shared>>
      tpu.enqueue_dma source(%arg10 : memref<128x64xf32, #tpu.memory_space<vmem>>) target(%dma_start3A_74 : memref<128x64xf32, #tpu.memory_space<vmem_shared>>) target_semaphore(%run_scoped3A : memref<!tpu.dma_semaphore, #tpu.memory_space<semaphore_mem>>)
      %dma_wait3A = arith.constant 0 : i32
      %dma_wait3A_75 = tpu.memref_slice %arg15[%add3A_19, %dma_wait3A] : memref<10240x64xf32, #tpu.memory_space<vmem_shared>> -> memref<128x64xf32, #tpu.memory_space<vmem_shared>>
      %dma_wait3A_76 = arith.constant 0 : i32
      %dma_wait3A_77 = tpu.memref_slice %arg15[%add3A_19, %dma_wait3A_76] : memref<10240x64xf32, #tpu.memory_space<vmem_shared>> -> memref<128x64xf32, #tpu.memory_space<vmem_shared>>
      tpu.wait_dma2 semaphore(%run_scoped3A : memref<!tpu.dma_semaphore, #tpu.memory_space<semaphore_mem>>) src(%arg10 : memref<128x64xf32, #tpu.memory_space<vmem>>) dst(%dma_wait3A_77 : memref<128x64xf32, #tpu.memory_space<vmem_shared>>)
      tpu.yield
    }) : () -> ()
    %mul3A_20 = arith.constant 640 : i32
    %mul3A_21 = arith.muli %arg1, %mul3A_20 : i32
    %add3A_22 = arith.constant 512 : i32
    %add3A_23 = arith.addi %mul3A_21, %add3A_22 : i32
    "tpu.region"() ({
      %run_scoped3A = tpu.sem_alloc : memref<!tpu.dma_semaphore, #tpu.memory_space<semaphore_mem>>
      %dma_start3A_71 = arith.constant 0 : i32
      %dma_start3A_72 = tpu.memref_slice %arg15[%add3A_23, %dma_start3A_71] : memref<10240x64xf32, #tpu.memory_space<vmem_shared>> -> memref<128x64xf32, #tpu.memory_space<vmem_shared>>
      %dma_start3A_73 = arith.constant 0 : i32
      %dma_start3A_74 = tpu.memref_slice %arg15[%add3A_23, %dma_start3A_73] : memref<10240x64xf32, #tpu.memory_space<vmem_shared>> -> memref<128x64xf32, #tpu.memory_space<vmem_shared>>
      tpu.enqueue_dma source(%arg10 : memref<128x64xf32, #tpu.memory_space<vmem>>) target(%dma_start3A_74 : memref<128x64xf32, #tpu.memory_space<vmem_shared>>) target_semaphore(%run_scoped3A : memref<!tpu.dma_semaphore, #tpu.memory_space<semaphore_mem>>)
      %dma_wait3A = arith.constant 0 : i32
      %dma_wait3A_75 = tpu.memref_slice %arg15[%add3A_23, %dma_wait3A] : memref<10240x64xf32, #tpu.memory_space<vmem_shared>> -> memref<128x64xf32, #tpu.memory_space<vmem_shared>>
      %dma_wait3A_76 = arith.constant 0 : i32
      %dma_wait3A_77 = tpu.memref_slice %arg15[%add3A_23, %dma_wait3A_76] : memref<10240x64xf32, #tpu.memory_space<vmem_shared>> -> memref<128x64xf32, #tpu.memory_space<vmem_shared>>
      tpu.wait_dma2 semaphore(%run_scoped3A : memref<!tpu.dma_semaphore, #tpu.memory_space<semaphore_mem>>) src(%arg10 : memref<128x64xf32, #tpu.memory_space<vmem>>) dst(%dma_wait3A_77 : memref<128x64xf32, #tpu.memory_space<vmem_shared>>)
      tpu.yield
    }) : () -> ()
    %mul3A_24 = arith.constant 640 : i32
    %mul3A_25 = arith.muli %arg1, %mul3A_24 : i32
    %eq3A = arith.constant 0 : i32
    %eq3A_26 = arith.cmpi eq, %arg0, %eq3A : i32
    %convert_element_type3A = arith.extui %eq3A_26 : i1 to i32
    %cond3A = arith.constant 0 : i32
    %cond3A_27 = arith.cmpi ne, %convert_element_type3A, %cond3A : i32
    scf.if %cond3A_27 {
      "tpu.region"() ({
        %run_scoped3A = tpu.sem_alloc : memref<!tpu.dma_semaphore, #tpu.memory_space<semaphore_mem>>
        %dma_start3A_71 = arith.constant 0 : i32
        %dma_start3A_72 = tpu.memref_slice %arg14[%mul3A_25, %dma_start3A_71] : memref<10240x64xf32, #tpu.memory_space<vmem_shared>> -> memref<640x64xf32, #tpu.memory_space<vmem_shared>>
        %dma_start3A_73 = arith.constant 0 : i32
        %dma_start3A_74 = tpu.memref_slice %arg2[%mul3A_25, %dma_start3A_73] : memref<10240x64xf32, #tpu.memory_space<hbm>> -> memref<640x64xf32, #tpu.memory_space<hbm>>
        tpu.enqueue_dma source(%dma_start3A_74 : memref<640x64xf32, #tpu.memory_space<hbm>>) target(%dma_start3A_72 : memref<640x64xf32, #tpu.memory_space<vmem_shared>>) target_semaphore(%run_scoped3A : memref<!tpu.dma_semaphore, #tpu.memory_space<semaphore_mem>>)
        %dma_wait3A = arith.constant 0 : i32
        %dma_wait3A_75 = tpu.memref_slice %arg14[%mul3A_25, %dma_wait3A] : memref<10240x64xf32, #tpu.memory_space<vmem_shared>> -> memref<640x64xf32, #tpu.memory_space<vmem_shared>>
        %dma_wait3A_76 = arith.constant 0 : i32
        %dma_wait3A_77 = tpu.memref_slice %arg2[%mul3A_25, %dma_wait3A_76] : memref<10240x64xf32, #tpu.memory_space<hbm>> -> memref<640x64xf32, #tpu.memory_space<hbm>>
        tpu.wait_dma2 semaphore(%run_scoped3A : memref<!tpu.dma_semaphore, #tpu.memory_space<semaphore_mem>>) src(%dma_wait3A_77 : memref<640x64xf32, #tpu.memory_space<hbm>>) dst(%dma_wait3A_75 : memref<640x64xf32, #tpu.memory_space<vmem_shared>>)
        tpu.yield
      }) : () -> ()
    } else {
    }
    %eq3A_28 = arith.constant 1 : i32
    %eq3A_29 = arith.cmpi eq, %arg0, %eq3A_28 : i32
    %convert_element_type3A_30 = arith.extui %eq3A_29 : i1 to i32
    %cond3A_31 = arith.constant 0 : i32
    %cond3A_32 = arith.cmpi ne, %convert_element_type3A_30, %cond3A_31 : i32
    scf.if %cond3A_32 {
      "tpu.region"() ({
        %run_scoped3A = tpu.sem_alloc : memref<!tpu.dma_semaphore, #tpu.memory_space<semaphore_mem>>
        %dma_start3A_71 = arith.constant 0 : i32
        %dma_start3A_72 = tpu.memref_slice %arg14[%mul3A_25, %dma_start3A_71] : memref<10240x64xf32, #tpu.memory_space<vmem_shared>> -> memref<640x64xf32, #tpu.memory_space<vmem_shared>>
        %dma_start3A_73 = arith.constant 0 : i32
        %dma_start3A_74 = tpu.memref_slice %arg3[%mul3A_25, %dma_start3A_73] : memref<10240x64xf32, #tpu.memory_space<hbm>> -> memref<640x64xf32, #tpu.memory_space<hbm>>
        tpu.enqueue_dma source(%dma_start3A_74 : memref<640x64xf32, #tpu.memory_space<hbm>>) target(%dma_start3A_72 : memref<640x64xf32, #tpu.memory_space<vmem_shared>>) target_semaphore(%run_scoped3A : memref<!tpu.dma_semaphore, #tpu.memory_space<semaphore_mem>>)
        %dma_wait3A = arith.constant 0 : i32
        %dma_wait3A_75 = tpu.memref_slice %arg14[%mul3A_25, %dma_wait3A] : memref<10240x64xf32, #tpu.memory_space<vmem_shared>> -> memref<640x64xf32, #tpu.memory_space<vmem_shared>>
        %dma_wait3A_76 = arith.constant 0 : i32
        %dma_wait3A_77 = tpu.memref_slice %arg3[%mul3A_25, %dma_wait3A_76] : memref<10240x64xf32, #tpu.memory_space<hbm>> -> memref<640x64xf32, #tpu.memory_space<hbm>>
        tpu.wait_dma2 semaphore(%run_scoped3A : memref<!tpu.dma_semaphore, #tpu.memory_space<semaphore_mem>>) src(%dma_wait3A_77 : memref<640x64xf32, #tpu.memory_space<hbm>>) dst(%dma_wait3A_75 : memref<640x64xf32, #tpu.memory_space<vmem_shared>>)
        tpu.yield
      }) : () -> ()
    } else {
    }
    %barrier3A = arith.constant 0 : index
    tpu.barrier barrier_id(%barrier3A)
    "tpu.region"() ({
      %run_scoped3A = tpu.sem_alloc : memref<!tpu.dma_semaphore, #tpu.memory_space<semaphore_mem>>
      %dma_start3A_71 = arith.constant 0 : i32
      %dma_start3A_72 = arith.constant 0 : i32
      %dma_start3A_73 = tpu.memref_slice %arg4[%arg1, %dma_start3A_71, %dma_start3A_72] : memref<16x160x128xi32, #tpu.memory_space<hbm>> -> memref<1x80x128xi32, #tpu.memory_space<hbm>>
      %dma_start3A_74 = tpu.memref_squeeze %dma_start3A_73 : memref<1x80x128xi32, #tpu.memory_space<hbm>> -> memref<80x128xi32, #tpu.memory_space<hbm>>
      %dma_start3A_75 = arith.constant 0 : i32
      %dma_start3A_76 = arith.constant 0 : i32
      %dma_start3A_77 = tpu.memref_slice %arg4[%arg1, %dma_start3A_75, %dma_start3A_76] : memref<16x160x128xi32, #tpu.memory_space<hbm>> -> memref<1x80x128xi32, #tpu.memory_space<hbm>>
      %dma_start3A_78 = tpu.memref_squeeze %dma_start3A_77 : memref<1x80x128xi32, #tpu.memory_space<hbm>> -> memref<80x128xi32, #tpu.memory_space<hbm>>
      tpu.enqueue_dma source(%dma_start3A_78 : memref<80x128xi32, #tpu.memory_space<hbm>>) target(%arg8 : memref<80x128xi32, #tpu.memory_space<vmem>>) target_semaphore(%run_scoped3A : memref<!tpu.dma_semaphore, #tpu.memory_space<semaphore_mem>>)
      %dma_wait3A = arith.constant 0 : i32
      %dma_wait3A_79 = arith.constant 0 : i32
      %dma_wait3A_80 = tpu.memref_slice %arg4[%arg1, %dma_wait3A, %dma_wait3A_79] : memref<16x160x128xi32, #tpu.memory_space<hbm>> -> memref<1x80x128xi32, #tpu.memory_space<hbm>>
      %dma_wait3A_81 = tpu.memref_squeeze %dma_wait3A_80 : memref<1x80x128xi32, #tpu.memory_space<hbm>> -> memref<80x128xi32, #tpu.memory_space<hbm>>
      %dma_wait3A_82 = arith.constant 0 : i32
      %dma_wait3A_83 = arith.constant 0 : i32
      %dma_wait3A_84 = tpu.memref_slice %arg4[%arg1, %dma_wait3A_82, %dma_wait3A_83] : memref<16x160x128xi32, #tpu.memory_space<hbm>> -> memref<1x80x128xi32, #tpu.memory_space<hbm>>
      %dma_wait3A_85 = tpu.memref_squeeze %dma_wait3A_84 : memref<1x80x128xi32, #tpu.memory_space<hbm>> -> memref<80x128xi32, #tpu.memory_space<hbm>>
      tpu.wait_dma2 semaphore(%run_scoped3A : memref<!tpu.dma_semaphore, #tpu.memory_space<semaphore_mem>>) src(%dma_wait3A_85 : memref<80x128xi32, #tpu.memory_space<hbm>>) dst(%arg8 : memref<80x128xi32, #tpu.memory_space<vmem>>)
      tpu.yield
    }) : () -> ()
    "tpu.region"() ({
      %run_scoped3A = tpu.sem_alloc : memref<!tpu.dma_semaphore, #tpu.memory_space<semaphore_mem>>
      %dma_start3A_71 = arith.constant 0 : i32
      %dma_start3A_72 = arith.constant 0 : i32
      %dma_start3A_73 = tpu.memref_slice %arg5[%arg1, %dma_start3A_71, %dma_start3A_72] : memref<16x160x128xi32, #tpu.memory_space<hbm>> -> memref<1x80x128xi32, #tpu.memory_space<hbm>>
      %dma_start3A_74 = tpu.memref_squeeze %dma_start3A_73 : memref<1x80x128xi32, #tpu.memory_space<hbm>> -> memref<80x128xi32, #tpu.memory_space<hbm>>
      %dma_start3A_75 = arith.constant 0 : i32
      %dma_start3A_76 = arith.constant 0 : i32
      %dma_start3A_77 = tpu.memref_slice %arg5[%arg1, %dma_start3A_75, %dma_start3A_76] : memref<16x160x128xi32, #tpu.memory_space<hbm>> -> memref<1x80x128xi32, #tpu.memory_space<hbm>>
      %dma_start3A_78 = tpu.memref_squeeze %dma_start3A_77 : memref<1x80x128xi32, #tpu.memory_space<hbm>> -> memref<80x128xi32, #tpu.memory_space<hbm>>
      tpu.enqueue_dma source(%dma_start3A_78 : memref<80x128xi32, #tpu.memory_space<hbm>>) target(%arg9 : memref<80x128xi32, #tpu.memory_space<vmem>>) target_semaphore(%run_scoped3A : memref<!tpu.dma_semaphore, #tpu.memory_space<semaphore_mem>>)
      %dma_wait3A = arith.constant 0 : i32
      %dma_wait3A_79 = arith.constant 0 : i32
      %dma_wait3A_80 = tpu.memref_slice %arg5[%arg1, %dma_wait3A, %dma_wait3A_79] : memref<16x160x128xi32, #tpu.memory_space<hbm>> -> memref<1x80x128xi32, #tpu.memory_space<hbm>>
      %dma_wait3A_81 = tpu.memref_squeeze %dma_wait3A_80 : memref<1x80x128xi32, #tpu.memory_space<hbm>> -> memref<80x128xi32, #tpu.memory_space<hbm>>
      %dma_wait3A_82 = arith.constant 0 : i32
      %dma_wait3A_83 = arith.constant 0 : i32
      %dma_wait3A_84 = tpu.memref_slice %arg5[%arg1, %dma_wait3A_82, %dma_wait3A_83] : memref<16x160x128xi32, #tpu.memory_space<hbm>> -> memref<1x80x128xi32, #tpu.memory_space<hbm>>
      %dma_wait3A_85 = tpu.memref_squeeze %dma_wait3A_84 : memref<1x80x128xi32, #tpu.memory_space<hbm>> -> memref<80x128xi32, #tpu.memory_space<hbm>>
      tpu.wait_dma2 semaphore(%run_scoped3A : memref<!tpu.dma_semaphore, #tpu.memory_space<semaphore_mem>>) src(%dma_wait3A_85 : memref<80x128xi32, #tpu.memory_space<hbm>>) dst(%arg9 : memref<80x128xi32, #tpu.memory_space<vmem>>)
      tpu.yield
    }) : () -> ()
    %dma_start3A = arith.constant 0 : i32
    %dma_start3A_33 = arith.constant 0 : i32
    %dma_start3A_34 = tpu.memref_slice %arg8[%dma_start3A, %dma_start3A_33] : memref<80x128xi32, #tpu.memory_space<vmem>> -> memref<1x128xi32, #tpu.memory_space<vmem>>
    %dma_start3A_35 = tpu.memref_squeeze %dma_start3A_34 : memref<1x128xi32, #tpu.memory_space<vmem>> -> memref<128xi32, #tpu.memory_space<vmem>>
    %dma_start3A_36 = arith.constant 0 : i32
    %dma_start3A_37 = arith.constant 0 : i32
    %dma_start3A_38 = tpu.memref_slice %arg14[%dma_start3A_36, %dma_start3A_37] : memref<10240x64xf32, #tpu.memory_space<vmem_shared>> -> memref<10240x64xf32, #tpu.memory_space<vmem_shared>>
    tpu.enqueue_indirect_dma source(%dma_start3A_38 : memref<10240x64xf32, #tpu.memory_space<vmem_shared>>) target(%arg10 : memref<128x64xf32, #tpu.memory_space<vmem>>) offsets(%dma_start3A_35 : memref<128xi32, #tpu.memory_space<vmem>>) semaphore(%arg12 : memref<!tpu.dma_semaphore, #tpu.memory_space<semaphore_mem>>)
    %scan3A_39 = arith.constant 0 : i32
    %scan3A_40 = arith.constant 0 : i32
    %scan3A_41 = arith.constant 40 : i32
    %scan3A_42 = arith.addi %scan3A_40, %scan3A_41 : i32
    %scan3A_43 = arith.constant 1 : i32
    %scan3A_44 = scf.for %scan3A_71 = %scan3A_40 to %scan3A_42 step %scan3A_43 iter_args(%scan3A_72 = %scan3A_39) -> (i32)  : i32 {
      %mul3A_73 = arith.constant 2 : i32
      %mul3A_74 = arith.muli %scan3A_71, %mul3A_73 : i32
      %dma_wait3A = arith.constant 0 : i32
      %dma_wait3A_75 = tpu.memref_slice %arg8[%mul3A_74, %dma_wait3A] : memref<80x128xi32, #tpu.memory_space<vmem>> -> memref<1x128xi32, #tpu.memory_space<vmem>>
      %dma_wait3A_76 = tpu.memref_squeeze %dma_wait3A_75 : memref<1x128xi32, #tpu.memory_space<vmem>> -> memref<128xi32, #tpu.memory_space<vmem>>
      %dma_wait3A_77 = arith.constant 0 : i32
      %dma_wait3A_78 = arith.constant 0 : i32
      %dma_wait3A_79 = tpu.memref_slice %arg14[%dma_wait3A_77, %dma_wait3A_78] : memref<10240x64xf32, #tpu.memory_space<vmem_shared>> -> memref<10240x64xf32, #tpu.memory_space<vmem_shared>>
      tpu.wait_indirect_dma semaphore(%arg12 : memref<!tpu.dma_semaphore, #tpu.memory_space<semaphore_mem>>) src(%dma_wait3A_79 : memref<10240x64xf32, #tpu.memory_space<vmem_shared>>) dst(%arg10 : memref<128x64xf32, #tpu.memory_space<vmem>>)
      %add3A_80 = arith.constant 1 : i32
      %add3A_81 = arith.addi %mul3A_74, %add3A_80 : i32
      %dma_start3A_82 = arith.constant 0 : i32
      %dma_start3A_83 = tpu.memref_slice %arg8[%add3A_81, %dma_start3A_82] : memref<80x128xi32, #tpu.memory_space<vmem>> -> memref<1x128xi32, #tpu.memory_space<vmem>>
      %dma_start3A_84 = tpu.memref_squeeze %dma_start3A_83 : memref<1x128xi32, #tpu.memory_space<vmem>> -> memref<128xi32, #tpu.memory_space<vmem>>
      %dma_start3A_85 = arith.constant 0 : i32
      %dma_start3A_86 = arith.constant 0 : i32
      %dma_start3A_87 = tpu.memref_slice %arg14[%dma_start3A_85, %dma_start3A_86] : memref<10240x64xf32, #tpu.memory_space<vmem_shared>> -> memref<10240x64xf32, #tpu.memory_space<vmem_shared>>
      tpu.enqueue_indirect_dma source(%dma_start3A_87 : memref<10240x64xf32, #tpu.memory_space<vmem_shared>>) target(%arg11 : memref<128x64xf32, #tpu.memory_space<vmem>>) offsets(%dma_start3A_84 : memref<128xi32, #tpu.memory_space<vmem>>) semaphore(%arg13 : memref<!tpu.dma_semaphore, #tpu.memory_space<semaphore_mem>>)
      "tpu.region"() ({
        %run_scoped3A = tpu.sem_alloc : memref<!tpu.dma_semaphore, #tpu.memory_space<semaphore_mem>>
        %dma_start3A_105 = arith.constant 0 : i32
        %dma_start3A_106 = tpu.memref_slice %arg9[%mul3A_74, %dma_start3A_105] : memref<80x128xi32, #tpu.memory_space<vmem>> -> memref<1x128xi32, #tpu.memory_space<vmem>>
        %dma_start3A_107 = tpu.memref_squeeze %dma_start3A_106 : memref<1x128xi32, #tpu.memory_space<vmem>> -> memref<128xi32, #tpu.memory_space<vmem>>
        %dma_start3A_108 = arith.constant 0 : i32
        %dma_start3A_109 = arith.constant 0 : i32
        %dma_start3A_110 = tpu.memref_slice %arg15[%dma_start3A_108, %dma_start3A_109] : memref<10240x64xf32, #tpu.memory_space<vmem_shared>> -> memref<10240x64xf32, #tpu.memory_space<vmem_shared>>
        tpu.enqueue_indirect_dma source(%arg10 : memref<128x64xf32, #tpu.memory_space<vmem>>) target(%dma_start3A_110 : memref<10240x64xf32, #tpu.memory_space<vmem_shared>>) offsets(%dma_start3A_107 : memref<128xi32, #tpu.memory_space<vmem>>) semaphore(%run_scoped3A : memref<!tpu.dma_semaphore, #tpu.memory_space<semaphore_mem>>) {add = true}
        %dma_wait3A_111 = arith.constant 0 : i32
        %dma_wait3A_112 = tpu.memref_slice %arg9[%mul3A_74, %dma_wait3A_111] : memref<80x128xi32, #tpu.memory_space<vmem>> -> memref<1x128xi32, #tpu.memory_space<vmem>>
        %dma_wait3A_113 = tpu.memref_squeeze %dma_wait3A_112 : memref<1x128xi32, #tpu.memory_space<vmem>> -> memref<128xi32, #tpu.memory_space<vmem>>
        %dma_wait3A_114 = arith.constant 0 : i32
        %dma_wait3A_115 = arith.constant 0 : i32
        %dma_wait3A_116 = tpu.memref_slice %arg15[%dma_wait3A_114, %dma_wait3A_115] : memref<10240x64xf32, #tpu.memory_space<vmem_shared>> -> memref<10240x64xf32, #tpu.memory_space<vmem_shared>>
        tpu.wait_indirect_dma semaphore(%run_scoped3A : memref<!tpu.dma_semaphore, #tpu.memory_space<semaphore_mem>>) src(%arg10 : memref<128x64xf32, #tpu.memory_space<vmem>>) dst(%dma_wait3A_116 : memref<10240x64xf32, #tpu.memory_space<vmem_shared>>)
        tpu.yield
      }) : () -> ()
      %add3A_88 = arith.constant 1 : i32
      %add3A_89 = arith.addi %mul3A_74, %add3A_88 : i32
      %dma_wait3A_90 = arith.constant 0 : i32
      %dma_wait3A_91 = tpu.memref_slice %arg8[%add3A_89, %dma_wait3A_90] : memref<80x128xi32, #tpu.memory_space<vmem>> -> memref<1x128xi32, #tpu.memory_space<vmem>>
      %dma_wait3A_92 = tpu.memref_squeeze %dma_wait3A_91 : memref<1x128xi32, #tpu.memory_space<vmem>> -> memref<128xi32, #tpu.memory_space<vmem>>
      %dma_wait3A_93 = arith.constant 0 : i32
      %dma_wait3A_94 = arith.constant 0 : i32
      %dma_wait3A_95 = tpu.memref_slice %arg14[%dma_wait3A_93, %dma_wait3A_94] : memref<10240x64xf32, #tpu.memory_space<vmem_shared>> -> memref<10240x64xf32, #tpu.memory_space<vmem_shared>>
      tpu.wait_indirect_dma semaphore(%arg13 : memref<!tpu.dma_semaphore, #tpu.memory_space<semaphore_mem>>) src(%dma_wait3A_95 : memref<10240x64xf32, #tpu.memory_space<vmem_shared>>) dst(%arg11 : memref<128x64xf32, #tpu.memory_space<vmem>>)
      %add3A_96 = arith.constant 2 : i32
      %add3A_97 = arith.addi %mul3A_74, %add3A_96 : i32
      %lt3A = arith.constant 80 : i32
      %lt3A_98 = arith.cmpi slt, %add3A_97, %lt3A : i32
      %convert_element_type3A_99 = arith.extui %lt3A_98 : i1 to i32
      %cond3A_100 = arith.constant 0 : i32
      %cond3A_101 = arith.cmpi ne, %convert_element_type3A_99, %cond3A_100 : i32
      scf.if %cond3A_101 {
        %add3A_105 = arith.constant 2 : i32
        %add3A_106 = arith.addi %mul3A_74, %add3A_105 : i32
        %dma_start3A_107 = arith.constant 0 : i32
        %dma_start3A_108 = tpu.memref_slice %arg8[%add3A_106, %dma_start3A_107] : memref<80x128xi32, #tpu.memory_space<vmem>> -> memref<1x128xi32, #tpu.memory_space<vmem>>
        %dma_start3A_109 = tpu.memref_squeeze %dma_start3A_108 : memref<1x128xi32, #tpu.memory_space<vmem>> -> memref<128xi32, #tpu.memory_space<vmem>>
        %dma_start3A_110 = arith.constant 0 : i32
        %dma_start3A_111 = arith.constant 0 : i32
        %dma_start3A_112 = tpu.memref_slice %arg14[%dma_start3A_110, %dma_start3A_111] : memref<10240x64xf32, #tpu.memory_space<vmem_shared>> -> memref<10240x64xf32, #tpu.memory_space<vmem_shared>>
        tpu.enqueue_indirect_dma source(%dma_start3A_112 : memref<10240x64xf32, #tpu.memory_space<vmem_shared>>) target(%arg10 : memref<128x64xf32, #tpu.memory_space<vmem>>) offsets(%dma_start3A_109 : memref<128xi32, #tpu.memory_space<vmem>>) semaphore(%arg12 : memref<!tpu.dma_semaphore, #tpu.memory_space<semaphore_mem>>)
      } else {
      }
      %add3A_102 = arith.constant 1 : i32
      %add3A_103 = arith.addi %mul3A_74, %add3A_102 : i32
      "tpu.region"() ({
        %run_scoped3A = tpu.sem_alloc : memref<!tpu.dma_semaphore, #tpu.memory_space<semaphore_mem>>
        %dma_start3A_105 = arith.constant 0 : i32
        %dma_start3A_106 = tpu.memref_slice %arg9[%add3A_103, %dma_start3A_105] : memref<80x128xi32, #tpu.memory_space<vmem>> -> memref<1x128xi32, #tpu.memory_space<vmem>>
        %dma_start3A_107 = tpu.memref_squeeze %dma_start3A_106 : memref<1x128xi32, #tpu.memory_space<vmem>> -> memref<128xi32, #tpu.memory_space<vmem>>
        %dma_start3A_108 = arith.constant 0 : i32
        %dma_start3A_109 = arith.constant 0 : i32
        %dma_start3A_110 = tpu.memref_slice %arg15[%dma_start3A_108, %dma_start3A_109] : memref<10240x64xf32, #tpu.memory_space<vmem_shared>> -> memref<10240x64xf32, #tpu.memory_space<vmem_shared>>
        tpu.enqueue_indirect_dma source(%arg11 : memref<128x64xf32, #tpu.memory_space<vmem>>) target(%dma_start3A_110 : memref<10240x64xf32, #tpu.memory_space<vmem_shared>>) offsets(%dma_start3A_107 : memref<128xi32, #tpu.memory_space<vmem>>) semaphore(%run_scoped3A : memref<!tpu.dma_semaphore, #tpu.memory_space<semaphore_mem>>) {add = true}
        %dma_wait3A_111 = arith.constant 0 : i32
        %dma_wait3A_112 = tpu.memref_slice %arg9[%add3A_103, %dma_wait3A_111] : memref<80x128xi32, #tpu.memory_space<vmem>> -> memref<1x128xi32, #tpu.memory_space<vmem>>
        %dma_wait3A_113 = tpu.memref_squeeze %dma_wait3A_112 : memref<1x128xi32, #tpu.memory_space<vmem>> -> memref<128xi32, #tpu.memory_space<vmem>>
        %dma_wait3A_114 = arith.constant 0 : i32
        %dma_wait3A_115 = arith.constant 0 : i32
        %dma_wait3A_116 = tpu.memref_slice %arg15[%dma_wait3A_114, %dma_wait3A_115] : memref<10240x64xf32, #tpu.memory_space<vmem_shared>> -> memref<10240x64xf32, #tpu.memory_space<vmem_shared>>
        tpu.wait_indirect_dma semaphore(%run_scoped3A : memref<!tpu.dma_semaphore, #tpu.memory_space<semaphore_mem>>) src(%arg11 : memref<128x64xf32, #tpu.memory_space<vmem>>) dst(%dma_wait3A_116 : memref<10240x64xf32, #tpu.memory_space<vmem_shared>>)
        tpu.yield
      }) : () -> ()
      %scan3A_104 = arith.constant 0 : i32
      scf.yield %scan3A_104 : i32
    }
    %scan3A_45 = arith.constant 40 : i32
    "tpu.region"() ({
      %run_scoped3A = tpu.sem_alloc : memref<!tpu.dma_semaphore, #tpu.memory_space<semaphore_mem>>
      %dma_start3A_71 = arith.constant 80 : i32
      %dma_start3A_72 = arith.constant 0 : i32
      %dma_start3A_73 = tpu.memref_slice %arg4[%arg1, %dma_start3A_71, %dma_start3A_72] : memref<16x160x128xi32, #tpu.memory_space<hbm>> -> memref<1x80x128xi32, #tpu.memory_space<hbm>>
      %dma_start3A_74 = tpu.memref_squeeze %dma_start3A_73 : memref<1x80x128xi32, #tpu.memory_space<hbm>> -> memref<80x128xi32, #tpu.memory_space<hbm>>
      %dma_start3A_75 = arith.constant 80 : i32
      %dma_start3A_76 = arith.constant 0 : i32
      %dma_start3A_77 = tpu.memref_slice %arg4[%arg1, %dma_start3A_75, %dma_start3A_76] : memref<16x160x128xi32, #tpu.memory_space<hbm>> -> memref<1x80x128xi32, #tpu.memory_space<hbm>>
      %dma_start3A_78 = tpu.memref_squeeze %dma_start3A_77 : memref<1x80x128xi32, #tpu.memory_space<hbm>> -> memref<80x128xi32, #tpu.memory_space<hbm>>
      tpu.enqueue_dma source(%dma_start3A_78 : memref<80x128xi32, #tpu.memory_space<hbm>>) target(%arg8 : memref<80x128xi32, #tpu.memory_space<vmem>>) target_semaphore(%run_scoped3A : memref<!tpu.dma_semaphore, #tpu.memory_space<semaphore_mem>>)
      %dma_wait3A = arith.constant 80 : i32
      %dma_wait3A_79 = arith.constant 0 : i32
      %dma_wait3A_80 = tpu.memref_slice %arg4[%arg1, %dma_wait3A, %dma_wait3A_79] : memref<16x160x128xi32, #tpu.memory_space<hbm>> -> memref<1x80x128xi32, #tpu.memory_space<hbm>>
      %dma_wait3A_81 = tpu.memref_squeeze %dma_wait3A_80 : memref<1x80x128xi32, #tpu.memory_space<hbm>> -> memref<80x128xi32, #tpu.memory_space<hbm>>
      %dma_wait3A_82 = arith.constant 80 : i32
      %dma_wait3A_83 = arith.constant 0 : i32
      %dma_wait3A_84 = tpu.memref_slice %arg4[%arg1, %dma_wait3A_82, %dma_wait3A_83] : memref<16x160x128xi32, #tpu.memory_space<hbm>> -> memref<1x80x128xi32, #tpu.memory_space<hbm>>
      %dma_wait3A_85 = tpu.memref_squeeze %dma_wait3A_84 : memref<1x80x128xi32, #tpu.memory_space<hbm>> -> memref<80x128xi32, #tpu.memory_space<hbm>>
      tpu.wait_dma2 semaphore(%run_scoped3A : memref<!tpu.dma_semaphore, #tpu.memory_space<semaphore_mem>>) src(%dma_wait3A_85 : memref<80x128xi32, #tpu.memory_space<hbm>>) dst(%arg8 : memref<80x128xi32, #tpu.memory_space<vmem>>)
      tpu.yield
    }) : () -> ()
    "tpu.region"() ({
      %run_scoped3A = tpu.sem_alloc : memref<!tpu.dma_semaphore, #tpu.memory_space<semaphore_mem>>
      %dma_start3A_71 = arith.constant 80 : i32
      %dma_start3A_72 = arith.constant 0 : i32
      %dma_start3A_73 = tpu.memref_slice %arg5[%arg1, %dma_start3A_71, %dma_start3A_72] : memref<16x160x128xi32, #tpu.memory_space<hbm>> -> memref<1x80x128xi32, #tpu.memory_space<hbm>>
      %dma_start3A_74 = tpu.memref_squeeze %dma_start3A_73 : memref<1x80x128xi32, #tpu.memory_space<hbm>> -> memref<80x128xi32, #tpu.memory_space<hbm>>
      %dma_start3A_75 = arith.constant 80 : i32
      %dma_start3A_76 = arith.constant 0 : i32
      %dma_start3A_77 = tpu.memref_slice %arg5[%arg1, %dma_start3A_75, %dma_start3A_76] : memref<16x160x128xi32, #tpu.memory_space<hbm>> -> memref<1x80x128xi32, #tpu.memory_space<hbm>>
      %dma_start3A_78 = tpu.memref_squeeze %dma_start3A_77 : memref<1x80x128xi32, #tpu.memory_space<hbm>> -> memref<80x128xi32, #tpu.memory_space<hbm>>
      tpu.enqueue_dma source(%dma_start3A_78 : memref<80x128xi32, #tpu.memory_space<hbm>>) target(%arg9 : memref<80x128xi32, #tpu.memory_space<vmem>>) target_semaphore(%run_scoped3A : memref<!tpu.dma_semaphore, #tpu.memory_space<semaphore_mem>>)
      %dma_wait3A = arith.constant 80 : i32
      %dma_wait3A_79 = arith.constant 0 : i32
      %dma_wait3A_80 = tpu.memref_slice %arg5[%arg1, %dma_wait3A, %dma_wait3A_79] : memref<16x160x128xi32, #tpu.memory_space<hbm>> -> memref<1x80x128xi32, #tpu.memory_space<hbm>>
      %dma_wait3A_81 = tpu.memref_squeeze %dma_wait3A_80 : memref<1x80x128xi32, #tpu.memory_space<hbm>> -> memref<80x128xi32, #tpu.memory_space<hbm>>
      %dma_wait3A_82 = arith.constant 80 : i32
      %dma_wait3A_83 = arith.constant 0 : i32
      %dma_wait3A_84 = tpu.memref_slice %arg5[%arg1, %dma_wait3A_82, %dma_wait3A_83] : memref<16x160x128xi32, #tpu.memory_space<hbm>> -> memref<1x80x128xi32, #tpu.memory_space<hbm>>
      %dma_wait3A_85 = tpu.memref_squeeze %dma_wait3A_84 : memref<1x80x128xi32, #tpu.memory_space<hbm>> -> memref<80x128xi32, #tpu.memory_space<hbm>>
      tpu.wait_dma2 semaphore(%run_scoped3A : memref<!tpu.dma_semaphore, #tpu.memory_space<semaphore_mem>>) src(%dma_wait3A_85 : memref<80x128xi32, #tpu.memory_space<hbm>>) dst(%arg9 : memref<80x128xi32, #tpu.memory_space<vmem>>)
      tpu.yield
    }) : () -> ()
    %dma_start3A_46 = arith.constant 0 : i32
    %dma_start3A_47 = arith.constant 0 : i32
    %dma_start3A_48 = tpu.memref_slice %arg8[%dma_start3A_46, %dma_start3A_47] : memref<80x128xi32, #tpu.memory_space<vmem>> -> memref<1x128xi32, #tpu.memory_space<vmem>>
    %dma_start3A_49 = tpu.memref_squeeze %dma_start3A_48 : memref<1x128xi32, #tpu.memory_space<vmem>> -> memref<128xi32, #tpu.memory_space<vmem>>
    %dma_start3A_50 = arith.constant 0 : i32
    %dma_start3A_51 = arith.constant 0 : i32
    %dma_start3A_52 = tpu.memref_slice %arg14[%dma_start3A_50, %dma_start3A_51] : memref<10240x64xf32, #tpu.memory_space<vmem_shared>> -> memref<10240x64xf32, #tpu.memory_space<vmem_shared>>
    tpu.enqueue_indirect_dma source(%dma_start3A_52 : memref<10240x64xf32, #tpu.memory_space<vmem_shared>>) target(%arg10 : memref<128x64xf32, #tpu.memory_space<vmem>>) offsets(%dma_start3A_49 : memref<128xi32, #tpu.memory_space<vmem>>) semaphore(%arg12 : memref<!tpu.dma_semaphore, #tpu.memory_space<semaphore_mem>>)
    %scan3A_53 = arith.constant 0 : i32
    %scan3A_54 = arith.constant 0 : i32
    %scan3A_55 = arith.constant 40 : i32
    %scan3A_56 = arith.addi %scan3A_54, %scan3A_55 : i32
    %scan3A_57 = arith.constant 1 : i32
    %scan3A_58 = scf.for %scan3A_71 = %scan3A_54 to %scan3A_56 step %scan3A_57 iter_args(%scan3A_72 = %scan3A_53) -> (i32)  : i32 {
      %mul3A_73 = arith.constant 2 : i32
      %mul3A_74 = arith.muli %scan3A_71, %mul3A_73 : i32
      %dma_wait3A = arith.constant 0 : i32
      %dma_wait3A_75 = tpu.memref_slice %arg8[%mul3A_74, %dma_wait3A] : memref<80x128xi32, #tpu.memory_space<vmem>> -> memref<1x128xi32, #tpu.memory_space<vmem>>
      %dma_wait3A_76 = tpu.memref_squeeze %dma_wait3A_75 : memref<1x128xi32, #tpu.memory_space<vmem>> -> memref<128xi32, #tpu.memory_space<vmem>>
      %dma_wait3A_77 = arith.constant 0 : i32
      %dma_wait3A_78 = arith.constant 0 : i32
      %dma_wait3A_79 = tpu.memref_slice %arg14[%dma_wait3A_77, %dma_wait3A_78] : memref<10240x64xf32, #tpu.memory_space<vmem_shared>> -> memref<10240x64xf32, #tpu.memory_space<vmem_shared>>
      tpu.wait_indirect_dma semaphore(%arg12 : memref<!tpu.dma_semaphore, #tpu.memory_space<semaphore_mem>>) src(%dma_wait3A_79 : memref<10240x64xf32, #tpu.memory_space<vmem_shared>>) dst(%arg10 : memref<128x64xf32, #tpu.memory_space<vmem>>)
      %add3A_80 = arith.constant 1 : i32
      %add3A_81 = arith.addi %mul3A_74, %add3A_80 : i32
      %dma_start3A_82 = arith.constant 0 : i32
      %dma_start3A_83 = tpu.memref_slice %arg8[%add3A_81, %dma_start3A_82] : memref<80x128xi32, #tpu.memory_space<vmem>> -> memref<1x128xi32, #tpu.memory_space<vmem>>
      %dma_start3A_84 = tpu.memref_squeeze %dma_start3A_83 : memref<1x128xi32, #tpu.memory_space<vmem>> -> memref<128xi32, #tpu.memory_space<vmem>>
      %dma_start3A_85 = arith.constant 0 : i32
      %dma_start3A_86 = arith.constant 0 : i32
      %dma_start3A_87 = tpu.memref_slice %arg14[%dma_start3A_85, %dma_start3A_86] : memref<10240x64xf32, #tpu.memory_space<vmem_shared>> -> memref<10240x64xf32, #tpu.memory_space<vmem_shared>>
      tpu.enqueue_indirect_dma source(%dma_start3A_87 : memref<10240x64xf32, #tpu.memory_space<vmem_shared>>) target(%arg11 : memref<128x64xf32, #tpu.memory_space<vmem>>) offsets(%dma_start3A_84 : memref<128xi32, #tpu.memory_space<vmem>>) semaphore(%arg13 : memref<!tpu.dma_semaphore, #tpu.memory_space<semaphore_mem>>)
      "tpu.region"() ({
        %run_scoped3A = tpu.sem_alloc : memref<!tpu.dma_semaphore, #tpu.memory_space<semaphore_mem>>
        %dma_start3A_105 = arith.constant 0 : i32
        %dma_start3A_106 = tpu.memref_slice %arg9[%mul3A_74, %dma_start3A_105] : memref<80x128xi32, #tpu.memory_space<vmem>> -> memref<1x128xi32, #tpu.memory_space<vmem>>
        %dma_start3A_107 = tpu.memref_squeeze %dma_start3A_106 : memref<1x128xi32, #tpu.memory_space<vmem>> -> memref<128xi32, #tpu.memory_space<vmem>>
        %dma_start3A_108 = arith.constant 0 : i32
        %dma_start3A_109 = arith.constant 0 : i32
        %dma_start3A_110 = tpu.memref_slice %arg15[%dma_start3A_108, %dma_start3A_109] : memref<10240x64xf32, #tpu.memory_space<vmem_shared>> -> memref<10240x64xf32, #tpu.memory_space<vmem_shared>>
        tpu.enqueue_indirect_dma source(%arg10 : memref<128x64xf32, #tpu.memory_space<vmem>>) target(%dma_start3A_110 : memref<10240x64xf32, #tpu.memory_space<vmem_shared>>) offsets(%dma_start3A_107 : memref<128xi32, #tpu.memory_space<vmem>>) semaphore(%run_scoped3A : memref<!tpu.dma_semaphore, #tpu.memory_space<semaphore_mem>>) {add = true}
        %dma_wait3A_111 = arith.constant 0 : i32
        %dma_wait3A_112 = tpu.memref_slice %arg9[%mul3A_74, %dma_wait3A_111] : memref<80x128xi32, #tpu.memory_space<vmem>> -> memref<1x128xi32, #tpu.memory_space<vmem>>
        %dma_wait3A_113 = tpu.memref_squeeze %dma_wait3A_112 : memref<1x128xi32, #tpu.memory_space<vmem>> -> memref<128xi32, #tpu.memory_space<vmem>>
        %dma_wait3A_114 = arith.constant 0 : i32
        %dma_wait3A_115 = arith.constant 0 : i32
        %dma_wait3A_116 = tpu.memref_slice %arg15[%dma_wait3A_114, %dma_wait3A_115] : memref<10240x64xf32, #tpu.memory_space<vmem_shared>> -> memref<10240x64xf32, #tpu.memory_space<vmem_shared>>
        tpu.wait_indirect_dma semaphore(%run_scoped3A : memref<!tpu.dma_semaphore, #tpu.memory_space<semaphore_mem>>) src(%arg10 : memref<128x64xf32, #tpu.memory_space<vmem>>) dst(%dma_wait3A_116 : memref<10240x64xf32, #tpu.memory_space<vmem_shared>>)
        tpu.yield
      }) : () -> ()
      %add3A_88 = arith.constant 1 : i32
      %add3A_89 = arith.addi %mul3A_74, %add3A_88 : i32
      %dma_wait3A_90 = arith.constant 0 : i32
      %dma_wait3A_91 = tpu.memref_slice %arg8[%add3A_89, %dma_wait3A_90] : memref<80x128xi32, #tpu.memory_space<vmem>> -> memref<1x128xi32, #tpu.memory_space<vmem>>
      %dma_wait3A_92 = tpu.memref_squeeze %dma_wait3A_91 : memref<1x128xi32, #tpu.memory_space<vmem>> -> memref<128xi32, #tpu.memory_space<vmem>>
      %dma_wait3A_93 = arith.constant 0 : i32
      %dma_wait3A_94 = arith.constant 0 : i32
      %dma_wait3A_95 = tpu.memref_slice %arg14[%dma_wait3A_93, %dma_wait3A_94] : memref<10240x64xf32, #tpu.memory_space<vmem_shared>> -> memref<10240x64xf32, #tpu.memory_space<vmem_shared>>
      tpu.wait_indirect_dma semaphore(%arg13 : memref<!tpu.dma_semaphore, #tpu.memory_space<semaphore_mem>>) src(%dma_wait3A_95 : memref<10240x64xf32, #tpu.memory_space<vmem_shared>>) dst(%arg11 : memref<128x64xf32, #tpu.memory_space<vmem>>)
      %add3A_96 = arith.constant 2 : i32
      %add3A_97 = arith.addi %mul3A_74, %add3A_96 : i32
      %lt3A = arith.constant 80 : i32
      %lt3A_98 = arith.cmpi slt, %add3A_97, %lt3A : i32
      %convert_element_type3A_99 = arith.extui %lt3A_98 : i1 to i32
      %cond3A_100 = arith.constant 0 : i32
      %cond3A_101 = arith.cmpi ne, %convert_element_type3A_99, %cond3A_100 : i32
      scf.if %cond3A_101 {
        %add3A_105 = arith.constant 2 : i32
        %add3A_106 = arith.addi %mul3A_74, %add3A_105 : i32
        %dma_start3A_107 = arith.constant 0 : i32
        %dma_start3A_108 = tpu.memref_slice %arg8[%add3A_106, %dma_start3A_107] : memref<80x128xi32, #tpu.memory_space<vmem>> -> memref<1x128xi32, #tpu.memory_space<vmem>>
        %dma_start3A_109 = tpu.memref_squeeze %dma_start3A_108 : memref<1x128xi32, #tpu.memory_space<vmem>> -> memref<128xi32, #tpu.memory_space<vmem>>
        %dma_start3A_110 = arith.constant 0 : i32
        %dma_start3A_111 = arith.constant 0 : i32
        %dma_start3A_112 = tpu.memref_slice %arg14[%dma_start3A_110, %dma_start3A_111] : memref<10240x64xf32, #tpu.memory_space<vmem_shared>> -> memref<10240x64xf32, #tpu.memory_space<vmem_shared>>
        tpu.enqueue_indirect_dma source(%dma_start3A_112 : memref<10240x64xf32, #tpu.memory_space<vmem_shared>>) target(%arg10 : memref<128x64xf32, #tpu.memory_space<vmem>>) offsets(%dma_start3A_109 : memref<128xi32, #tpu.memory_space<vmem>>) semaphore(%arg12 : memref<!tpu.dma_semaphore, #tpu.memory_space<semaphore_mem>>)
      } else {
      }
      %add3A_102 = arith.constant 1 : i32
      %add3A_103 = arith.addi %mul3A_74, %add3A_102 : i32
      "tpu.region"() ({
        %run_scoped3A = tpu.sem_alloc : memref<!tpu.dma_semaphore, #tpu.memory_space<semaphore_mem>>
        %dma_start3A_105 = arith.constant 0 : i32
        %dma_start3A_106 = tpu.memref_slice %arg9[%add3A_103, %dma_start3A_105] : memref<80x128xi32, #tpu.memory_space<vmem>> -> memref<1x128xi32, #tpu.memory_space<vmem>>
        %dma_start3A_107 = tpu.memref_squeeze %dma_start3A_106 : memref<1x128xi32, #tpu.memory_space<vmem>> -> memref<128xi32, #tpu.memory_space<vmem>>
        %dma_start3A_108 = arith.constant 0 : i32
        %dma_start3A_109 = arith.constant 0 : i32
        %dma_start3A_110 = tpu.memref_slice %arg15[%dma_start3A_108, %dma_start3A_109] : memref<10240x64xf32, #tpu.memory_space<vmem_shared>> -> memref<10240x64xf32, #tpu.memory_space<vmem_shared>>
        tpu.enqueue_indirect_dma source(%arg11 : memref<128x64xf32, #tpu.memory_space<vmem>>) target(%dma_start3A_110 : memref<10240x64xf32, #tpu.memory_space<vmem_shared>>) offsets(%dma_start3A_107 : memref<128xi32, #tpu.memory_space<vmem>>) semaphore(%run_scoped3A : memref<!tpu.dma_semaphore, #tpu.memory_space<semaphore_mem>>) {add = true}
        %dma_wait3A_111 = arith.constant 0 : i32
        %dma_wait3A_112 = tpu.memref_slice %arg9[%add3A_103, %dma_wait3A_111] : memref<80x128xi32, #tpu.memory_space<vmem>> -> memref<1x128xi32, #tpu.memory_space<vmem>>
        %dma_wait3A_113 = tpu.memref_squeeze %dma_wait3A_112 : memref<1x128xi32, #tpu.memory_space<vmem>> -> memref<128xi32, #tpu.memory_space<vmem>>
        %dma_wait3A_114 = arith.constant 0 : i32
        %dma_wait3A_115 = arith.constant 0 : i32
        %dma_wait3A_116 = tpu.memref_slice %arg15[%dma_wait3A_114, %dma_wait3A_115] : memref<10240x64xf32, #tpu.memory_space<vmem_shared>> -> memref<10240x64xf32, #tpu.memory_space<vmem_shared>>
        tpu.wait_indirect_dma semaphore(%run_scoped3A : memref<!tpu.dma_semaphore, #tpu.memory_space<semaphore_mem>>) src(%arg11 : memref<128x64xf32, #tpu.memory_space<vmem>>) dst(%dma_wait3A_116 : memref<10240x64xf32, #tpu.memory_space<vmem_shared>>)
        tpu.yield
      }) : () -> ()
      %scan3A_104 = arith.constant 0 : i32
      scf.yield %scan3A_104 : i32
    }
    %scan3A_59 = arith.constant 40 : i32
    %barrier3A_60 = arith.constant 0 : index
    tpu.barrier barrier_id(%barrier3A_60)
    %eq3A_61 = arith.constant 0 : i32
    %eq3A_62 = arith.cmpi eq, %arg0, %eq3A_61 : i32
    %convert_element_type3A_63 = arith.extui %eq3A_62 : i1 to i32
    %cond3A_64 = arith.constant 0 : i32
    %cond3A_65 = arith.cmpi ne, %convert_element_type3A_63, %cond3A_64 : i32
    scf.if %cond3A_65 {
      "tpu.region"() ({
        %run_scoped3A = tpu.sem_alloc : memref<!tpu.dma_semaphore, #tpu.memory_space<semaphore_mem>>
        %dma_start3A_71 = arith.constant 0 : i32
        %dma_start3A_72 = tpu.memref_slice %arg6[%mul3A_25, %dma_start3A_71] : memref<10240x64xf32, #tpu.memory_space<hbm>> -> memref<640x64xf32, #tpu.memory_space<hbm>>
        %dma_start3A_73 = arith.constant 0 : i32
        %dma_start3A_74 = tpu.memref_slice %arg15[%mul3A_25, %dma_start3A_73] : memref<10240x64xf32, #tpu.memory_space<vmem_shared>> -> memref<640x64xf32, #tpu.memory_space<vmem_shared>>
        tpu.enqueue_dma source(%dma_start3A_74 : memref<640x64xf32, #tpu.memory_space<vmem_shared>>) target(%dma_start3A_72 : memref<640x64xf32, #tpu.memory_space<hbm>>) target_semaphore(%run_scoped3A : memref<!tpu.dma_semaphore, #tpu.memory_space<semaphore_mem>>)
        %dma_wait3A = arith.constant 0 : i32
        %dma_wait3A_75 = tpu.memref_slice %arg6[%mul3A_25, %dma_wait3A] : memref<10240x64xf32, #tpu.memory_space<hbm>> -> memref<640x64xf32, #tpu.memory_space<hbm>>
        %dma_wait3A_76 = arith.constant 0 : i32
        %dma_wait3A_77 = tpu.memref_slice %arg15[%mul3A_25, %dma_wait3A_76] : memref<10240x64xf32, #tpu.memory_space<vmem_shared>> -> memref<640x64xf32, #tpu.memory_space<vmem_shared>>
        tpu.wait_dma2 semaphore(%run_scoped3A : memref<!tpu.dma_semaphore, #tpu.memory_space<semaphore_mem>>) src(%dma_wait3A_77 : memref<640x64xf32, #tpu.memory_space<vmem_shared>>) dst(%dma_wait3A_75 : memref<640x64xf32, #tpu.memory_space<hbm>>)
        tpu.yield
      }) : () -> ()
    } else {
    }
    %eq3A_66 = arith.constant 1 : i32
    %eq3A_67 = arith.cmpi eq, %arg0, %eq3A_66 : i32
    %convert_element_type3A_68 = arith.extui %eq3A_67 : i1 to i32
    %cond3A_69 = arith.constant 0 : i32
    %cond3A_70 = arith.cmpi ne, %convert_element_type3A_68, %cond3A_69 : i32
    scf.if %cond3A_70 {
      "tpu.region"() ({
        %run_scoped3A = tpu.sem_alloc : memref<!tpu.dma_semaphore, #tpu.memory_space<semaphore_mem>>
        %dma_start3A_71 = arith.constant 0 : i32
        %dma_start3A_72 = tpu.memref_slice %arg7[%mul3A_25, %dma_start3A_71] : memref<10240x64xf32, #tpu.memory_space<hbm>> -> memref<640x64xf32, #tpu.memory_space<hbm>>
        %dma_start3A_73 = arith.constant 0 : i32
        %dma_start3A_74 = tpu.memref_slice %arg15[%mul3A_25, %dma_start3A_73] : memref<10240x64xf32, #tpu.memory_space<vmem_shared>> -> memref<640x64xf32, #tpu.memory_space<vmem_shared>>
        tpu.enqueue_dma source(%dma_start3A_74 : memref<640x64xf32, #tpu.memory_space<vmem_shared>>) target(%dma_start3A_72 : memref<640x64xf32, #tpu.memory_space<hbm>>) target_semaphore(%run_scoped3A : memref<!tpu.dma_semaphore, #tpu.memory_space<semaphore_mem>>)
        %dma_wait3A = arith.constant 0 : i32
        %dma_wait3A_75 = tpu.memref_slice %arg7[%mul3A_25, %dma_wait3A] : memref<10240x64xf32, #tpu.memory_space<hbm>> -> memref<640x64xf32, #tpu.memory_space<hbm>>
        %dma_wait3A_76 = arith.constant 0 : i32
        %dma_wait3A_77 = tpu.memref_slice %arg15[%mul3A_25, %dma_wait3A_76] : memref<10240x64xf32, #tpu.memory_space<vmem_shared>> -> memref<640x64xf32, #tpu.memory_space<vmem_shared>>
        tpu.wait_dma2 semaphore(%run_scoped3A : memref<!tpu.dma_semaphore, #tpu.memory_space<semaphore_mem>>) src(%dma_wait3A_77 : memref<640x64xf32, #tpu.memory_space<vmem_shared>>) dst(%dma_wait3A_75 : memref<640x64xf32, #tpu.memory_space<hbm>>)
        tpu.yield
      }) : () -> ()
    } else {
    }
    return
  }
}

#map = affine_map<(d0, d1) -> (0, 0)>
#map1 = affine_map<(d0, d1) -> (0, 0, 0)>
module attributes {stable_mosaic.version = 14 : i64} {
  func.func @_msg_body(%arg0: i32, %arg1: i32, %arg2: memref<10240x32xf32, #tpu.memory_space<hbm>>, %arg3: memref<10240x32xf32, #tpu.memory_space<hbm>>, %arg4: memref<16x160x128xi32, #tpu.memory_space<hbm>>, %arg5: memref<16x160x128xi32, #tpu.memory_space<hbm>>, %arg6: memref<10240x32xf32, #tpu.memory_space<hbm>>, %arg7: memref<10240x32xf32, #tpu.memory_space<hbm>>, %arg8: memref<80x128xi32, #tpu.memory_space<vmem>>, %arg9: memref<80x128xi32, #tpu.memory_space<vmem>>, %arg10: memref<128x32xf32, #tpu.memory_space<vmem>>, %arg11: memref<128x32xf32, #tpu.memory_space<vmem>>, %arg12: memref<!tpu.dma_semaphore, #tpu.memory_space<semaphore_mem>>, %arg13: memref<!tpu.dma_semaphore, #tpu.memory_space<semaphore_mem>>, %arg14: memref<10240x32xf32, #tpu.memory_space<vmem_shared>>, %arg15: memref<10240x32xf32, #tpu.memory_space<vmem_shared>>) attributes {dimension_semantics = [#tpu.dimension_semantics<core_parallel>, #tpu.dimension_semantics<subcore_parallel>], iteration_bounds = array<i64: 2, 16>, scalar_prefetch = 0 : i64, scratch_operands = 8 : i64, tpu.core_type = #tpu.core_type<sc_vector_subcore>, window_params = [{transform_indices = #map}, {transform_indices = #map}, {transform_indices = #map1}, {transform_indices = #map1}, {transform_indices = #map}, {transform_indices = #map}]} {
    %scan3A = arith.constant 0 : i32
    %scan3A_0 = arith.constant 0 : i32
    %scan3A_1 = arith.constant 128 : i32
    %scan3A_2 = arith.addi %scan3A_0, %scan3A_1 : i32
    %scan3A_3 = arith.constant 1 : i32
    %scan3A_4 = scf.for %scan3A_71 = %scan3A_0 to %scan3A_2 step %scan3A_3 iter_args(%scan3A_72 = %scan3A) -> (i32)  : i32 {
      %broadcast_in_dim3A = arith.constant 0.000000e+00 : f32
      %broadcast_in_dim3A_73 = vector.broadcast %broadcast_in_dim3A : f32 to vector<16xf32>
      %swap3A = arith.index_cast %scan3A_71 : i32 to index
      %swap3A_74 = arith.constant 0 : index
      %swap3A_75 = tpu.vector_load %arg10[%swap3A, %swap3A_74] {strides = array<i32>} : memref<128x32xf32, #tpu.memory_space<vmem>>, vector<1x16xf32>,
      %swap3A_76 = vector.shape_cast %swap3A_75 : vector<1x16xf32> to vector<16xf32>
      %swap3A_77 = vector.shape_cast %broadcast_in_dim3A_73 : vector<16xf32> to vector<1x16xf32>
      tpu.vector_store %arg10[%swap3A, %swap3A_74], %swap3A_77 {strides = array<i32>} : memref<128x32xf32, #tpu.memory_space<vmem>>, vector<1x16xf32>,
      %broadcast_in_dim3A_78 = arith.constant 0.000000e+00 : f32
      %broadcast_in_dim3A_79 = vector.broadcast %broadcast_in_dim3A_78 : f32 to vector<16xf32>
      %swap3A_80 = arith.index_cast %scan3A_71 : i32 to index
      %swap3A_81 = arith.constant 16 : index
      %swap3A_82 = tpu.vector_load %arg10[%swap3A_80, %swap3A_81] {strides = array<i32>} : memref<128x32xf32, #tpu.memory_space<vmem>>, vector<1x16xf32>,
      %swap3A_83 = vector.shape_cast %swap3A_82 : vector<1x16xf32> to vector<16xf32>
      %swap3A_84 = vector.shape_cast %broadcast_in_dim3A_79 : vector<16xf32> to vector<1x16xf32>
      tpu.vector_store %arg10[%swap3A_80, %swap3A_81], %swap3A_84 {strides = array<i32>} : memref<128x32xf32, #tpu.memory_space<vmem>>, vector<1x16xf32>,
      %scan3A_85 = arith.constant 0 : i32
      scf.yield %scan3A_85 : i32
    }
    %scan3A_5 = arith.constant 128 : i32
    %mul3A = arith.constant 640 : i32
    %mul3A_6 = arith.muli %arg1, %mul3A : i32
    %add3A = arith.constant 0 : i32
    %add3A_7 = arith.addi %mul3A_6, %add3A : i32
    "tpu.region"() ({
      %run_scoped3A = tpu.sem_alloc : memref<!tpu.dma_semaphore, #tpu.memory_space<semaphore_mem>>
      %dma_start3A_71 = arith.constant 0 : i32
      %dma_start3A_72 = tpu.memref_slice %arg15[%add3A_7, %dma_start3A_71] : memref<10240x32xf32, #tpu.memory_space<vmem_shared>> -> memref<128x32xf32, #tpu.memory_space<vmem_shared>>
      %dma_start3A_73 = arith.constant 0 : i32
      %dma_start3A_74 = tpu.memref_slice %arg15[%add3A_7, %dma_start3A_73] : memref<10240x32xf32, #tpu.memory_space<vmem_shared>> -> memref<128x32xf32, #tpu.memory_space<vmem_shared>>
      tpu.enqueue_dma source(%arg10 : memref<128x32xf32, #tpu.memory_space<vmem>>) target(%dma_start3A_74 : memref<128x32xf32, #tpu.memory_space<vmem_shared>>) target_semaphore(%run_scoped3A : memref<!tpu.dma_semaphore, #tpu.memory_space<semaphore_mem>>)
      %dma_wait3A = arith.constant 0 : i32
      %dma_wait3A_75 = tpu.memref_slice %arg15[%add3A_7, %dma_wait3A] : memref<10240x32xf32, #tpu.memory_space<vmem_shared>> -> memref<128x32xf32, #tpu.memory_space<vmem_shared>>
      %dma_wait3A_76 = arith.constant 0 : i32
      %dma_wait3A_77 = tpu.memref_slice %arg15[%add3A_7, %dma_wait3A_76] : memref<10240x32xf32, #tpu.memory_space<vmem_shared>> -> memref<128x32xf32, #tpu.memory_space<vmem_shared>>
      tpu.wait_dma2 semaphore(%run_scoped3A : memref<!tpu.dma_semaphore, #tpu.memory_space<semaphore_mem>>) src(%arg10 : memref<128x32xf32, #tpu.memory_space<vmem>>) dst(%dma_wait3A_77 : memref<128x32xf32, #tpu.memory_space<vmem_shared>>)
      tpu.yield
    }) : () -> ()
    %mul3A_8 = arith.constant 640 : i32
    %mul3A_9 = arith.muli %arg1, %mul3A_8 : i32
    %add3A_10 = arith.constant 128 : i32
    %add3A_11 = arith.addi %mul3A_9, %add3A_10 : i32
    "tpu.region"() ({
      %run_scoped3A = tpu.sem_alloc : memref<!tpu.dma_semaphore, #tpu.memory_space<semaphore_mem>>
      %dma_start3A_71 = arith.constant 0 : i32
      %dma_start3A_72 = tpu.memref_slice %arg15[%add3A_11, %dma_start3A_71] : memref<10240x32xf32, #tpu.memory_space<vmem_shared>> -> memref<128x32xf32, #tpu.memory_space<vmem_shared>>
      %dma_start3A_73 = arith.constant 0 : i32
      %dma_start3A_74 = tpu.memref_slice %arg15[%add3A_11, %dma_start3A_73] : memref<10240x32xf32, #tpu.memory_space<vmem_shared>> -> memref<128x32xf32, #tpu.memory_space<vmem_shared>>
      tpu.enqueue_dma source(%arg10 : memref<128x32xf32, #tpu.memory_space<vmem>>) target(%dma_start3A_74 : memref<128x32xf32, #tpu.memory_space<vmem_shared>>) target_semaphore(%run_scoped3A : memref<!tpu.dma_semaphore, #tpu.memory_space<semaphore_mem>>)
      %dma_wait3A = arith.constant 0 : i32
      %dma_wait3A_75 = tpu.memref_slice %arg15[%add3A_11, %dma_wait3A] : memref<10240x32xf32, #tpu.memory_space<vmem_shared>> -> memref<128x32xf32, #tpu.memory_space<vmem_shared>>
      %dma_wait3A_76 = arith.constant 0 : i32
      %dma_wait3A_77 = tpu.memref_slice %arg15[%add3A_11, %dma_wait3A_76] : memref<10240x32xf32, #tpu.memory_space<vmem_shared>> -> memref<128x32xf32, #tpu.memory_space<vmem_shared>>
      tpu.wait_dma2 semaphore(%run_scoped3A : memref<!tpu.dma_semaphore, #tpu.memory_space<semaphore_mem>>) src(%arg10 : memref<128x32xf32, #tpu.memory_space<vmem>>) dst(%dma_wait3A_77 : memref<128x32xf32, #tpu.memory_space<vmem_shared>>)
      tpu.yield
    }) : () -> ()
    %mul3A_12 = arith.constant 640 : i32
    %mul3A_13 = arith.muli %arg1, %mul3A_12 : i32
    %add3A_14 = arith.constant 256 : i32
    %add3A_15 = arith.addi %mul3A_13, %add3A_14 : i32
    "tpu.region"() ({
      %run_scoped3A = tpu.sem_alloc : memref<!tpu.dma_semaphore, #tpu.memory_space<semaphore_mem>>
      %dma_start3A_71 = arith.constant 0 : i32
      %dma_start3A_72 = tpu.memref_slice %arg15[%add3A_15, %dma_start3A_71] : memref<10240x32xf32, #tpu.memory_space<vmem_shared>> -> memref<128x32xf32, #tpu.memory_space<vmem_shared>>
      %dma_start3A_73 = arith.constant 0 : i32
      %dma_start3A_74 = tpu.memref_slice %arg15[%add3A_15, %dma_start3A_73] : memref<10240x32xf32, #tpu.memory_space<vmem_shared>> -> memref<128x32xf32, #tpu.memory_space<vmem_shared>>
      tpu.enqueue_dma source(%arg10 : memref<128x32xf32, #tpu.memory_space<vmem>>) target(%dma_start3A_74 : memref<128x32xf32, #tpu.memory_space<vmem_shared>>) target_semaphore(%run_scoped3A : memref<!tpu.dma_semaphore, #tpu.memory_space<semaphore_mem>>)
      %dma_wait3A = arith.constant 0 : i32
      %dma_wait3A_75 = tpu.memref_slice %arg15[%add3A_15, %dma_wait3A] : memref<10240x32xf32, #tpu.memory_space<vmem_shared>> -> memref<128x32xf32, #tpu.memory_space<vmem_shared>>
      %dma_wait3A_76 = arith.constant 0 : i32
      %dma_wait3A_77 = tpu.memref_slice %arg15[%add3A_15, %dma_wait3A_76] : memref<10240x32xf32, #tpu.memory_space<vmem_shared>> -> memref<128x32xf32, #tpu.memory_space<vmem_shared>>
      tpu.wait_dma2 semaphore(%run_scoped3A : memref<!tpu.dma_semaphore, #tpu.memory_space<semaphore_mem>>) src(%arg10 : memref<128x32xf32, #tpu.memory_space<vmem>>) dst(%dma_wait3A_77 : memref<128x32xf32, #tpu.memory_space<vmem_shared>>)
      tpu.yield
    }) : () -> ()
    %mul3A_16 = arith.constant 640 : i32
    %mul3A_17 = arith.muli %arg1, %mul3A_16 : i32
    %add3A_18 = arith.constant 384 : i32
    %add3A_19 = arith.addi %mul3A_17, %add3A_18 : i32
    "tpu.region"() ({
      %run_scoped3A = tpu.sem_alloc : memref<!tpu.dma_semaphore, #tpu.memory_space<semaphore_mem>>
      %dma_start3A_71 = arith.constant 0 : i32
      %dma_start3A_72 = tpu.memref_slice %arg15[%add3A_19, %dma_start3A_71] : memref<10240x32xf32, #tpu.memory_space<vmem_shared>> -> memref<128x32xf32, #tpu.memory_space<vmem_shared>>
      %dma_start3A_73 = arith.constant 0 : i32
      %dma_start3A_74 = tpu.memref_slice %arg15[%add3A_19, %dma_start3A_73] : memref<10240x32xf32, #tpu.memory_space<vmem_shared>> -> memref<128x32xf32, #tpu.memory_space<vmem_shared>>
      tpu.enqueue_dma source(%arg10 : memref<128x32xf32, #tpu.memory_space<vmem>>) target(%dma_start3A_74 : memref<128x32xf32, #tpu.memory_space<vmem_shared>>) target_semaphore(%run_scoped3A : memref<!tpu.dma_semaphore, #tpu.memory_space<semaphore_mem>>)
      %dma_wait3A = arith.constant 0 : i32
      %dma_wait3A_75 = tpu.memref_slice %arg15[%add3A_19, %dma_wait3A] : memref<10240x32xf32, #tpu.memory_space<vmem_shared>> -> memref<128x32xf32, #tpu.memory_space<vmem_shared>>
      %dma_wait3A_76 = arith.constant 0 : i32
      %dma_wait3A_77 = tpu.memref_slice %arg15[%add3A_19, %dma_wait3A_76] : memref<10240x32xf32, #tpu.memory_space<vmem_shared>> -> memref<128x32xf32, #tpu.memory_space<vmem_shared>>
      tpu.wait_dma2 semaphore(%run_scoped3A : memref<!tpu.dma_semaphore, #tpu.memory_space<semaphore_mem>>) src(%arg10 : memref<128x32xf32, #tpu.memory_space<vmem>>) dst(%dma_wait3A_77 : memref<128x32xf32, #tpu.memory_space<vmem_shared>>)
      tpu.yield
    }) : () -> ()
    %mul3A_20 = arith.constant 640 : i32
    %mul3A_21 = arith.muli %arg1, %mul3A_20 : i32
    %add3A_22 = arith.constant 512 : i32
    %add3A_23 = arith.addi %mul3A_21, %add3A_22 : i32
    "tpu.region"() ({
      %run_scoped3A = tpu.sem_alloc : memref<!tpu.dma_semaphore, #tpu.memory_space<semaphore_mem>>
      %dma_start3A_71 = arith.constant 0 : i32
      %dma_start3A_72 = tpu.memref_slice %arg15[%add3A_23, %dma_start3A_71] : memref<10240x32xf32, #tpu.memory_space<vmem_shared>> -> memref<128x32xf32, #tpu.memory_space<vmem_shared>>
      %dma_start3A_73 = arith.constant 0 : i32
      %dma_start3A_74 = tpu.memref_slice %arg15[%add3A_23, %dma_start3A_73] : memref<10240x32xf32, #tpu.memory_space<vmem_shared>> -> memref<128x32xf32, #tpu.memory_space<vmem_shared>>
      tpu.enqueue_dma source(%arg10 : memref<128x32xf32, #tpu.memory_space<vmem>>) target(%dma_start3A_74 : memref<128x32xf32, #tpu.memory_space<vmem_shared>>) target_semaphore(%run_scoped3A : memref<!tpu.dma_semaphore, #tpu.memory_space<semaphore_mem>>)
      %dma_wait3A = arith.constant 0 : i32
      %dma_wait3A_75 = tpu.memref_slice %arg15[%add3A_23, %dma_wait3A] : memref<10240x32xf32, #tpu.memory_space<vmem_shared>> -> memref<128x32xf32, #tpu.memory_space<vmem_shared>>
      %dma_wait3A_76 = arith.constant 0 : i32
      %dma_wait3A_77 = tpu.memref_slice %arg15[%add3A_23, %dma_wait3A_76] : memref<10240x32xf32, #tpu.memory_space<vmem_shared>> -> memref<128x32xf32, #tpu.memory_space<vmem_shared>>
      tpu.wait_dma2 semaphore(%run_scoped3A : memref<!tpu.dma_semaphore, #tpu.memory_space<semaphore_mem>>) src(%arg10 : memref<128x32xf32, #tpu.memory_space<vmem>>) dst(%dma_wait3A_77 : memref<128x32xf32, #tpu.memory_space<vmem_shared>>)
      tpu.yield
    }) : () -> ()
    %mul3A_24 = arith.constant 640 : i32
    %mul3A_25 = arith.muli %arg1, %mul3A_24 : i32
    %eq3A = arith.constant 0 : i32
    %eq3A_26 = arith.cmpi eq, %arg0, %eq3A : i32
    %convert_element_type3A = arith.extui %eq3A_26 : i1 to i32
    %cond3A = arith.constant 0 : i32
    %cond3A_27 = arith.cmpi ne, %convert_element_type3A, %cond3A : i32
    scf.if %cond3A_27 {
      "tpu.region"() ({
        %run_scoped3A = tpu.sem_alloc : memref<!tpu.dma_semaphore, #tpu.memory_space<semaphore_mem>>
        %dma_start3A_71 = arith.constant 0 : i32
        %dma_start3A_72 = tpu.memref_slice %arg14[%mul3A_25, %dma_start3A_71] : memref<10240x32xf32, #tpu.memory_space<vmem_shared>> -> memref<640x32xf32, #tpu.memory_space<vmem_shared>>
        %dma_start3A_73 = arith.constant 0 : i32
        %dma_start3A_74 = tpu.memref_slice %arg2[%mul3A_25, %dma_start3A_73] : memref<10240x32xf32, #tpu.memory_space<hbm>> -> memref<640x32xf32, #tpu.memory_space<hbm>>
        tpu.enqueue_dma source(%dma_start3A_74 : memref<640x32xf32, #tpu.memory_space<hbm>>) target(%dma_start3A_72 : memref<640x32xf32, #tpu.memory_space<vmem_shared>>) target_semaphore(%run_scoped3A : memref<!tpu.dma_semaphore, #tpu.memory_space<semaphore_mem>>)
        %dma_wait3A = arith.constant 0 : i32
        %dma_wait3A_75 = tpu.memref_slice %arg14[%mul3A_25, %dma_wait3A] : memref<10240x32xf32, #tpu.memory_space<vmem_shared>> -> memref<640x32xf32, #tpu.memory_space<vmem_shared>>
        %dma_wait3A_76 = arith.constant 0 : i32
        %dma_wait3A_77 = tpu.memref_slice %arg2[%mul3A_25, %dma_wait3A_76] : memref<10240x32xf32, #tpu.memory_space<hbm>> -> memref<640x32xf32, #tpu.memory_space<hbm>>
        tpu.wait_dma2 semaphore(%run_scoped3A : memref<!tpu.dma_semaphore, #tpu.memory_space<semaphore_mem>>) src(%dma_wait3A_77 : memref<640x32xf32, #tpu.memory_space<hbm>>) dst(%dma_wait3A_75 : memref<640x32xf32, #tpu.memory_space<vmem_shared>>)
        tpu.yield
      }) : () -> ()
    } else {
    }
    %eq3A_28 = arith.constant 1 : i32
    %eq3A_29 = arith.cmpi eq, %arg0, %eq3A_28 : i32
    %convert_element_type3A_30 = arith.extui %eq3A_29 : i1 to i32
    %cond3A_31 = arith.constant 0 : i32
    %cond3A_32 = arith.cmpi ne, %convert_element_type3A_30, %cond3A_31 : i32
    scf.if %cond3A_32 {
      "tpu.region"() ({
        %run_scoped3A = tpu.sem_alloc : memref<!tpu.dma_semaphore, #tpu.memory_space<semaphore_mem>>
        %dma_start3A_71 = arith.constant 0 : i32
        %dma_start3A_72 = tpu.memref_slice %arg14[%mul3A_25, %dma_start3A_71] : memref<10240x32xf32, #tpu.memory_space<vmem_shared>> -> memref<640x32xf32, #tpu.memory_space<vmem_shared>>
        %dma_start3A_73 = arith.constant 0 : i32
        %dma_start3A_74 = tpu.memref_slice %arg3[%mul3A_25, %dma_start3A_73] : memref<10240x32xf32, #tpu.memory_space<hbm>> -> memref<640x32xf32, #tpu.memory_space<hbm>>
        tpu.enqueue_dma source(%dma_start3A_74 : memref<640x32xf32, #tpu.memory_space<hbm>>) target(%dma_start3A_72 : memref<640x32xf32, #tpu.memory_space<vmem_shared>>) target_semaphore(%run_scoped3A : memref<!tpu.dma_semaphore, #tpu.memory_space<semaphore_mem>>)
        %dma_wait3A = arith.constant 0 : i32
        %dma_wait3A_75 = tpu.memref_slice %arg14[%mul3A_25, %dma_wait3A] : memref<10240x32xf32, #tpu.memory_space<vmem_shared>> -> memref<640x32xf32, #tpu.memory_space<vmem_shared>>
        %dma_wait3A_76 = arith.constant 0 : i32
        %dma_wait3A_77 = tpu.memref_slice %arg3[%mul3A_25, %dma_wait3A_76] : memref<10240x32xf32, #tpu.memory_space<hbm>> -> memref<640x32xf32, #tpu.memory_space<hbm>>
        tpu.wait_dma2 semaphore(%run_scoped3A : memref<!tpu.dma_semaphore, #tpu.memory_space<semaphore_mem>>) src(%dma_wait3A_77 : memref<640x32xf32, #tpu.memory_space<hbm>>) dst(%dma_wait3A_75 : memref<640x32xf32, #tpu.memory_space<vmem_shared>>)
        tpu.yield
      }) : () -> ()
    } else {
    }
    %barrier3A = arith.constant 0 : index
    tpu.barrier barrier_id(%barrier3A)
    "tpu.region"() ({
      %run_scoped3A = tpu.sem_alloc : memref<!tpu.dma_semaphore, #tpu.memory_space<semaphore_mem>>
      %dma_start3A_71 = arith.constant 0 : i32
      %dma_start3A_72 = arith.constant 0 : i32
      %dma_start3A_73 = tpu.memref_slice %arg4[%arg1, %dma_start3A_71, %dma_start3A_72] : memref<16x160x128xi32, #tpu.memory_space<hbm>> -> memref<1x80x128xi32, #tpu.memory_space<hbm>>
      %dma_start3A_74 = tpu.memref_squeeze %dma_start3A_73 : memref<1x80x128xi32, #tpu.memory_space<hbm>> -> memref<80x128xi32, #tpu.memory_space<hbm>>
      %dma_start3A_75 = arith.constant 0 : i32
      %dma_start3A_76 = arith.constant 0 : i32
      %dma_start3A_77 = tpu.memref_slice %arg4[%arg1, %dma_start3A_75, %dma_start3A_76] : memref<16x160x128xi32, #tpu.memory_space<hbm>> -> memref<1x80x128xi32, #tpu.memory_space<hbm>>
      %dma_start3A_78 = tpu.memref_squeeze %dma_start3A_77 : memref<1x80x128xi32, #tpu.memory_space<hbm>> -> memref<80x128xi32, #tpu.memory_space<hbm>>
      tpu.enqueue_dma source(%dma_start3A_78 : memref<80x128xi32, #tpu.memory_space<hbm>>) target(%arg8 : memref<80x128xi32, #tpu.memory_space<vmem>>) target_semaphore(%run_scoped3A : memref<!tpu.dma_semaphore, #tpu.memory_space<semaphore_mem>>)
      %dma_wait3A = arith.constant 0 : i32
      %dma_wait3A_79 = arith.constant 0 : i32
      %dma_wait3A_80 = tpu.memref_slice %arg4[%arg1, %dma_wait3A, %dma_wait3A_79] : memref<16x160x128xi32, #tpu.memory_space<hbm>> -> memref<1x80x128xi32, #tpu.memory_space<hbm>>
      %dma_wait3A_81 = tpu.memref_squeeze %dma_wait3A_80 : memref<1x80x128xi32, #tpu.memory_space<hbm>> -> memref<80x128xi32, #tpu.memory_space<hbm>>
      %dma_wait3A_82 = arith.constant 0 : i32
      %dma_wait3A_83 = arith.constant 0 : i32
      %dma_wait3A_84 = tpu.memref_slice %arg4[%arg1, %dma_wait3A_82, %dma_wait3A_83] : memref<16x160x128xi32, #tpu.memory_space<hbm>> -> memref<1x80x128xi32, #tpu.memory_space<hbm>>
      %dma_wait3A_85 = tpu.memref_squeeze %dma_wait3A_84 : memref<1x80x128xi32, #tpu.memory_space<hbm>> -> memref<80x128xi32, #tpu.memory_space<hbm>>
      tpu.wait_dma2 semaphore(%run_scoped3A : memref<!tpu.dma_semaphore, #tpu.memory_space<semaphore_mem>>) src(%dma_wait3A_85 : memref<80x128xi32, #tpu.memory_space<hbm>>) dst(%arg8 : memref<80x128xi32, #tpu.memory_space<vmem>>)
      tpu.yield
    }) : () -> ()
    "tpu.region"() ({
      %run_scoped3A = tpu.sem_alloc : memref<!tpu.dma_semaphore, #tpu.memory_space<semaphore_mem>>
      %dma_start3A_71 = arith.constant 0 : i32
      %dma_start3A_72 = arith.constant 0 : i32
      %dma_start3A_73 = tpu.memref_slice %arg5[%arg1, %dma_start3A_71, %dma_start3A_72] : memref<16x160x128xi32, #tpu.memory_space<hbm>> -> memref<1x80x128xi32, #tpu.memory_space<hbm>>
      %dma_start3A_74 = tpu.memref_squeeze %dma_start3A_73 : memref<1x80x128xi32, #tpu.memory_space<hbm>> -> memref<80x128xi32, #tpu.memory_space<hbm>>
      %dma_start3A_75 = arith.constant 0 : i32
      %dma_start3A_76 = arith.constant 0 : i32
      %dma_start3A_77 = tpu.memref_slice %arg5[%arg1, %dma_start3A_75, %dma_start3A_76] : memref<16x160x128xi32, #tpu.memory_space<hbm>> -> memref<1x80x128xi32, #tpu.memory_space<hbm>>
      %dma_start3A_78 = tpu.memref_squeeze %dma_start3A_77 : memref<1x80x128xi32, #tpu.memory_space<hbm>> -> memref<80x128xi32, #tpu.memory_space<hbm>>
      tpu.enqueue_dma source(%dma_start3A_78 : memref<80x128xi32, #tpu.memory_space<hbm>>) target(%arg9 : memref<80x128xi32, #tpu.memory_space<vmem>>) target_semaphore(%run_scoped3A : memref<!tpu.dma_semaphore, #tpu.memory_space<semaphore_mem>>)
      %dma_wait3A = arith.constant 0 : i32
      %dma_wait3A_79 = arith.constant 0 : i32
      %dma_wait3A_80 = tpu.memref_slice %arg5[%arg1, %dma_wait3A, %dma_wait3A_79] : memref<16x160x128xi32, #tpu.memory_space<hbm>> -> memref<1x80x128xi32, #tpu.memory_space<hbm>>
      %dma_wait3A_81 = tpu.memref_squeeze %dma_wait3A_80 : memref<1x80x128xi32, #tpu.memory_space<hbm>> -> memref<80x128xi32, #tpu.memory_space<hbm>>
      %dma_wait3A_82 = arith.constant 0 : i32
      %dma_wait3A_83 = arith.constant 0 : i32
      %dma_wait3A_84 = tpu.memref_slice %arg5[%arg1, %dma_wait3A_82, %dma_wait3A_83] : memref<16x160x128xi32, #tpu.memory_space<hbm>> -> memref<1x80x128xi32, #tpu.memory_space<hbm>>
      %dma_wait3A_85 = tpu.memref_squeeze %dma_wait3A_84 : memref<1x80x128xi32, #tpu.memory_space<hbm>> -> memref<80x128xi32, #tpu.memory_space<hbm>>
      tpu.wait_dma2 semaphore(%run_scoped3A : memref<!tpu.dma_semaphore, #tpu.memory_space<semaphore_mem>>) src(%dma_wait3A_85 : memref<80x128xi32, #tpu.memory_space<hbm>>) dst(%arg9 : memref<80x128xi32, #tpu.memory_space<vmem>>)
      tpu.yield
    }) : () -> ()
    %dma_start3A = arith.constant 0 : i32
    %dma_start3A_33 = arith.constant 0 : i32
    %dma_start3A_34 = tpu.memref_slice %arg8[%dma_start3A, %dma_start3A_33] : memref<80x128xi32, #tpu.memory_space<vmem>> -> memref<1x128xi32, #tpu.memory_space<vmem>>
    %dma_start3A_35 = tpu.memref_squeeze %dma_start3A_34 : memref<1x128xi32, #tpu.memory_space<vmem>> -> memref<128xi32, #tpu.memory_space<vmem>>
    %dma_start3A_36 = arith.constant 0 : i32
    %dma_start3A_37 = arith.constant 0 : i32
    %dma_start3A_38 = tpu.memref_slice %arg14[%dma_start3A_36, %dma_start3A_37] : memref<10240x32xf32, #tpu.memory_space<vmem_shared>> -> memref<10240x32xf32, #tpu.memory_space<vmem_shared>>
    tpu.enqueue_indirect_dma source(%dma_start3A_38 : memref<10240x32xf32, #tpu.memory_space<vmem_shared>>) target(%arg10 : memref<128x32xf32, #tpu.memory_space<vmem>>) offsets(%dma_start3A_35 : memref<128xi32, #tpu.memory_space<vmem>>) semaphore(%arg12 : memref<!tpu.dma_semaphore, #tpu.memory_space<semaphore_mem>>)
    %scan3A_39 = arith.constant 0 : i32
    %scan3A_40 = arith.constant 0 : i32
    %scan3A_41 = arith.constant 40 : i32
    %scan3A_42 = arith.addi %scan3A_40, %scan3A_41 : i32
    %scan3A_43 = arith.constant 1 : i32
    %scan3A_44 = scf.for %scan3A_71 = %scan3A_40 to %scan3A_42 step %scan3A_43 iter_args(%scan3A_72 = %scan3A_39) -> (i32)  : i32 {
      %mul3A_73 = arith.constant 2 : i32
      %mul3A_74 = arith.muli %scan3A_71, %mul3A_73 : i32
      %dma_wait3A = arith.constant 0 : i32
      %dma_wait3A_75 = tpu.memref_slice %arg8[%mul3A_74, %dma_wait3A] : memref<80x128xi32, #tpu.memory_space<vmem>> -> memref<1x128xi32, #tpu.memory_space<vmem>>
      %dma_wait3A_76 = tpu.memref_squeeze %dma_wait3A_75 : memref<1x128xi32, #tpu.memory_space<vmem>> -> memref<128xi32, #tpu.memory_space<vmem>>
      %dma_wait3A_77 = arith.constant 0 : i32
      %dma_wait3A_78 = arith.constant 0 : i32
      %dma_wait3A_79 = tpu.memref_slice %arg14[%dma_wait3A_77, %dma_wait3A_78] : memref<10240x32xf32, #tpu.memory_space<vmem_shared>> -> memref<10240x32xf32, #tpu.memory_space<vmem_shared>>
      tpu.wait_indirect_dma semaphore(%arg12 : memref<!tpu.dma_semaphore, #tpu.memory_space<semaphore_mem>>) src(%dma_wait3A_79 : memref<10240x32xf32, #tpu.memory_space<vmem_shared>>) dst(%arg10 : memref<128x32xf32, #tpu.memory_space<vmem>>)
      %add3A_80 = arith.constant 1 : i32
      %add3A_81 = arith.addi %mul3A_74, %add3A_80 : i32
      %dma_start3A_82 = arith.constant 0 : i32
      %dma_start3A_83 = tpu.memref_slice %arg8[%add3A_81, %dma_start3A_82] : memref<80x128xi32, #tpu.memory_space<vmem>> -> memref<1x128xi32, #tpu.memory_space<vmem>>
      %dma_start3A_84 = tpu.memref_squeeze %dma_start3A_83 : memref<1x128xi32, #tpu.memory_space<vmem>> -> memref<128xi32, #tpu.memory_space<vmem>>
      %dma_start3A_85 = arith.constant 0 : i32
      %dma_start3A_86 = arith.constant 0 : i32
      %dma_start3A_87 = tpu.memref_slice %arg14[%dma_start3A_85, %dma_start3A_86] : memref<10240x32xf32, #tpu.memory_space<vmem_shared>> -> memref<10240x32xf32, #tpu.memory_space<vmem_shared>>
      tpu.enqueue_indirect_dma source(%dma_start3A_87 : memref<10240x32xf32, #tpu.memory_space<vmem_shared>>) target(%arg11 : memref<128x32xf32, #tpu.memory_space<vmem>>) offsets(%dma_start3A_84 : memref<128xi32, #tpu.memory_space<vmem>>) semaphore(%arg13 : memref<!tpu.dma_semaphore, #tpu.memory_space<semaphore_mem>>)
      "tpu.region"() ({
        %run_scoped3A = tpu.sem_alloc : memref<!tpu.dma_semaphore, #tpu.memory_space<semaphore_mem>>
        %dma_start3A_105 = arith.constant 0 : i32
        %dma_start3A_106 = tpu.memref_slice %arg9[%mul3A_74, %dma_start3A_105] : memref<80x128xi32, #tpu.memory_space<vmem>> -> memref<1x128xi32, #tpu.memory_space<vmem>>
        %dma_start3A_107 = tpu.memref_squeeze %dma_start3A_106 : memref<1x128xi32, #tpu.memory_space<vmem>> -> memref<128xi32, #tpu.memory_space<vmem>>
        %dma_start3A_108 = arith.constant 0 : i32
        %dma_start3A_109 = arith.constant 0 : i32
        %dma_start3A_110 = tpu.memref_slice %arg15[%dma_start3A_108, %dma_start3A_109] : memref<10240x32xf32, #tpu.memory_space<vmem_shared>> -> memref<10240x32xf32, #tpu.memory_space<vmem_shared>>
        tpu.enqueue_indirect_dma source(%arg10 : memref<128x32xf32, #tpu.memory_space<vmem>>) target(%dma_start3A_110 : memref<10240x32xf32, #tpu.memory_space<vmem_shared>>) offsets(%dma_start3A_107 : memref<128xi32, #tpu.memory_space<vmem>>) semaphore(%run_scoped3A : memref<!tpu.dma_semaphore, #tpu.memory_space<semaphore_mem>>) {add = true}
        %dma_wait3A_111 = arith.constant 0 : i32
        %dma_wait3A_112 = tpu.memref_slice %arg9[%mul3A_74, %dma_wait3A_111] : memref<80x128xi32, #tpu.memory_space<vmem>> -> memref<1x128xi32, #tpu.memory_space<vmem>>
        %dma_wait3A_113 = tpu.memref_squeeze %dma_wait3A_112 : memref<1x128xi32, #tpu.memory_space<vmem>> -> memref<128xi32, #tpu.memory_space<vmem>>
        %dma_wait3A_114 = arith.constant 0 : i32
        %dma_wait3A_115 = arith.constant 0 : i32
        %dma_wait3A_116 = tpu.memref_slice %arg15[%dma_wait3A_114, %dma_wait3A_115] : memref<10240x32xf32, #tpu.memory_space<vmem_shared>> -> memref<10240x32xf32, #tpu.memory_space<vmem_shared>>
        tpu.wait_indirect_dma semaphore(%run_scoped3A : memref<!tpu.dma_semaphore, #tpu.memory_space<semaphore_mem>>) src(%arg10 : memref<128x32xf32, #tpu.memory_space<vmem>>) dst(%dma_wait3A_116 : memref<10240x32xf32, #tpu.memory_space<vmem_shared>>)
        tpu.yield
      }) : () -> ()
      %add3A_88 = arith.constant 1 : i32
      %add3A_89 = arith.addi %mul3A_74, %add3A_88 : i32
      %dma_wait3A_90 = arith.constant 0 : i32
      %dma_wait3A_91 = tpu.memref_slice %arg8[%add3A_89, %dma_wait3A_90] : memref<80x128xi32, #tpu.memory_space<vmem>> -> memref<1x128xi32, #tpu.memory_space<vmem>>
      %dma_wait3A_92 = tpu.memref_squeeze %dma_wait3A_91 : memref<1x128xi32, #tpu.memory_space<vmem>> -> memref<128xi32, #tpu.memory_space<vmem>>
      %dma_wait3A_93 = arith.constant 0 : i32
      %dma_wait3A_94 = arith.constant 0 : i32
      %dma_wait3A_95 = tpu.memref_slice %arg14[%dma_wait3A_93, %dma_wait3A_94] : memref<10240x32xf32, #tpu.memory_space<vmem_shared>> -> memref<10240x32xf32, #tpu.memory_space<vmem_shared>>
      tpu.wait_indirect_dma semaphore(%arg13 : memref<!tpu.dma_semaphore, #tpu.memory_space<semaphore_mem>>) src(%dma_wait3A_95 : memref<10240x32xf32, #tpu.memory_space<vmem_shared>>) dst(%arg11 : memref<128x32xf32, #tpu.memory_space<vmem>>)
      %add3A_96 = arith.constant 2 : i32
      %add3A_97 = arith.addi %mul3A_74, %add3A_96 : i32
      %lt3A = arith.constant 80 : i32
      %lt3A_98 = arith.cmpi slt, %add3A_97, %lt3A : i32
      %convert_element_type3A_99 = arith.extui %lt3A_98 : i1 to i32
      %cond3A_100 = arith.constant 0 : i32
      %cond3A_101 = arith.cmpi ne, %convert_element_type3A_99, %cond3A_100 : i32
      scf.if %cond3A_101 {
        %add3A_105 = arith.constant 2 : i32
        %add3A_106 = arith.addi %mul3A_74, %add3A_105 : i32
        %dma_start3A_107 = arith.constant 0 : i32
        %dma_start3A_108 = tpu.memref_slice %arg8[%add3A_106, %dma_start3A_107] : memref<80x128xi32, #tpu.memory_space<vmem>> -> memref<1x128xi32, #tpu.memory_space<vmem>>
        %dma_start3A_109 = tpu.memref_squeeze %dma_start3A_108 : memref<1x128xi32, #tpu.memory_space<vmem>> -> memref<128xi32, #tpu.memory_space<vmem>>
        %dma_start3A_110 = arith.constant 0 : i32
        %dma_start3A_111 = arith.constant 0 : i32
        %dma_start3A_112 = tpu.memref_slice %arg14[%dma_start3A_110, %dma_start3A_111] : memref<10240x32xf32, #tpu.memory_space<vmem_shared>> -> memref<10240x32xf32, #tpu.memory_space<vmem_shared>>
        tpu.enqueue_indirect_dma source(%dma_start3A_112 : memref<10240x32xf32, #tpu.memory_space<vmem_shared>>) target(%arg10 : memref<128x32xf32, #tpu.memory_space<vmem>>) offsets(%dma_start3A_109 : memref<128xi32, #tpu.memory_space<vmem>>) semaphore(%arg12 : memref<!tpu.dma_semaphore, #tpu.memory_space<semaphore_mem>>)
      } else {
      }
      %add3A_102 = arith.constant 1 : i32
      %add3A_103 = arith.addi %mul3A_74, %add3A_102 : i32
      "tpu.region"() ({
        %run_scoped3A = tpu.sem_alloc : memref<!tpu.dma_semaphore, #tpu.memory_space<semaphore_mem>>
        %dma_start3A_105 = arith.constant 0 : i32
        %dma_start3A_106 = tpu.memref_slice %arg9[%add3A_103, %dma_start3A_105] : memref<80x128xi32, #tpu.memory_space<vmem>> -> memref<1x128xi32, #tpu.memory_space<vmem>>
        %dma_start3A_107 = tpu.memref_squeeze %dma_start3A_106 : memref<1x128xi32, #tpu.memory_space<vmem>> -> memref<128xi32, #tpu.memory_space<vmem>>
        %dma_start3A_108 = arith.constant 0 : i32
        %dma_start3A_109 = arith.constant 0 : i32
        %dma_start3A_110 = tpu.memref_slice %arg15[%dma_start3A_108, %dma_start3A_109] : memref<10240x32xf32, #tpu.memory_space<vmem_shared>> -> memref<10240x32xf32, #tpu.memory_space<vmem_shared>>
        tpu.enqueue_indirect_dma source(%arg11 : memref<128x32xf32, #tpu.memory_space<vmem>>) target(%dma_start3A_110 : memref<10240x32xf32, #tpu.memory_space<vmem_shared>>) offsets(%dma_start3A_107 : memref<128xi32, #tpu.memory_space<vmem>>) semaphore(%run_scoped3A : memref<!tpu.dma_semaphore, #tpu.memory_space<semaphore_mem>>) {add = true}
        %dma_wait3A_111 = arith.constant 0 : i32
        %dma_wait3A_112 = tpu.memref_slice %arg9[%add3A_103, %dma_wait3A_111] : memref<80x128xi32, #tpu.memory_space<vmem>> -> memref<1x128xi32, #tpu.memory_space<vmem>>
        %dma_wait3A_113 = tpu.memref_squeeze %dma_wait3A_112 : memref<1x128xi32, #tpu.memory_space<vmem>> -> memref<128xi32, #tpu.memory_space<vmem>>
        %dma_wait3A_114 = arith.constant 0 : i32
        %dma_wait3A_115 = arith.constant 0 : i32
        %dma_wait3A_116 = tpu.memref_slice %arg15[%dma_wait3A_114, %dma_wait3A_115] : memref<10240x32xf32, #tpu.memory_space<vmem_shared>> -> memref<10240x32xf32, #tpu.memory_space<vmem_shared>>
        tpu.wait_indirect_dma semaphore(%run_scoped3A : memref<!tpu.dma_semaphore, #tpu.memory_space<semaphore_mem>>) src(%arg11 : memref<128x32xf32, #tpu.memory_space<vmem>>) dst(%dma_wait3A_116 : memref<10240x32xf32, #tpu.memory_space<vmem_shared>>)
        tpu.yield
      }) : () -> ()
      %scan3A_104 = arith.constant 0 : i32
      scf.yield %scan3A_104 : i32
    }
    %scan3A_45 = arith.constant 40 : i32
    "tpu.region"() ({
      %run_scoped3A = tpu.sem_alloc : memref<!tpu.dma_semaphore, #tpu.memory_space<semaphore_mem>>
      %dma_start3A_71 = arith.constant 80 : i32
      %dma_start3A_72 = arith.constant 0 : i32
      %dma_start3A_73 = tpu.memref_slice %arg4[%arg1, %dma_start3A_71, %dma_start3A_72] : memref<16x160x128xi32, #tpu.memory_space<hbm>> -> memref<1x80x128xi32, #tpu.memory_space<hbm>>
      %dma_start3A_74 = tpu.memref_squeeze %dma_start3A_73 : memref<1x80x128xi32, #tpu.memory_space<hbm>> -> memref<80x128xi32, #tpu.memory_space<hbm>>
      %dma_start3A_75 = arith.constant 80 : i32
      %dma_start3A_76 = arith.constant 0 : i32
      %dma_start3A_77 = tpu.memref_slice %arg4[%arg1, %dma_start3A_75, %dma_start3A_76] : memref<16x160x128xi32, #tpu.memory_space<hbm>> -> memref<1x80x128xi32, #tpu.memory_space<hbm>>
      %dma_start3A_78 = tpu.memref_squeeze %dma_start3A_77 : memref<1x80x128xi32, #tpu.memory_space<hbm>> -> memref<80x128xi32, #tpu.memory_space<hbm>>
      tpu.enqueue_dma source(%dma_start3A_78 : memref<80x128xi32, #tpu.memory_space<hbm>>) target(%arg8 : memref<80x128xi32, #tpu.memory_space<vmem>>) target_semaphore(%run_scoped3A : memref<!tpu.dma_semaphore, #tpu.memory_space<semaphore_mem>>)
      %dma_wait3A = arith.constant 80 : i32
      %dma_wait3A_79 = arith.constant 0 : i32
      %dma_wait3A_80 = tpu.memref_slice %arg4[%arg1, %dma_wait3A, %dma_wait3A_79] : memref<16x160x128xi32, #tpu.memory_space<hbm>> -> memref<1x80x128xi32, #tpu.memory_space<hbm>>
      %dma_wait3A_81 = tpu.memref_squeeze %dma_wait3A_80 : memref<1x80x128xi32, #tpu.memory_space<hbm>> -> memref<80x128xi32, #tpu.memory_space<hbm>>
      %dma_wait3A_82 = arith.constant 80 : i32
      %dma_wait3A_83 = arith.constant 0 : i32
      %dma_wait3A_84 = tpu.memref_slice %arg4[%arg1, %dma_wait3A_82, %dma_wait3A_83] : memref<16x160x128xi32, #tpu.memory_space<hbm>> -> memref<1x80x128xi32, #tpu.memory_space<hbm>>
      %dma_wait3A_85 = tpu.memref_squeeze %dma_wait3A_84 : memref<1x80x128xi32, #tpu.memory_space<hbm>> -> memref<80x128xi32, #tpu.memory_space<hbm>>
      tpu.wait_dma2 semaphore(%run_scoped3A : memref<!tpu.dma_semaphore, #tpu.memory_space<semaphore_mem>>) src(%dma_wait3A_85 : memref<80x128xi32, #tpu.memory_space<hbm>>) dst(%arg8 : memref<80x128xi32, #tpu.memory_space<vmem>>)
      tpu.yield
    }) : () -> ()
    "tpu.region"() ({
      %run_scoped3A = tpu.sem_alloc : memref<!tpu.dma_semaphore, #tpu.memory_space<semaphore_mem>>
      %dma_start3A_71 = arith.constant 80 : i32
      %dma_start3A_72 = arith.constant 0 : i32
      %dma_start3A_73 = tpu.memref_slice %arg5[%arg1, %dma_start3A_71, %dma_start3A_72] : memref<16x160x128xi32, #tpu.memory_space<hbm>> -> memref<1x80x128xi32, #tpu.memory_space<hbm>>
      %dma_start3A_74 = tpu.memref_squeeze %dma_start3A_73 : memref<1x80x128xi32, #tpu.memory_space<hbm>> -> memref<80x128xi32, #tpu.memory_space<hbm>>
      %dma_start3A_75 = arith.constant 80 : i32
      %dma_start3A_76 = arith.constant 0 : i32
      %dma_start3A_77 = tpu.memref_slice %arg5[%arg1, %dma_start3A_75, %dma_start3A_76] : memref<16x160x128xi32, #tpu.memory_space<hbm>> -> memref<1x80x128xi32, #tpu.memory_space<hbm>>
      %dma_start3A_78 = tpu.memref_squeeze %dma_start3A_77 : memref<1x80x128xi32, #tpu.memory_space<hbm>> -> memref<80x128xi32, #tpu.memory_space<hbm>>
      tpu.enqueue_dma source(%dma_start3A_78 : memref<80x128xi32, #tpu.memory_space<hbm>>) target(%arg9 : memref<80x128xi32, #tpu.memory_space<vmem>>) target_semaphore(%run_scoped3A : memref<!tpu.dma_semaphore, #tpu.memory_space<semaphore_mem>>)
      %dma_wait3A = arith.constant 80 : i32
      %dma_wait3A_79 = arith.constant 0 : i32
      %dma_wait3A_80 = tpu.memref_slice %arg5[%arg1, %dma_wait3A, %dma_wait3A_79] : memref<16x160x128xi32, #tpu.memory_space<hbm>> -> memref<1x80x128xi32, #tpu.memory_space<hbm>>
      %dma_wait3A_81 = tpu.memref_squeeze %dma_wait3A_80 : memref<1x80x128xi32, #tpu.memory_space<hbm>> -> memref<80x128xi32, #tpu.memory_space<hbm>>
      %dma_wait3A_82 = arith.constant 80 : i32
      %dma_wait3A_83 = arith.constant 0 : i32
      %dma_wait3A_84 = tpu.memref_slice %arg5[%arg1, %dma_wait3A_82, %dma_wait3A_83] : memref<16x160x128xi32, #tpu.memory_space<hbm>> -> memref<1x80x128xi32, #tpu.memory_space<hbm>>
      %dma_wait3A_85 = tpu.memref_squeeze %dma_wait3A_84 : memref<1x80x128xi32, #tpu.memory_space<hbm>> -> memref<80x128xi32, #tpu.memory_space<hbm>>
      tpu.wait_dma2 semaphore(%run_scoped3A : memref<!tpu.dma_semaphore, #tpu.memory_space<semaphore_mem>>) src(%dma_wait3A_85 : memref<80x128xi32, #tpu.memory_space<hbm>>) dst(%arg9 : memref<80x128xi32, #tpu.memory_space<vmem>>)
      tpu.yield
    }) : () -> ()
    %dma_start3A_46 = arith.constant 0 : i32
    %dma_start3A_47 = arith.constant 0 : i32
    %dma_start3A_48 = tpu.memref_slice %arg8[%dma_start3A_46, %dma_start3A_47] : memref<80x128xi32, #tpu.memory_space<vmem>> -> memref<1x128xi32, #tpu.memory_space<vmem>>
    %dma_start3A_49 = tpu.memref_squeeze %dma_start3A_48 : memref<1x128xi32, #tpu.memory_space<vmem>> -> memref<128xi32, #tpu.memory_space<vmem>>
    %dma_start3A_50 = arith.constant 0 : i32
    %dma_start3A_51 = arith.constant 0 : i32
    %dma_start3A_52 = tpu.memref_slice %arg14[%dma_start3A_50, %dma_start3A_51] : memref<10240x32xf32, #tpu.memory_space<vmem_shared>> -> memref<10240x32xf32, #tpu.memory_space<vmem_shared>>
    tpu.enqueue_indirect_dma source(%dma_start3A_52 : memref<10240x32xf32, #tpu.memory_space<vmem_shared>>) target(%arg10 : memref<128x32xf32, #tpu.memory_space<vmem>>) offsets(%dma_start3A_49 : memref<128xi32, #tpu.memory_space<vmem>>) semaphore(%arg12 : memref<!tpu.dma_semaphore, #tpu.memory_space<semaphore_mem>>)
    %scan3A_53 = arith.constant 0 : i32
    %scan3A_54 = arith.constant 0 : i32
    %scan3A_55 = arith.constant 40 : i32
    %scan3A_56 = arith.addi %scan3A_54, %scan3A_55 : i32
    %scan3A_57 = arith.constant 1 : i32
    %scan3A_58 = scf.for %scan3A_71 = %scan3A_54 to %scan3A_56 step %scan3A_57 iter_args(%scan3A_72 = %scan3A_53) -> (i32)  : i32 {
      %mul3A_73 = arith.constant 2 : i32
      %mul3A_74 = arith.muli %scan3A_71, %mul3A_73 : i32
      %dma_wait3A = arith.constant 0 : i32
      %dma_wait3A_75 = tpu.memref_slice %arg8[%mul3A_74, %dma_wait3A] : memref<80x128xi32, #tpu.memory_space<vmem>> -> memref<1x128xi32, #tpu.memory_space<vmem>>
      %dma_wait3A_76 = tpu.memref_squeeze %dma_wait3A_75 : memref<1x128xi32, #tpu.memory_space<vmem>> -> memref<128xi32, #tpu.memory_space<vmem>>
      %dma_wait3A_77 = arith.constant 0 : i32
      %dma_wait3A_78 = arith.constant 0 : i32
      %dma_wait3A_79 = tpu.memref_slice %arg14[%dma_wait3A_77, %dma_wait3A_78] : memref<10240x32xf32, #tpu.memory_space<vmem_shared>> -> memref<10240x32xf32, #tpu.memory_space<vmem_shared>>
      tpu.wait_indirect_dma semaphore(%arg12 : memref<!tpu.dma_semaphore, #tpu.memory_space<semaphore_mem>>) src(%dma_wait3A_79 : memref<10240x32xf32, #tpu.memory_space<vmem_shared>>) dst(%arg10 : memref<128x32xf32, #tpu.memory_space<vmem>>)
      %add3A_80 = arith.constant 1 : i32
      %add3A_81 = arith.addi %mul3A_74, %add3A_80 : i32
      %dma_start3A_82 = arith.constant 0 : i32
      %dma_start3A_83 = tpu.memref_slice %arg8[%add3A_81, %dma_start3A_82] : memref<80x128xi32, #tpu.memory_space<vmem>> -> memref<1x128xi32, #tpu.memory_space<vmem>>
      %dma_start3A_84 = tpu.memref_squeeze %dma_start3A_83 : memref<1x128xi32, #tpu.memory_space<vmem>> -> memref<128xi32, #tpu.memory_space<vmem>>
      %dma_start3A_85 = arith.constant 0 : i32
      %dma_start3A_86 = arith.constant 0 : i32
      %dma_start3A_87 = tpu.memref_slice %arg14[%dma_start3A_85, %dma_start3A_86] : memref<10240x32xf32, #tpu.memory_space<vmem_shared>> -> memref<10240x32xf32, #tpu.memory_space<vmem_shared>>
      tpu.enqueue_indirect_dma source(%dma_start3A_87 : memref<10240x32xf32, #tpu.memory_space<vmem_shared>>) target(%arg11 : memref<128x32xf32, #tpu.memory_space<vmem>>) offsets(%dma_start3A_84 : memref<128xi32, #tpu.memory_space<vmem>>) semaphore(%arg13 : memref<!tpu.dma_semaphore, #tpu.memory_space<semaphore_mem>>)
      "tpu.region"() ({
        %run_scoped3A = tpu.sem_alloc : memref<!tpu.dma_semaphore, #tpu.memory_space<semaphore_mem>>
        %dma_start3A_105 = arith.constant 0 : i32
        %dma_start3A_106 = tpu.memref_slice %arg9[%mul3A_74, %dma_start3A_105] : memref<80x128xi32, #tpu.memory_space<vmem>> -> memref<1x128xi32, #tpu.memory_space<vmem>>
        %dma_start3A_107 = tpu.memref_squeeze %dma_start3A_106 : memref<1x128xi32, #tpu.memory_space<vmem>> -> memref<128xi32, #tpu.memory_space<vmem>>
        %dma_start3A_108 = arith.constant 0 : i32
        %dma_start3A_109 = arith.constant 0 : i32
        %dma_start3A_110 = tpu.memref_slice %arg15[%dma_start3A_108, %dma_start3A_109] : memref<10240x32xf32, #tpu.memory_space<vmem_shared>> -> memref<10240x32xf32, #tpu.memory_space<vmem_shared>>
        tpu.enqueue_indirect_dma source(%arg10 : memref<128x32xf32, #tpu.memory_space<vmem>>) target(%dma_start3A_110 : memref<10240x32xf32, #tpu.memory_space<vmem_shared>>) offsets(%dma_start3A_107 : memref<128xi32, #tpu.memory_space<vmem>>) semaphore(%run_scoped3A : memref<!tpu.dma_semaphore, #tpu.memory_space<semaphore_mem>>) {add = true}
        %dma_wait3A_111 = arith.constant 0 : i32
        %dma_wait3A_112 = tpu.memref_slice %arg9[%mul3A_74, %dma_wait3A_111] : memref<80x128xi32, #tpu.memory_space<vmem>> -> memref<1x128xi32, #tpu.memory_space<vmem>>
        %dma_wait3A_113 = tpu.memref_squeeze %dma_wait3A_112 : memref<1x128xi32, #tpu.memory_space<vmem>> -> memref<128xi32, #tpu.memory_space<vmem>>
        %dma_wait3A_114 = arith.constant 0 : i32
        %dma_wait3A_115 = arith.constant 0 : i32
        %dma_wait3A_116 = tpu.memref_slice %arg15[%dma_wait3A_114, %dma_wait3A_115] : memref<10240x32xf32, #tpu.memory_space<vmem_shared>> -> memref<10240x32xf32, #tpu.memory_space<vmem_shared>>
        tpu.wait_indirect_dma semaphore(%run_scoped3A : memref<!tpu.dma_semaphore, #tpu.memory_space<semaphore_mem>>) src(%arg10 : memref<128x32xf32, #tpu.memory_space<vmem>>) dst(%dma_wait3A_116 : memref<10240x32xf32, #tpu.memory_space<vmem_shared>>)
        tpu.yield
      }) : () -> ()
      %add3A_88 = arith.constant 1 : i32
      %add3A_89 = arith.addi %mul3A_74, %add3A_88 : i32
      %dma_wait3A_90 = arith.constant 0 : i32
      %dma_wait3A_91 = tpu.memref_slice %arg8[%add3A_89, %dma_wait3A_90] : memref<80x128xi32, #tpu.memory_space<vmem>> -> memref<1x128xi32, #tpu.memory_space<vmem>>
      %dma_wait3A_92 = tpu.memref_squeeze %dma_wait3A_91 : memref<1x128xi32, #tpu.memory_space<vmem>> -> memref<128xi32, #tpu.memory_space<vmem>>
      %dma_wait3A_93 = arith.constant 0 : i32
      %dma_wait3A_94 = arith.constant 0 : i32
      %dma_wait3A_95 = tpu.memref_slice %arg14[%dma_wait3A_93, %dma_wait3A_94] : memref<10240x32xf32, #tpu.memory_space<vmem_shared>> -> memref<10240x32xf32, #tpu.memory_space<vmem_shared>>
      tpu.wait_indirect_dma semaphore(%arg13 : memref<!tpu.dma_semaphore, #tpu.memory_space<semaphore_mem>>) src(%dma_wait3A_95 : memref<10240x32xf32, #tpu.memory_space<vmem_shared>>) dst(%arg11 : memref<128x32xf32, #tpu.memory_space<vmem>>)
      %add3A_96 = arith.constant 2 : i32
      %add3A_97 = arith.addi %mul3A_74, %add3A_96 : i32
      %lt3A = arith.constant 80 : i32
      %lt3A_98 = arith.cmpi slt, %add3A_97, %lt3A : i32
      %convert_element_type3A_99 = arith.extui %lt3A_98 : i1 to i32
      %cond3A_100 = arith.constant 0 : i32
      %cond3A_101 = arith.cmpi ne, %convert_element_type3A_99, %cond3A_100 : i32
      scf.if %cond3A_101 {
        %add3A_105 = arith.constant 2 : i32
        %add3A_106 = arith.addi %mul3A_74, %add3A_105 : i32
        %dma_start3A_107 = arith.constant 0 : i32
        %dma_start3A_108 = tpu.memref_slice %arg8[%add3A_106, %dma_start3A_107] : memref<80x128xi32, #tpu.memory_space<vmem>> -> memref<1x128xi32, #tpu.memory_space<vmem>>
        %dma_start3A_109 = tpu.memref_squeeze %dma_start3A_108 : memref<1x128xi32, #tpu.memory_space<vmem>> -> memref<128xi32, #tpu.memory_space<vmem>>
        %dma_start3A_110 = arith.constant 0 : i32
        %dma_start3A_111 = arith.constant 0 : i32
        %dma_start3A_112 = tpu.memref_slice %arg14[%dma_start3A_110, %dma_start3A_111] : memref<10240x32xf32, #tpu.memory_space<vmem_shared>> -> memref<10240x32xf32, #tpu.memory_space<vmem_shared>>
        tpu.enqueue_indirect_dma source(%dma_start3A_112 : memref<10240x32xf32, #tpu.memory_space<vmem_shared>>) target(%arg10 : memref<128x32xf32, #tpu.memory_space<vmem>>) offsets(%dma_start3A_109 : memref<128xi32, #tpu.memory_space<vmem>>) semaphore(%arg12 : memref<!tpu.dma_semaphore, #tpu.memory_space<semaphore_mem>>)
      } else {
      }
      %add3A_102 = arith.constant 1 : i32
      %add3A_103 = arith.addi %mul3A_74, %add3A_102 : i32
      "tpu.region"() ({
        %run_scoped3A = tpu.sem_alloc : memref<!tpu.dma_semaphore, #tpu.memory_space<semaphore_mem>>
        %dma_start3A_105 = arith.constant 0 : i32
        %dma_start3A_106 = tpu.memref_slice %arg9[%add3A_103, %dma_start3A_105] : memref<80x128xi32, #tpu.memory_space<vmem>> -> memref<1x128xi32, #tpu.memory_space<vmem>>
        %dma_start3A_107 = tpu.memref_squeeze %dma_start3A_106 : memref<1x128xi32, #tpu.memory_space<vmem>> -> memref<128xi32, #tpu.memory_space<vmem>>
        %dma_start3A_108 = arith.constant 0 : i32
        %dma_start3A_109 = arith.constant 0 : i32
        %dma_start3A_110 = tpu.memref_slice %arg15[%dma_start3A_108, %dma_start3A_109] : memref<10240x32xf32, #tpu.memory_space<vmem_shared>> -> memref<10240x32xf32, #tpu.memory_space<vmem_shared>>
        tpu.enqueue_indirect_dma source(%arg11 : memref<128x32xf32, #tpu.memory_space<vmem>>) target(%dma_start3A_110 : memref<10240x32xf32, #tpu.memory_space<vmem_shared>>) offsets(%dma_start3A_107 : memref<128xi32, #tpu.memory_space<vmem>>) semaphore(%run_scoped3A : memref<!tpu.dma_semaphore, #tpu.memory_space<semaphore_mem>>) {add = true}
        %dma_wait3A_111 = arith.constant 0 : i32
        %dma_wait3A_112 = tpu.memref_slice %arg9[%add3A_103, %dma_wait3A_111] : memref<80x128xi32, #tpu.memory_space<vmem>> -> memref<1x128xi32, #tpu.memory_space<vmem>>
        %dma_wait3A_113 = tpu.memref_squeeze %dma_wait3A_112 : memref<1x128xi32, #tpu.memory_space<vmem>> -> memref<128xi32, #tpu.memory_space<vmem>>
        %dma_wait3A_114 = arith.constant 0 : i32
        %dma_wait3A_115 = arith.constant 0 : i32
        %dma_wait3A_116 = tpu.memref_slice %arg15[%dma_wait3A_114, %dma_wait3A_115] : memref<10240x32xf32, #tpu.memory_space<vmem_shared>> -> memref<10240x32xf32, #tpu.memory_space<vmem_shared>>
        tpu.wait_indirect_dma semaphore(%run_scoped3A : memref<!tpu.dma_semaphore, #tpu.memory_space<semaphore_mem>>) src(%arg11 : memref<128x32xf32, #tpu.memory_space<vmem>>) dst(%dma_wait3A_116 : memref<10240x32xf32, #tpu.memory_space<vmem_shared>>)
        tpu.yield
      }) : () -> ()
      %scan3A_104 = arith.constant 0 : i32
      scf.yield %scan3A_104 : i32
    }
    %scan3A_59 = arith.constant 40 : i32
    %barrier3A_60 = arith.constant 0 : index
    tpu.barrier barrier_id(%barrier3A_60)
    %eq3A_61 = arith.constant 0 : i32
    %eq3A_62 = arith.cmpi eq, %arg0, %eq3A_61 : i32
    %convert_element_type3A_63 = arith.extui %eq3A_62 : i1 to i32
    %cond3A_64 = arith.constant 0 : i32
    %cond3A_65 = arith.cmpi ne, %convert_element_type3A_63, %cond3A_64 : i32
    scf.if %cond3A_65 {
      "tpu.region"() ({
        %run_scoped3A = tpu.sem_alloc : memref<!tpu.dma_semaphore, #tpu.memory_space<semaphore_mem>>
        %dma_start3A_71 = arith.constant 0 : i32
        %dma_start3A_72 = tpu.memref_slice %arg6[%mul3A_25, %dma_start3A_71] : memref<10240x32xf32, #tpu.memory_space<hbm>> -> memref<640x32xf32, #tpu.memory_space<hbm>>
        %dma_start3A_73 = arith.constant 0 : i32
        %dma_start3A_74 = tpu.memref_slice %arg15[%mul3A_25, %dma_start3A_73] : memref<10240x32xf32, #tpu.memory_space<vmem_shared>> -> memref<640x32xf32, #tpu.memory_space<vmem_shared>>
        tpu.enqueue_dma source(%dma_start3A_74 : memref<640x32xf32, #tpu.memory_space<vmem_shared>>) target(%dma_start3A_72 : memref<640x32xf32, #tpu.memory_space<hbm>>) target_semaphore(%run_scoped3A : memref<!tpu.dma_semaphore, #tpu.memory_space<semaphore_mem>>)
        %dma_wait3A = arith.constant 0 : i32
        %dma_wait3A_75 = tpu.memref_slice %arg6[%mul3A_25, %dma_wait3A] : memref<10240x32xf32, #tpu.memory_space<hbm>> -> memref<640x32xf32, #tpu.memory_space<hbm>>
        %dma_wait3A_76 = arith.constant 0 : i32
        %dma_wait3A_77 = tpu.memref_slice %arg15[%mul3A_25, %dma_wait3A_76] : memref<10240x32xf32, #tpu.memory_space<vmem_shared>> -> memref<640x32xf32, #tpu.memory_space<vmem_shared>>
        tpu.wait_dma2 semaphore(%run_scoped3A : memref<!tpu.dma_semaphore, #tpu.memory_space<semaphore_mem>>) src(%dma_wait3A_77 : memref<640x32xf32, #tpu.memory_space<vmem_shared>>) dst(%dma_wait3A_75 : memref<640x32xf32, #tpu.memory_space<hbm>>)
        tpu.yield
      }) : () -> ()
    } else {
    }
    %eq3A_66 = arith.constant 1 : i32
    %eq3A_67 = arith.cmpi eq, %arg0, %eq3A_66 : i32
    %convert_element_type3A_68 = arith.extui %eq3A_67 : i1 to i32
    %cond3A_69 = arith.constant 0 : i32
    %cond3A_70 = arith.cmpi ne, %convert_element_type3A_68, %cond3A_69 : i32
    scf.if %cond3A_70 {
      "tpu.region"() ({
        %run_scoped3A = tpu.sem_alloc : memref<!tpu.dma_semaphore, #tpu.memory_space<semaphore_mem>>
        %dma_start3A_71 = arith.constant 0 : i32
        %dma_start3A_72 = tpu.memref_slice %arg7[%mul3A_25, %dma_start3A_71] : memref<10240x32xf32, #tpu.memory_space<hbm>> -> memref<640x32xf32, #tpu.memory_space<hbm>>
        %dma_start3A_73 = arith.constant 0 : i32
        %dma_start3A_74 = tpu.memref_slice %arg15[%mul3A_25, %dma_start3A_73] : memref<10240x32xf32, #tpu.memory_space<vmem_shared>> -> memref<640x32xf32, #tpu.memory_space<vmem_shared>>
        tpu.enqueue_dma source(%dma_start3A_74 : memref<640x32xf32, #tpu.memory_space<vmem_shared>>) target(%dma_start3A_72 : memref<640x32xf32, #tpu.memory_space<hbm>>) target_semaphore(%run_scoped3A : memref<!tpu.dma_semaphore, #tpu.memory_space<semaphore_mem>>)
        %dma_wait3A = arith.constant 0 : i32
        %dma_wait3A_75 = tpu.memref_slice %arg7[%mul3A_25, %dma_wait3A] : memref<10240x32xf32, #tpu.memory_space<hbm>> -> memref<640x32xf32, #tpu.memory_space<hbm>>
        %dma_wait3A_76 = arith.constant 0 : i32
        %dma_wait3A_77 = tpu.memref_slice %arg15[%mul3A_25, %dma_wait3A_76] : memref<10240x32xf32, #tpu.memory_space<vmem_shared>> -> memref<640x32xf32, #tpu.memory_space<vmem_shared>>
        tpu.wait_dma2 semaphore(%run_scoped3A : memref<!tpu.dma_semaphore, #tpu.memory_space<semaphore_mem>>) src(%dma_wait3A_77 : memref<640x32xf32, #tpu.memory_space<vmem_shared>>) dst(%dma_wait3A_75 : memref<640x32xf32, #tpu.memory_space<hbm>>)
        tpu.yield
      }) : () -> ()
    } else {
    }
    return
  }
}

module attributes {stable_mosaic.version = 14 : i64} {
  func.func @_mm0_body(%arg0: i32, %arg1: memref<1024x128xf32, #tpu.memory_space<vmem>>, %arg2: memref<128x128xf32, #tpu.memory_space<vmem>>, %arg3: memref<1024x128xf32, #tpu.memory_space<vmem>>) attributes {dimension_semantics = [#tpu.dimension_semantics<arbitrary>], iteration_bounds = array<i64: 10>, scalar_prefetch = 0 : i64, scratch_operands = 0 : i64, tpu.core_type = #tpu.core_type<tc>, window_params = [{transform_indices = @transform_0, window_bounds = array<i64: 1024, 128>}, {pipeline_mode = #tpu.pipeline_mode<synchronous>, transform_indices = @transform_1, window_bounds = array<i64: 128, 128>}, {transform_indices = @transform_2, window_bounds = array<i64: 1024, 128>}]} {
    %get3A = arith.constant 0 : index
    %get3A_0 = arith.constant 0 : index
    %get3A_1 = vector.load %arg1[%get3A, %get3A_0] : memref<1024x128xf32, #tpu.memory_space<vmem>>, vector<1024x128xf32>
    %get3A_2 = arith.constant 0 : index
    %get3A_3 = arith.constant 0 : index
    %get3A_4 = vector.load %arg2[%get3A_2, %get3A_3] : memref<128x128xf32, #tpu.memory_space<vmem>>, vector<128x128xf32>
    %dot_general3A = arith.constant dense<0.000000e+00> : vector<1024x128xf32>
    %dot_general3A_5 = tpu.matmul %get3A_1, %get3A_4, %dot_general3A {dimension_numbers = #tpu.dot_dimension_numbers<[1], [0], [0], [1], [0, 0, 1, 1], [], []>, precision = #tpu.contract_precision<fp32>, transpose_lhs_hint = false} : vector<1024x128xf32>, vector<128x128xf32>, vector<1024x128xf32> -> vector<1024x128xf32>
    %swap3A = arith.constant 0 : index
    %swap3A_6 = arith.constant 0 : index
    %swap3A_7 = vector.load %arg3[%swap3A, %swap3A_6] : memref<1024x128xf32, #tpu.memory_space<vmem>>, vector<1024x128xf32>
    tpu.vector_store %arg3[%swap3A, %swap3A_6], %dot_general3A_5 {strides = array<i32>} : memref<1024x128xf32, #tpu.memory_space<vmem>>, vector<1024x128xf32>,
    return
  }
  func.func @transform_0(%arg0: i32) -> (i32, i32) {
    %c0_i32 = arith.constant 0 : i32
    %c0_i32_0 = arith.constant 0 : i32
    return %arg0, %c0_i32 : i32, i32
  }
  func.func @transform_1(%arg0: i32) -> (i32, i32) {
    %c0_i32 = arith.constant 0 : i32
    %c0_i32_0 = arith.constant 0 : i32
    %c0_i32_1 = arith.constant 0 : i32
    return %c0_i32, %c0_i32_0 : i32, i32
  }
  func.func @transform_2(%arg0: i32) -> (i32, i32) {
    %c0_i32 = arith.constant 0 : i32
    %c0_i32_0 = arith.constant 0 : i32
    return %arg0, %c0_i32 : i32, i32
  }
}

module attributes {stable_mosaic.version = 14 : i64} {
  func.func @_mm1_body(%arg0: i32, %arg1: memref<1024x128xf32, #tpu.memory_space<vmem>>, %arg2: memref<1024x1xf32, #tpu.memory_space<vmem>>, %arg3: memref<1024x1xf32, #tpu.memory_space<vmem>>, %arg4: memref<1024x64xf32, #tpu.memory_space<vmem>>, %arg5: memref<1024x64xf32, #tpu.memory_space<vmem>>, %arg6: memref<1024x1xf32, #tpu.memory_space<vmem>>) attributes {dimension_semantics = [#tpu.dimension_semantics<arbitrary>], iteration_bounds = array<i64: 10>, scalar_prefetch = 0 : i64, scratch_operands = 0 : i64, tpu.core_type = #tpu.core_type<tc>, window_params = [{transform_indices = @transform_0, window_bounds = array<i64: 1024, 128>}, {transform_indices = @transform_1, window_bounds = array<i64: 1024, 1>}, {transform_indices = @transform_2, window_bounds = array<i64: 1024, 1>}, {transform_indices = @transform_3, window_bounds = array<i64: 1024, 64>}, {transform_indices = @transform_4, window_bounds = array<i64: 1024, 64>}, {transform_indices = @transform_5, window_bounds = array<i64: 1024, 1>}]} {
    %get3A = arith.constant 0 : index
    %get3A_0 = arith.constant 0 : index
    %get3A_1 = vector.load %arg2[%get3A, %get3A_0] : memref<1024x1xf32, #tpu.memory_space<vmem>>, vector<1024x1xf32>
    %get3A_2 = arith.constant 0 : index
    %get3A_3 = arith.constant 0 : index
    %get3A_4 = vector.load %arg3[%get3A_2, %get3A_3] : memref<1024x1xf32, #tpu.memory_space<vmem>>, vector<1024x1xf32>
    %add3A = arith.addf %get3A_1, %get3A_4 : vector<1024x1xf32>
    %add3A_5 = arith.constant 1.000000e+00 : f32
    %add3A_6 = vector.broadcast %add3A_5 : f32 to vector<1024x1xf32>
    %add3A_7 = arith.addf %add3A, %add3A_6 : vector<1024x1xf32>
    %max3A = arith.constant 1.000000e+00 : f32
    %max3A_8 = vector.broadcast %max3A : f32 to vector<1024x1xf32>
    %max3A_9 = arith.maximumf %add3A_7, %max3A_8 : vector<1024x1xf32>
    %rsqrt3A = math.rsqrt %max3A_9 : vector<1024x1xf32>
    %get3A_10 = arith.constant 0 : index
    %get3A_11 = arith.constant 0 : index
    %get3A_12 = vector.load %arg1[%get3A_10, %get3A_11] : memref<1024x128xf32, #tpu.memory_space<vmem>>, vector<1024x128xf32>
    %mul3A = vector.broadcast %rsqrt3A : vector<1024x1xf32> to vector<1024x128xf32>
    %mul3A_13 = arith.mulf %get3A_12, %mul3A : vector<1024x128xf32>
    %slice3A = vector.extract_strided_slice %mul3A_13 {offsets = [0, 0], sizes = [1024, 64], strides = [1, 1]} : vector<1024x128xf32> to vector<1024x64xf32>
    %swap3A = arith.constant 0 : index
    %swap3A_14 = arith.constant 0 : index
    %swap3A_15 = vector.load %arg4[%swap3A, %swap3A_14] : memref<1024x64xf32, #tpu.memory_space<vmem>>, vector<1024x64xf32>
    tpu.vector_store %arg4[%swap3A, %swap3A_14], %slice3A {strides = array<i32>} : memref<1024x64xf32, #tpu.memory_space<vmem>>, vector<1024x64xf32>,
    %slice3A_16 = vector.extract_strided_slice %mul3A_13 {offsets = [0, 64], sizes = [1024, 64], strides = [1, 1]} : vector<1024x128xf32> to vector<1024x64xf32>
    %swap3A_17 = arith.constant 0 : index
    %swap3A_18 = arith.constant 0 : index
    %swap3A_19 = vector.load %arg5[%swap3A_17, %swap3A_18] : memref<1024x64xf32, #tpu.memory_space<vmem>>, vector<1024x64xf32>
    tpu.vector_store %arg5[%swap3A_17, %swap3A_18], %slice3A_16 {strides = array<i32>} : memref<1024x64xf32, #tpu.memory_space<vmem>>, vector<1024x64xf32>,
    %swap3A_20 = arith.constant 0 : index
    %swap3A_21 = arith.constant 0 : index
    %swap3A_22 = vector.load %arg6[%swap3A_20, %swap3A_21] : memref<1024x1xf32, #tpu.memory_space<vmem>>, vector<1024x1xf32>
    tpu.vector_store %arg6[%swap3A_20, %swap3A_21], %rsqrt3A {strides = array<i32>} : memref<1024x1xf32, #tpu.memory_space<vmem>>, vector<1024x1xf32>,
    return
  }
  func.func @transform_0(%arg0: i32) -> (i32, i32) {
    %c0_i32 = arith.constant 0 : i32
    %c0_i32_0 = arith.constant 0 : i32
    return %arg0, %c0_i32 : i32, i32
  }
  func.func @transform_1(%arg0: i32) -> (i32, i32) {
    %c0_i32 = arith.constant 0 : i32
    %c0_i32_0 = arith.constant 0 : i32
    return %arg0, %c0_i32 : i32, i32
  }
  func.func @transform_2(%arg0: i32) -> (i32, i32) {
    %c0_i32 = arith.constant 0 : i32
    %c0_i32_0 = arith.constant 0 : i32
    return %arg0, %c0_i32 : i32, i32
  }
  func.func @transform_3(%arg0: i32) -> (i32, i32) {
    %c0_i32 = arith.constant 0 : i32
    %c0_i32_0 = arith.constant 0 : i32
    return %arg0, %c0_i32 : i32, i32
  }
  func.func @transform_4(%arg0: i32) -> (i32, i32) {
    %c0_i32 = arith.constant 0 : i32
    %c0_i32_0 = arith.constant 0 : i32
    return %arg0, %c0_i32 : i32, i32
  }
  func.func @transform_5(%arg0: i32) -> (i32, i32) {
    %c0_i32 = arith.constant 0 : i32
    %c0_i32_0 = arith.constant 0 : i32
    return %arg0, %c0_i32 : i32, i32
  }
}

module attributes {stable_mosaic.version = 14 : i64} {
  func.func @_mm2_body(%arg0: i32, %arg1: memref<1024x64xf32, #tpu.memory_space<vmem>>, %arg2: memref<1024x64xf32, #tpu.memory_space<vmem>>, %arg3: memref<1024x64xf32, #tpu.memory_space<vmem>>, %arg4: memref<1024x64xf32, #tpu.memory_space<vmem>>, %arg5: memref<1024x1xf32, #tpu.memory_space<vmem>>, %arg6: memref<128x64xf32, #tpu.memory_space<vmem>>, %arg7: memref<1x128xf32, #tpu.memory_space<vmem>>, %arg8: memref<1024x32xf32, #tpu.memory_space<vmem>>, %arg9: memref<1024x32xf32, #tpu.memory_space<vmem>>) attributes {dimension_semantics = [#tpu.dimension_semantics<arbitrary>], iteration_bounds = array<i64: 10>, scalar_prefetch = 0 : i64, scratch_operands = 0 : i64, tpu.core_type = #tpu.core_type<tc>, window_params = [{transform_indices = @transform_0, window_bounds = array<i64: 1024, 64>}, {transform_indices = @transform_1, window_bounds = array<i64: 1024, 64>}, {transform_indices = @transform_2, window_bounds = array<i64: 1024, 64>}, {transform_indices = @transform_3, window_bounds = array<i64: 1024, 64>}, {transform_indices = @transform_4, window_bounds = array<i64: 1024, 1>}, {pipeline_mode = #tpu.pipeline_mode<synchronous>, transform_indices = @transform_5, window_bounds = array<i64: 128, 64>}, {pipeline_mode = #tpu.pipeline_mode<synchronous>, transform_indices = @transform_6, window_bounds = array<i64: 1, 128>}, {transform_indices = @transform_7, window_bounds = array<i64: 1024, 32>}, {transform_indices = @transform_8, window_bounds = array<i64: 1024, 32>}]} {
    %get3A = arith.constant 0 : index
    %get3A_0 = arith.constant 0 : index
    %get3A_1 = vector.load %arg5[%get3A, %get3A_0] : memref<1024x1xf32, #tpu.memory_space<vmem>>, vector<1024x1xf32>
    %get3A_2 = arith.constant 0 : index
    %get3A_3 = arith.constant 0 : index
    %get3A_4 = vector.load %arg1[%get3A_2, %get3A_3] : memref<1024x64xf32, #tpu.memory_space<vmem>>, vector<1024x64xf32>
    %get3A_5 = arith.constant 0 : index
    %get3A_6 = arith.constant 0 : index
    %get3A_7 = vector.load %arg3[%get3A_5, %get3A_6] : memref<1024x64xf32, #tpu.memory_space<vmem>>, vector<1024x64xf32>
    %add3A = arith.addf %get3A_4, %get3A_7 : vector<1024x64xf32>
    %get3A_8 = arith.constant 0 : index
    %get3A_9 = arith.constant 0 : index
    %get3A_10 = vector.load %arg2[%get3A_8, %get3A_9] : memref<1024x64xf32, #tpu.memory_space<vmem>>, vector<1024x64xf32>
    %get3A_11 = arith.constant 0 : index
    %get3A_12 = arith.constant 0 : index
    %get3A_13 = vector.load %arg4[%get3A_11, %get3A_12] : memref<1024x64xf32, #tpu.memory_space<vmem>>, vector<1024x64xf32>
    %add3A_14 = arith.addf %get3A_10, %get3A_13 : vector<1024x64xf32>
    %concatenate3A = tpu.concatenate %add3A, %add3A_14 in 1 : vector<1024x64xf32>, vector<1024x64xf32> -> vector<1024x128xf32>
    %mul3A = vector.broadcast %get3A_1 : vector<1024x1xf32> to vector<1024x128xf32>
    %mul3A_15 = arith.mulf %mul3A, %concatenate3A : vector<1024x128xf32>
    %get3A_16 = arith.constant 0 : index
    %get3A_17 = arith.constant 0 : index
    %get3A_18 = vector.load %arg7[%get3A_16, %get3A_17] : memref<1x128xf32, #tpu.memory_space<vmem>>, vector<1x128xf32>
    %add3A_19 = vector.broadcast %get3A_18 : vector<1x128xf32> to vector<1024x128xf32>
    %add3A_20 = arith.addf %mul3A_15, %add3A_19 : vector<1024x128xf32>
    %max3A = arith.constant 0.000000e+00 : f32
    %max3A_21 = vector.broadcast %max3A : f32 to vector<1024x128xf32>
    %max3A_22 = arith.maximumf %add3A_20, %max3A_21 : vector<1024x128xf32>
    %get3A_23 = arith.constant 0 : index
    %get3A_24 = arith.constant 0 : index
    %get3A_25 = vector.load %arg6[%get3A_23, %get3A_24] : memref<128x64xf32, #tpu.memory_space<vmem>>, vector<128x64xf32>
    %dot_general3A = arith.constant dense<0.000000e+00> : vector<1024x64xf32>
    %dot_general3A_26 = tpu.matmul %max3A_22, %get3A_25, %dot_general3A {dimension_numbers = #tpu.dot_dimension_numbers<[1], [0], [0], [1], [0, 0, 1, 1], [], []>, precision = #tpu.contract_precision<fp32>, transpose_lhs_hint = false} : vector<1024x128xf32>, vector<128x64xf32>, vector<1024x64xf32> -> vector<1024x64xf32>
    %mul3A_27 = vector.broadcast %get3A_1 : vector<1024x1xf32> to vector<1024x64xf32>
    %mul3A_28 = arith.mulf %mul3A_27, %dot_general3A_26 : vector<1024x64xf32>
    %slice3A = vector.extract_strided_slice %mul3A_28 {offsets = [0, 0], sizes = [1024, 32], strides = [1, 1]} : vector<1024x64xf32> to vector<1024x32xf32>
    %swap3A = arith.constant 0 : index
    %swap3A_29 = arith.constant 0 : index
    %swap3A_30 = vector.load %arg8[%swap3A, %swap3A_29] : memref<1024x32xf32, #tpu.memory_space<vmem>>, vector<1024x32xf32>
    tpu.vector_store %arg8[%swap3A, %swap3A_29], %slice3A {strides = array<i32>} : memref<1024x32xf32, #tpu.memory_space<vmem>>, vector<1024x32xf32>,
    %slice3A_31 = vector.extract_strided_slice %mul3A_28 {offsets = [0, 32], sizes = [1024, 32], strides = [1, 1]} : vector<1024x64xf32> to vector<1024x32xf32>
    %swap3A_32 = arith.constant 0 : index
    %swap3A_33 = arith.constant 0 : index
    %swap3A_34 = vector.load %arg9[%swap3A_32, %swap3A_33] : memref<1024x32xf32, #tpu.memory_space<vmem>>, vector<1024x32xf32>
    tpu.vector_store %arg9[%swap3A_32, %swap3A_33], %slice3A_31 {strides = array<i32>} : memref<1024x32xf32, #tpu.memory_space<vmem>>, vector<1024x32xf32>,
    return
  }
  func.func @transform_0(%arg0: i32) -> (i32, i32) {
    %c0_i32 = arith.constant 0 : i32
    %c0_i32_0 = arith.constant 0 : i32
    return %arg0, %c0_i32 : i32, i32
  }
  func.func @transform_1(%arg0: i32) -> (i32, i32) {
    %c0_i32 = arith.constant 0 : i32
    %c0_i32_0 = arith.constant 0 : i32
    return %arg0, %c0_i32 : i32, i32
  }
  func.func @transform_2(%arg0: i32) -> (i32, i32) {
    %c0_i32 = arith.constant 0 : i32
    %c0_i32_0 = arith.constant 0 : i32
    return %arg0, %c0_i32 : i32, i32
  }
  func.func @transform_3(%arg0: i32) -> (i32, i32) {
    %c0_i32 = arith.constant 0 : i32
    %c0_i32_0 = arith.constant 0 : i32
    return %arg0, %c0_i32 : i32, i32
  }
  func.func @transform_4(%arg0: i32) -> (i32, i32) {
    %c0_i32 = arith.constant 0 : i32
    %c0_i32_0 = arith.constant 0 : i32
    return %arg0, %c0_i32 : i32, i32
  }
  func.func @transform_5(%arg0: i32) -> (i32, i32) {
    %c0_i32 = arith.constant 0 : i32
    %c0_i32_0 = arith.constant 0 : i32
    %c0_i32_1 = arith.constant 0 : i32
    return %c0_i32, %c0_i32_0 : i32, i32
  }
  func.func @transform_6(%arg0: i32) -> (i32, i32) {
    %c0_i32 = arith.constant 0 : i32
    %c0_i32_0 = arith.constant 0 : i32
    %c0_i32_1 = arith.constant 0 : i32
    return %c0_i32, %c0_i32_0 : i32, i32
  }
  func.func @transform_7(%arg0: i32) -> (i32, i32) {
    %c0_i32 = arith.constant 0 : i32
    %c0_i32_0 = arith.constant 0 : i32
    return %arg0, %c0_i32 : i32, i32
  }
  func.func @transform_8(%arg0: i32) -> (i32, i32) {
    %c0_i32 = arith.constant 0 : i32
    %c0_i32_0 = arith.constant 0 : i32
    return %arg0, %c0_i32 : i32, i32
  }
}

module attributes {stable_mosaic.version = 14 : i64} {
  func.func @_mm3_body(%arg0: i32, %arg1: memref<1024x32xf32, #tpu.memory_space<vmem>>, %arg2: memref<1024x32xf32, #tpu.memory_space<vmem>>, %arg3: memref<1024x32xf32, #tpu.memory_space<vmem>>, %arg4: memref<1024x32xf32, #tpu.memory_space<vmem>>, %arg5: memref<1024x1xf32, #tpu.memory_space<vmem>>, %arg6: memref<1x64xf32, #tpu.memory_space<vmem>>, %arg7: memref<64x1xf32, #tpu.memory_space<vmem>>, %arg8: memref<1024x1xf32, #tpu.memory_space<vmem>>) attributes {dimension_semantics = [#tpu.dimension_semantics<arbitrary>], iteration_bounds = array<i64: 10>, scalar_prefetch = 0 : i64, scratch_operands = 0 : i64, tpu.core_type = #tpu.core_type<tc>, window_params = [{transform_indices = @transform_0, window_bounds = array<i64: 1024, 32>}, {transform_indices = @transform_1, window_bounds = array<i64: 1024, 32>}, {transform_indices = @transform_2, window_bounds = array<i64: 1024, 32>}, {transform_indices = @transform_3, window_bounds = array<i64: 1024, 32>}, {transform_indices = @transform_4, window_bounds = array<i64: 1024, 1>}, {pipeline_mode = #tpu.pipeline_mode<synchronous>, transform_indices = @transform_5, window_bounds = array<i64: 1, 64>}, {pipeline_mode = #tpu.pipeline_mode<synchronous>, transform_indices = @transform_6, window_bounds = array<i64: 64, 1>}, {transform_indices = @transform_7, window_bounds = array<i64: 1024, 1>}]} {
    %get3A = arith.constant 0 : index
    %get3A_0 = arith.constant 0 : index
    %get3A_1 = vector.load %arg1[%get3A, %get3A_0] : memref<1024x32xf32, #tpu.memory_space<vmem>>, vector<1024x32xf32>
    %get3A_2 = arith.constant 0 : index
    %get3A_3 = arith.constant 0 : index
    %get3A_4 = vector.load %arg3[%get3A_2, %get3A_3] : memref<1024x32xf32, #tpu.memory_space<vmem>>, vector<1024x32xf32>
    %add3A = arith.addf %get3A_1, %get3A_4 : vector<1024x32xf32>
    %get3A_5 = arith.constant 0 : index
    %get3A_6 = arith.constant 0 : index
    %get3A_7 = vector.load %arg2[%get3A_5, %get3A_6] : memref<1024x32xf32, #tpu.memory_space<vmem>>, vector<1024x32xf32>
    %get3A_8 = arith.constant 0 : index
    %get3A_9 = arith.constant 0 : index
    %get3A_10 = vector.load %arg4[%get3A_8, %get3A_9] : memref<1024x32xf32, #tpu.memory_space<vmem>>, vector<1024x32xf32>
    %add3A_11 = arith.addf %get3A_7, %get3A_10 : vector<1024x32xf32>
    %concatenate3A = tpu.concatenate %add3A, %add3A_11 in 1 : vector<1024x32xf32>, vector<1024x32xf32> -> vector<1024x64xf32>
    %get3A_12 = arith.constant 0 : index
    %get3A_13 = arith.constant 0 : index
    %get3A_14 = vector.load %arg5[%get3A_12, %get3A_13] : memref<1024x1xf32, #tpu.memory_space<vmem>>, vector<1024x1xf32>
    %mul3A = vector.broadcast %get3A_14 : vector<1024x1xf32> to vector<1024x64xf32>
    %mul3A_15 = arith.mulf %mul3A, %concatenate3A : vector<1024x64xf32>
    %get3A_16 = arith.constant 0 : index
    %get3A_17 = arith.constant 0 : index
    %get3A_18 = vector.load %arg6[%get3A_16, %get3A_17] : memref<1x64xf32, #tpu.memory_space<vmem>>, vector<1x64xf32>
    %add3A_19 = vector.broadcast %get3A_18 : vector<1x64xf32> to vector<1024x64xf32>
    %add3A_20 = arith.addf %mul3A_15, %add3A_19 : vector<1024x64xf32>
    %get3A_21 = arith.constant 0 : index
    %get3A_22 = arith.constant 0 : index
    %get3A_23 = vector.load %arg7[%get3A_21, %get3A_22] : memref<64x1xf32, #tpu.memory_space<vmem>>, vector<64x1xf32>
    %dot_general3A = arith.constant dense<0.000000e+00> : vector<1024x1xf32>
    %dot_general3A_24 = tpu.matmul %add3A_20, %get3A_23, %dot_general3A {dimension_numbers = #tpu.dot_dimension_numbers<[1], [0], [0], [1], [0, 0, 1, 1], [], []>, precision = #tpu.contract_precision<fp32>, transpose_lhs_hint = false} : vector<1024x64xf32>, vector<64x1xf32>, vector<1024x1xf32> -> vector<1024x1xf32>
    %swap3A = arith.constant 0 : index
    %swap3A_25 = arith.constant 0 : index
    %swap3A_26 = vector.load %arg8[%swap3A, %swap3A_25] : memref<1024x1xf32, #tpu.memory_space<vmem>>, vector<1024x1xf32>
    tpu.vector_store %arg8[%swap3A, %swap3A_25], %dot_general3A_24 {strides = array<i32>} : memref<1024x1xf32, #tpu.memory_space<vmem>>, vector<1024x1xf32>,
    return
  }
  func.func @transform_0(%arg0: i32) -> (i32, i32) {
    %c0_i32 = arith.constant 0 : i32
    %c0_i32_0 = arith.constant 0 : i32
    return %arg0, %c0_i32 : i32, i32
  }
  func.func @transform_1(%arg0: i32) -> (i32, i32) {
    %c0_i32 = arith.constant 0 : i32
    %c0_i32_0 = arith.constant 0 : i32
    return %arg0, %c0_i32 : i32, i32
  }
  func.func @transform_2(%arg0: i32) -> (i32, i32) {
    %c0_i32 = arith.constant 0 : i32
    %c0_i32_0 = arith.constant 0 : i32
    return %arg0, %c0_i32 : i32, i32
  }
  func.func @transform_3(%arg0: i32) -> (i32, i32) {
    %c0_i32 = arith.constant 0 : i32
    %c0_i32_0 = arith.constant 0 : i32
    return %arg0, %c0_i32 : i32, i32
  }
  func.func @transform_4(%arg0: i32) -> (i32, i32) {
    %c0_i32 = arith.constant 0 : i32
    %c0_i32_0 = arith.constant 0 : i32
    return %arg0, %c0_i32 : i32, i32
  }
  func.func @transform_5(%arg0: i32) -> (i32, i32) {
    %c0_i32 = arith.constant 0 : i32
    %c0_i32_0 = arith.constant 0 : i32
    %c0_i32_1 = arith.constant 0 : i32
    return %c0_i32, %c0_i32_0 : i32, i32
  }
  func.func @transform_6(%arg0: i32) -> (i32, i32) {
    %c0_i32 = arith.constant 0 : i32
    %c0_i32_0 = arith.constant 0 : i32
    %c0_i32_1 = arith.constant 0 : i32
    return %c0_i32, %c0_i32_0 : i32, i32
  }
  func.func @transform_7(%arg0: i32) -> (i32, i32) {
    %c0_i32 = arith.constant 0 : i32
    %c0_i32_0 = arith.constant 0 : i32
    return %arg0, %c0_i32 : i32, i32
  }
}

</mosaic_0001>

<sc_bundles>
// kernel: kernel.10.cloned.1.call-start
scs
__scs_entry_jumppad:
0x0: {  	(pc) =	sbr.rel $0x88, $3  }
0x1: {  	(tag) =	ssettag $0x0;
	lr =	simm.s32 $0x1  }
0x2: {  	[smem:$0x3F97] =	sst lr;
	_ =	strace $0xD0000000  }
0x3: {  	_ = 	snop  }
0x4: {  	_ = 	snop  }
0x5: {  	_ = 	snop  }
0x6: {  	_ = 	snop  }
0x7: {  	_ = 	snop  }
__scs_overlays_trampoline_lowered:
0x8: {  	[smem:$0x3FA6] =	sst s0  }
0x9: {  	[smem:$0x3FA7] =	sst s1  }
0xa: {  	[smem:$0x3FA8] =	sst s2  }
0xb: {  	[smem:$0x3FA9] =	sst s3  }
0xc: {  	[smem:$0x3FAA] =	sst s4  }
0xd: {  	[smem:$0x3FAB] =	sst s5  }
0xe: {  	[smem:$0x3FAC] =	sst s6  }
0xf: {  	[smem:$0x3FAD] =	sst s7  }
0x10: {  	[smem:$0x3FAE] =	sst s8  }
0x11: {  	[smem:$0x3FAF] =	sst s9;
	s0 =	simm.s32 @!p0 $0x0  }
0x12: {  	s1 =	sld [smem:$0x3F95];
	s0 =	simm.s32 @p0 $0x1  }
0x13: {  	[smem:$0x3FB0] =	sst s0;
	s0 =	simm.s32 @!p1 $0x0  }
0x14: {  	s2 =	sld [smem:$0x3F94];
	s0 =	simm.s32 @p1 $0x1  }
0x15: {  	[smem:$0x3FB1] =	sst s0;
	s0 =	simm.s32 @!p2 $0x0  }
0x16: {  	s3 =	sld [smem:$0x3FDB];
	s0 =	simm.s32 @p2 $0x1  }
0x17: {  	s4 =	simm.s32 $0x1BF5;
	[smem:$0x3FB3] =	sst s0  }
0x18: {  	s0 =	sld [smem:$0x3F96];
	_ =	swait.ge [sflag:s4], $0x0  }
0x19: {  	s7 =	sld [smem:$0x3F97]  }
0x1a: {  	s8 =	sadd.s32 $0xFFFFE003, lr  }
0x1b: {  	s9 =	sadd.s32 $0xFFFFFEF7, lr;
	s5 =	simm.s32 $0xFFFFFFFF;
	p2 =	slt.u32 s8, $0xFFFFF086  }
0x1c: {  	p1 =	slt.u32 s9, $0xF7A;
	s5 =	simm.s32 @!p2 $0x0  }
0x1d: {  	s5 =	simm.s32 @p1 $0x1;
	p0 =	seq.s32 s7, s2  }
0x1e: {  	s7 =	smul.u32 @!p0 $0xF7A, s2;
	p2 =	seq.s32 @!p0 s5, $0x0  }
0x1f: {  	s9 =	smul.u32 $0xF7A, s1;
	s8 =	simm.s32 @!p0 $0x1BF5;
	p2 =	por !p2, p0  }
0x20: {  	[sflag:s8] =	ssyncset.s32 @!p0 $0xFFFFF086;
	s6 =	sadd.s32 @!p0 s3, s7;
	s7 =	simm.s32 @!p0 $0x108  }
0x21: {  	s3 =	sadd.s32 s3, s9;
	s6 =	sadd.s32 @!p0 $0x88, s6;
	s7 =	simm.s32 @p2 $0x1082  }
0x22: {  	[simem:s7], [sflag:s8] =	dma.local @!p0 [hbm:s6], $0xF7A  }
0x23: {  	s9 =	sor.u32 $0xD0000000, s2;
	s6 =	simm.s32 $0x108;
	_ =	swait.ge @!p0 [sflag:s8], $0x0  }
0x24: {  	s3 =	sadd.s32 $0x88, s3;
	s6 =	simm.s32 @!p1 $0x1082;
	[sflag:s4] =	ssyncset.s32 $0xFFFFF086  }
0x25: {  	[simem:s6], [sflag:s4] =	dma.local [hbm:s3], $0xF7A  }
0x26: {  	[smem:$0x3F97] =	sst s1;
	(tag) =	ssettag s2;
	_ =	strace s9  }
0x27: {  	s1 =	sld [smem:$0x3FA7]  }
0x28: {  	s2 =	sld [smem:$0x3FA8]  }
0x29: {  	s4 =	sld [smem:$0x3FAA]  }
0x2a: {  	p0 =	seq.s32 s5, $0x0;
	s5 =	sld [smem:$0x3FAB]  }
0x2b: {  	s6 =	sld [smem:$0x3FAC]  }
0x2c: {  	s7 =	sld [smem:$0x3FAD]  }
0x2d: {  	s3 =	simm.s32 $0x108;
	s8 =	sld [smem:$0x3FAE]  }
0x2e: {  	s3 =	simm.s32 @!p0 $0x1082;
	s9 =	sld [smem:$0x3FAF]  }
0x2f: {  	lr =	sadd.s32 s0, s3;
	s0 =	sld [smem:$0x3FA6]  }
0x30: {  	s3 =	sld [smem:$0x3FA9]  }
0x31: {  	[smem:$0x3FB2] =	sst s10  }
0x32: {  	s10 =	sld [smem:$0x3FB0];
	_ =	sdelay $0x3  }
0x33: {  	p0 =	seq.s32 s10, $0x1;
	s10 =	sld [smem:$0x3FB2];
	_ =	sdelay $0x3  }
0x34: {  	[smem:$0x3FB2] =	sst s10  }
0x35: {  	s10 =	sld [smem:$0x3FB1];
	_ =	sdelay $0x3  }
0x36: {  	p1 =	seq.s32 s10, $0x1;
	s10 =	sld [smem:$0x3FB2];
	_ =	sdelay $0x3  }
0x37: {  	[smem:$0x3FB2] =	sst s10  }
0x38: {  	s10 =	sld [smem:$0x3FB3]  }
0x39: {  	_ = 	snop;
	(pc) =	sbr.ind lr, $3  }
0x3a: {  	_ = 	snop  }
0x3b: {  	_ = 	snop  }
0x3c: {  	p2 =	seq.s32 s10, $0x1;
	s10 =	sld [smem:$0x3FB2]  }
0x3d: {  	_ =	shalt  }
0x3e: {  	_ =	shalt  }
0x3f: {  	_ =	shalt  }
0x40: {  	_ =	shalt  }
0x41: {  	_ =	shalt  }
0x42: {  	_ =	shalt  }
0x43: {  	_ =	shalt  }
0x44: {  	_ =	shalt  }
0x45: {  	_ =	shalt  }
0x46: {  	_ =	shalt  }
0x47: {  	_ =	shalt  }
0x48: {  	_ =	shalt  }
0x49: {  	_ =	shalt  }
0x4a: {  	_ =	shalt  }
0x4b: {  	_ =	shalt  }
0x4c: {  	_ =	shalt  }
0x4d: {  	_ =	shalt  }
0x4e: {  	_ =	shalt  }
0x4f: {  	_ =	shalt  }
0x50: {  	_ =	shalt  }
0x51: {  	_ =	shalt  }
0x52: {  	_ =	shalt  }
0x53: {  	_ =	shalt  }
0x54: {  	_ =	shalt  }
0x55: {  	_ =	shalt  }
0x56: {  	_ =	shalt  }
0x57: {  	_ =	shalt  }
0x58: {  	_ =	shalt  }
0x59: {  	_ =	shalt  }
0x5a: {  	_ =	shalt  }
0x5b: {  	_ =	shalt  }
0x5c: {  	_ =	shalt  }
0x5d: {  	_ =	shalt  }
0x5e: {  	_ =	shalt  }
0x5f: {  	_ =	shalt  }
0x60: {  	_ =	shalt  }
0x61: {  	_ =	shalt  }
0x62: {  	_ =	shalt  }
0x63: {  	_ =	shalt  }
0x64: {  	_ =	shalt  }
0x65: {  	_ =	shalt  }
0x66: {  	_ =	shalt  }
0x67: {  	_ =	shalt  }
0x68: {  	_ =	shalt  }
0x69: {  	_ =	shalt  }
0x6a: {  	_ =	shalt  }
0x6b: {  	_ =	shalt  }
0x6c: {  	_ =	shalt  }
0x6d: {  	_ =	shalt  }
0x6e: {  	_ =	shalt  }
0x6f: {  	_ =	shalt  }
0x70: {  	_ =	shalt  }
0x71: {  	_ =	shalt  }
0x72: {  	_ =	shalt  }
0x73: {  	_ =	shalt  }
0x74: {  	_ =	shalt  }
0x75: {  	_ =	shalt  }
0x76: {  	_ =	shalt  }
0x77: {  	_ =	shalt  }
0x78: {  	_ =	shalt  }
0x79: {  	_ =	shalt  }
0x7a: {  	_ =	shalt  }
0x7b: {  	_ =	shalt  }
0x7c: {  	_ =	shalt  }
0x7d: {  	_ =	shalt  }
0x7e: {  	_ =	shalt  }
0x7f: {  	_ =	shalt  }
0x80: {  	_ =	shalt  }
0x81: {  	_ =	shalt  }
0x82: {  	_ =	shalt  }
0x83: {  	_ =	shalt  }
0x84: {  	_ =	shalt  }
0x85: {  	_ =	shalt  }
0x86: {  	_ =	shalt  }
0x87: {  	_ =	shalt  }
.Lfunc_end0:
.L_simem_size_0:
called_computation_lowered:
.L_overlay_start_0:
0x88: {  	s2 =	sld [smem:$0x3FD9]  }
0x89: {  	s3 =	sld [smem:$0x3FFE];
	_ =	sdelay $0x1  }
0x8a: {  	s1 =	srdreg.scid  }
0x8b: {  	s0 =	sand.u32 $0x1, s1  }
0x8c: {  	s14 =	sshll.u32 s0, $0xA;
	s2 =	sadd.s32 s3, s2  }
0x8d: {  	s2 =	sadd.s32 s2, s14  }
0x8e: {  	[smem:$0x3FBE] =	sst s2  }
0x8f: {  	_ = 	snop  }
0x90: {  	s2 =	sld [smem:$0x3FD0];
	_ =	sdelay $0x2  }
0x91: {  	s15 =	simm.s32 $0xA;
	s4 =	simm.s32 $0x10  }
0x92: {  	[smem:s4], [sflag:s15] =	dma.local [hbm:s2], $0x1  }
0x93: {  	_ =	swait.eq [sflag:s15], $0x1  }
0x94: {  	[sflag:s15] =	ssyncset.done $0x0  }
0x95: {  	[sflag:s15] =	ssyncadd.s32 $0xFFFFFFFF  }
0x96: {  	s16 =	sld [smem:$0x10];
	(tm) =	ssettm $0x1  }
0x97: {  	s17 =	sld [smem:$0x3FFB];
	_ =	sdelay $0x3  }
0x98: {  	_ =	strace s17  }
0x99: {  	s3 =	sld [smem:$0x3FFC];
	_ =	sdelay $0x3  }
0x9a: {  	_ =	strace s3  }
0x9b: {  	s3 =	sld [smem:$0x3FFD];
	_ =	sdelay $0x3  }
0x9c: {  	_ =	strace s3  }
0x9d: {  	_ =	strace $0x8FFFFFFF  }
0x9e: {  	s18 =	sld [smem:$0x3FDB];
	_ =	sdelay $0x1  }
0x9f: {  	s19 =	simm.s32 $_scs_section_size  }
0xa0: {  	s5 =	simm.s32 $_size__tile_overlayer_lowered;
	s6 =	simm.s32 $_tile_overlayer_lowered  }
0xa1: {  	s22 =	simm.s32 $0x1BFF;
	s21 =	sshll.u32 s6, $0x1;
	s3 =	sadd.s32 s19, s18  }
0xa2: {  	s7 =	simm.s32 $0x0;
	s20 =	sshll.u32 s5, $0x1;
	s5 =	sadd.s32 s21, s3  }
0xa3: {  	[timem:s7], [sflag:s22] =	dma.local [hbm:s5], s20  }
0xa4: {  	_ =	swait.ge [sflag:s22], s20  }
0xa5: {  	s4 =	ssub.s32 $0x0, s20;
	[sflag:s22] =	ssyncset.done $0x0  }
0xa6: {  	[sflag:s22] =	ssyncadd.s32 s4;
	_ =	sdelay $0x1  }
0xa7: {  	s23 =	simm.s32 $0x1B8B  }
0xa8: {  	_ =	swait.ge [sflag:s23], $0x1  }
0xa9: {  	[sflag:s23] =	ssyncset.done $0x0  }
0xaa: {  	s25 =	simm.s32 $0x1B8E;
	s24 =	sld [smem:$0x3FFE];
	[sflag:s23] =	ssyncadd.s32 $0xFFFFFFFF  }
0xab: {  	s26 =	simm.s32 $execute0_lowered;
	[smem:$0x3FD2] =	sst s25  }
0xac: {  	s5 =	sshll.u32 s26, $0x1;
	_ =	strace $0x80000046;
	[dreg:$0x1] =	wrdreg $0xFFFFFFFF  }
0xad: {  	s28 =	simm.s32 $_size_execute0_lowered;
	s3 =	sadd.s32 s3, s5;
	[dreg:$0x0] =	wrdreg $0x0  }
0xae: {  	s5 =	sshll.u32 s28, $0x1;
	[dreg:$0x2] =	wrdreg s3  }
0xaf: {  	[dreg:$0x3] =	wrdreg s5  }
0xb0: {  	[dreg:$0x4] =	wrdreg $0xC0  }
0xb1: {  	_ =	task [dreg:s7], $0x5FFFF  }
0xb2: {  	[dreg:$0x1] =	wrdreg $0xFFFFFFFF  }
0xb3: {  	[dreg:$0x0] =	wrdreg $0x60  }
0xb4: {  	[dreg:$0x2] =	wrdreg s24  }
0xb5: {  	[dreg:$0x3] =	wrdreg s16  }
0xb6: {  	[dreg:$0x4] =	wrdreg $0x2B000  }
0xb7: {  	[dreg:$0x5] =	wrdreg $0x9  }
0xb8: {  	_ =	task.clear_ibuf [dreg:s7], $0x6FFFF;
	_ =	strace $0x90000046  }
0xb9: {  	s29 =	simm.s32 $0x9;
	_ =	strace $0x80000048  }
0xba: {  	_ =	swait.ge [sflag:s29], $0x1  }
0xbb: {  	[sflag:s29] =	ssyncadd.s32 $0xFFFFFFFF  }
0xbc: {  	_ =	strace $0x90000048  }
0xbd: {  	_ =	sfence  }
0xbe: {  	s30 =	sld [smem:$0x0];
	_ =	sdelay $0x2  }
0xbf: {  	s31 =	sshll.u32 s1, $0xD;
	s1 =	sshrl.u32 s1, $0x2  }
0xc0: {  	s3 =	sand.u32 $0x4000, s31;
	s1 =	sadd.s32 s1, s30  }
0xc1: {  	s0 =	sor.u32 s3, s0;
	s1 =	sshll.u32 s1, $0x11  }
0xc2: {  	s0 =	sor.u32 s1, s0  }
0xc3: {  	s0 =	sadd.s32 $0x8F2B, s0  }
0xc4: {  	[sflag:s0] =	ssyncadd.remote.s32 $0x1  }
0xc5: {  	_ =	sfence.sel $0xFFFF  }
0xc6: {  	[dreg:$0x0] =	wrdreg $0xFFFFFFFF;
	(pc) =	sbr.abs _section_cstart, $3  }
0xc7: {  	[dreg:$0x1] =	wrdreg $0xFFFFFFFF  }
0xc8: {  	_ =	task.clear_ibuf [dreg:s7], $0x2FFFF;
	_ =	strace $0x9FFFFFFF  }
0xc9: {  	(tm) =	ssettm $0x7FFFFFFF  }
tec
execute0_lowered:
.L_overlay_start_1:
0x0: {  	(tag) =	ssettag $0x1  }
0x1: {  	s4 =	rddreg [dreg:$0x0]  }
0x2: {  	s6 =	rddreg [dreg:$0x1]  }
0x3: {  	s0 =	srdreg.scid;
	s2 =	rddreg [dreg:$0x2]  }
0x4: {  	s3 =	simm.s32 $0x0;
	s11 =	simm.s32 $0x2800;
	s14 =	simm.s32 $0x20  }
0x5: {  	s15 =	simm.s32 $0x10;
	s5 =	sand.u32 $0x1, s0;
	s0 =	stileid.u32  }
0x6: {  	s16 =	simm.s32 $0x0;
	[smem:$0x7FF] =	sst s3;
	s8 =	smul.u32 $0xA00, s0  }
0x7: {  	s1 =	sshll.u32 s5, $0x4;
	s9 =	ssub.s32 $0x2, s5;
	s10 =	smul.u32 $0x500, s0  }
0x8: {  	s5 =	sshll.u32 s5, $0x7;
	s12 =	sshll.u32 s0, $0x6;
	s7 =	sor.u32 s0, s1  }
0x9: {  	s1 =	rddreg [dreg:$0x3];
	_ =	strace $0x80000047;
	s28 =	sshrl.u32 s9, $0x1  }
0xa: {  	s12 =	sor.u32 $0x1C01, s12;
	s7 =	smul.u32 $0x500, s7;
	s9 =	ssub.s32 s9, s28  }
0xb: {  	s29 =	sshrl.u32 s8, $0x2;
	s30 =	sor.u32 s5, s10;
	s8 =	simm.s32 $0x2880  }
0xc: {  	s10 =	simm.s32 $0x80;
	s31 =	sshrl.u32 s30, $0x3;
	s7 =	sadd.s32 s7, s4  }
0xd: {  	s4 =	sadd.s32 s29, s2;
	s6 =	sadd.s32 s6, s31;
	s5 =	sadd.s32 $0x2200, s7  }
0xe: {  	v0 =	vimm.f32 $0.0e+00;
	v1 =	vimm.f32 $1.000000000e+00;
	s7 =	smax.u32 s9, $0x1;
	s9 =	simm.s32 $0x1;
	s13 =	sshrl.u32 s4, $0x3  }
.LBB2_1:
0xf: {  	[tilespmem:$0x2880] =	vst v0  }
0x10: {  	[tilespmem:$0x2890] =	vst v0  }
0x11: {  	[tilespmem:$0x28A0] =	vst v0  }
0x12: {  	[tilespmem:$0x28B0] =	vst v0  }
0x13: {  	[tilespmem:$0x28C0] =	vst v0  }
0x14: {  	[tilespmem:$0x28D0] =	vst v0  }
0x15: {  	[tilespmem:$0x28E0] =	vst v0  }
0x16: {  	[tilespmem:$0x28F0] =	vst v0  }
0x17: {  	[tilespmem:$0x2900] =	vst v0  }
0x18: {  	[tilespmem:$0x2910] =	vst v0  }
0x19: {  	[tilespmem:$0x2920] =	vst v0  }
0x1a: {  	[tilespmem:$0x2930] =	vst v0  }
0x1b: {  	[tilespmem:$0x2940] =	vst v0  }
0x1c: {  	[tilespmem:$0x2950] =	vst v0  }
0x1d: {  	[tilespmem:$0x2960] =	vst v0  }
0x1e: {  	[tilespmem:$0x2970] =	vst v0  }
0x1f: {  	[tilespmem:$0x2980] =	vst v0  }
0x20: {  	[tilespmem:$0x2990] =	vst v0  }
0x21: {  	[tilespmem:$0x29A0] =	vst v0  }
0x22: {  	[tilespmem:$0x29B0] =	vst v0  }
0x23: {  	[tilespmem:$0x29C0] =	vst v0  }
0x24: {  	[tilespmem:$0x29D0] =	vst v0  }
0x25: {  	[tilespmem:$0x29E0] =	vst v0  }
0x26: {  	[tilespmem:$0x29F0] =	vst v0  }
0x27: {  	[tilespmem:$0x2A00] =	vst v0  }
0x28: {  	[tilespmem:$0x2A10] =	vst v0  }
0x29: {  	[tilespmem:$0x2A20] =	vst v0  }
0x2a: {  	[tilespmem:$0x2A30] =	vst v0  }
0x2b: {  	[tilespmem:$0x2A40] =	vst v0  }
0x2c: {  	[tilespmem:$0x2A50] =	vst v0  }
0x2d: {  	[tilespmem:$0x2A60] =	vst v0  }
0x2e: {  	[tilespmem:$0x2A70] =	vst v0  }
0x2f: {  	[tilespmem:$0x2A80] =	vst v0  }
0x30: {  	[tilespmem:$0x2A90] =	vst v0  }
0x31: {  	[tilespmem:$0x2AA0] =	vst v0  }
0x32: {  	[tilespmem:$0x2AB0] =	vst v0  }
0x33: {  	[tilespmem:$0x2AC0] =	vst v0  }
0x34: {  	[tilespmem:$0x2AD0] =	vst v0  }
0x35: {  	[tilespmem:$0x2AE0] =	vst v0  }
0x36: {  	[tilespmem:$0x2AF0] =	vst v0  }
0x37: {  	[tilespmem:$0x2800] =	vst v1  }
0x38: {  	[tilespmem:$0x2810] =	vst v1  }
0x39: {  	[tilespmem:$0x2820] =	vst v1  }
0x3a: {  	[tilespmem:$0x2830] =	vst v1  }
0x3b: {  	[tilespmem:$0x2840] =	vst v1  }
0x3c: {  	[tilespmem:$0x2850] =	vst v1  }
0x3d: {  	[tilespmem:$0x2860] =	vst v1  }
0x3e: {  	[tilespmem:$0x2870] =	vst v1  }
0x3f: {  	[spmem:s4] =	stream.linear.scatter [tilespmem:s8], [sflag:$0x1], $0x280, $0x38;
	[tilespmem:$0x2D80] =	vst v63  }
0x40: {  	_ =	swait.ge [sflag:s9], $0x280  }
0x41: {  	[sflag:s9] =	ssyncset.done $0x0  }
0x42: {  	[sflag:s9] =	ssyncadd.s32 $0xFFFFFD80  }
0x43: {  	[tilespmem:s3], [sflag:$0x1] =	stream.linear.gather [hbm4b:s5+s3], $0x2800, $0x38;
	[tilespmem:$0x2D80] =	vst v63  }
0x44: {  	_ =	swait.ge [sflag:s9], $0x2800  }
0x45: {  	[sflag:s9] =	ssyncset.done $0x0  }
0x46: {  	[sflag:s9] =	ssyncadd.s32 $0xFFFFD800  }
0x47: {  	s17 =	simm.s32 $0x0;
	[bflag:$0x0] =	sbarrier.arrive $0xFFFF  }
0x48: {  	[spmem:s2] =	stream.indirect.scatter.add.f32 [tilespmem:s11], [sflag:$0x1], $0x1, s17, s10, $0xb8;
	[tilespmem:$0x2D80] =	vst v63  }
0x49: {  	_ =	swait.ge [sflag:s9], $0x80  }
0x4a: {  	s17 =	simm.s32 $0x200;
	[sflag:s9] =	ssyncset.done $0x0  }
.LBB2_2:
0x4b: {  	s18 =	sshra.s32 s17, $0x2;
	[sflag:s9] =	ssyncadd.s32 $0xFFFFFF80;
	p0 =	sne.s32 s17, $0x9E00  }
0x4c: {  	[spmem:s2] =	stream.indirect.scatter.add.f32 [tilespmem:s11], [sflag:$0x1], $0x1, s18, s10, $0xb8;
	[tilespmem:$0x2D80] =	vst v63  }
.Ltmp0:
0x4d: {  	_ = 	snop;
	(pc) =	sbr.rel @p0 .LBB2_2-.Ltmp0, $4  }
0x4e: {  	_ = 	snop  }
0x4f: {  	s17 =	sadd.s32 $0x200, s17  }
0x50: {  	_ =	swait.ge [sflag:s9], $0x80  }
0x51: {  	[sflag:s9] =	ssyncset.done $0x0  }
0x52: {  	s16 =	sadd.s32 $0x1, s16  }
0x53: {  	[sflag:s9] =	ssyncadd.s32 $0xFFFFFF80;
	p0 =	sne.s32 s16, s7  }
.Ltmp1:
0x54: {  	[bflag:$0x0] =	sbarrier.arrive $0xFFFF;
	(pc) =	sbr.rel @p0 .LBB2_1-.Ltmp1, $4  }
0x55: {  	[hbm:s6@s14], [sflag:s12] =	dma.strided [spmem:s13@s15], $0x50, s9, $0x10   }
0x56: {  	_ =	swait.ge [sflag:s9], $0x50  }
0x57: {  	[sflag:s9] =	ssyncset.done $0x0  }
0x58: {  	[sflag:s9] =	ssyncadd.s32 $0xFFFFFFB0  }
0x59: {  	_ =	sfence.sel $0x180000  }
0x5a: {  	[bflag:$0x0] =	sbarrier.arrive $0xFFFF  }
0x5b: {  	p0 =	sne.s32 s0, $0x0;
	_ =	strace $0x90000047  }
0x5c: {  	s0 =	sadd.s32 @!p0 $0x100000, s1;
	[bflag:$0x2] =	sbarrier.arrive $0xFFFF  }
0x5d: {  	[sflag:s0] =	ssyncadd.tile.s32 @!p0 $0x1;
	_ =	shalt  }
.Lfunc_end2:
_tile_overlayer_lowered:
.L_overlay_start_2:
0x5e: {  	(tag) =	ssettag $0x2  }
0x5f: {  	s0 =	rddreg [dreg:$0x0];
	s2 =	stileid.u32  }
0x60: {  	s1 =	rddreg [dreg:$0x1];
	p0 =	sne.s32 s2, $0x0  }
0x61: {  	s3 =	rddreg [dreg:$0x2];
	[bflag:$0x3] =	sbarrier.arrive $0xFFFF;
	s2 =	simm.s32 @!p0 $0x1C01  }
0x62: {  	[timem:s3], [sflag:s2] =	dma.local @!p0 [hbm:s0], s1  }
0x63: {  	s0 =	simm.s32 @!p0 $0x1  }
0x64: {  	_ =	swait.ge @!p0 [sflag:s0], s1  }
0x65: {  	s1 =	ssub.s32 @!p0 $0x0, s1;
	[sflag:s0] =	ssyncset.done @!p0 $0x0  }
0x66: {  	[sflag:s0] =	ssyncadd.s32 @!p0 s1  }
0x67: {  	[bflag:$0x3] =	sbarrier.arrive $0xFFFF  }
0x68: {  	_ =	shalt  }

// kernel: kernel.13.cloned.1.call-start
scs
__scs_entry_jumppad:
0x0: {  	(pc) =	sbr.rel $0x88, $3  }
0x1: {  	(tag) =	ssettag $0x0;
	lr =	simm.s32 $0x1  }
0x2: {  	[smem:$0x3F97] =	sst lr;
	_ =	strace $0xD0000000  }
0x3: {  	_ = 	snop  }
0x4: {  	_ = 	snop  }
0x5: {  	_ = 	snop  }
0x6: {  	_ = 	snop  }
0x7: {  	_ = 	snop  }
__scs_overlays_trampoline_lowered:
0x8: {  	[smem:$0x3FA6] =	sst s0  }
0x9: {  	[smem:$0x3FA7] =	sst s1  }
0xa: {  	[smem:$0x3FA8] =	sst s2  }
0xb: {  	[smem:$0x3FA9] =	sst s3  }
0xc: {  	[smem:$0x3FAA] =	sst s4  }
0xd: {  	[smem:$0x3FAB] =	sst s5  }
0xe: {  	[smem:$0x3FAC] =	sst s6  }
0xf: {  	[smem:$0x3FAD] =	sst s7  }
0x10: {  	[smem:$0x3FAE] =	sst s8  }
0x11: {  	[smem:$0x3FAF] =	sst s9;
	s0 =	simm.s32 @!p0 $0x0  }
0x12: {  	s1 =	sld [smem:$0x3F95];
	s0 =	simm.s32 @p0 $0x1  }
0x13: {  	[smem:$0x3FB0] =	sst s0;
	s0 =	simm.s32 @!p1 $0x0  }
0x14: {  	s2 =	sld [smem:$0x3F94];
	s0 =	simm.s32 @p1 $0x1  }
0x15: {  	[smem:$0x3FB1] =	sst s0;
	s0 =	simm.s32 @!p2 $0x0  }
0x16: {  	s3 =	sld [smem:$0x3FDB];
	s0 =	simm.s32 @p2 $0x1  }
0x17: {  	s4 =	simm.s32 $0x1BF5;
	[smem:$0x3FB3] =	sst s0  }
0x18: {  	s0 =	sld [smem:$0x3F96];
	_ =	swait.ge [sflag:s4], $0x0  }
0x19: {  	s7 =	sld [smem:$0x3F97]  }
0x1a: {  	s8 =	sadd.s32 $0xFFFFE003, lr  }
0x1b: {  	s9 =	sadd.s32 $0xFFFFFEF7, lr;
	s5 =	simm.s32 $0xFFFFFFFF;
	p2 =	slt.u32 s8, $0xFFFFF086  }
0x1c: {  	p1 =	slt.u32 s9, $0xF7A;
	s5 =	simm.s32 @!p2 $0x0  }
0x1d: {  	s5 =	simm.s32 @p1 $0x1;
	p0 =	seq.s32 s7, s2  }
0x1e: {  	s7 =	smul.u32 @!p0 $0xF7A, s2;
	p2 =	seq.s32 @!p0 s5, $0x0  }
0x1f: {  	s9 =	smul.u32 $0xF7A, s1;
	s8 =	simm.s32 @!p0 $0x1BF5;
	p2 =	por !p2, p0  }
0x20: {  	[sflag:s8] =	ssyncset.s32 @!p0 $0xFFFFF086;
	s6 =	sadd.s32 @!p0 s3, s7;
	s7 =	simm.s32 @!p0 $0x108  }
0x21: {  	s3 =	sadd.s32 s3, s9;
	s6 =	sadd.s32 @!p0 $0x88, s6;
	s7 =	simm.s32 @p2 $0x1082  }
0x22: {  	[simem:s7], [sflag:s8] =	dma.local @!p0 [hbm:s6], $0xF7A  }
0x23: {  	s9 =	sor.u32 $0xD0000000, s2;
	s6 =	simm.s32 $0x108;
	_ =	swait.ge @!p0 [sflag:s8], $0x0  }
0x24: {  	s3 =	sadd.s32 $0x88, s3;
	s6 =	simm.s32 @!p1 $0x1082;
	[sflag:s4] =	ssyncset.s32 $0xFFFFF086  }
0x25: {  	[simem:s6], [sflag:s4] =	dma.local [hbm:s3], $0xF7A  }
0x26: {  	[smem:$0x3F97] =	sst s1;
	(tag) =	ssettag s2;
	_ =	strace s9  }
0x27: {  	s1 =	sld [smem:$0x3FA7]  }
0x28: {  	s2 =	sld [smem:$0x3FA8]  }
0x29: {  	s4 =	sld [smem:$0x3FAA]  }
0x2a: {  	p0 =	seq.s32 s5, $0x0;
	s5 =	sld [smem:$0x3FAB]  }
0x2b: {  	s6 =	sld [smem:$0x3FAC]  }
0x2c: {  	s7 =	sld [smem:$0x3FAD]  }
0x2d: {  	s3 =	simm.s32 $0x108;
	s8 =	sld [smem:$0x3FAE]  }
0x2e: {  	s3 =	simm.s32 @!p0 $0x1082;
	s9 =	sld [smem:$0x3FAF]  }
0x2f: {  	lr =	sadd.s32 s0, s3;
	s0 =	sld [smem:$0x3FA6]  }
0x30: {  	s3 =	sld [smem:$0x3FA9]  }
0x31: {  	[smem:$0x3FB2] =	sst s10  }
0x32: {  	s10 =	sld [smem:$0x3FB0];
	_ =	sdelay $0x3  }
0x33: {  	p0 =	seq.s32 s10, $0x1;
	s10 =	sld [smem:$0x3FB2];
	_ =	sdelay $0x3  }
0x34: {  	[smem:$0x3FB2] =	sst s10  }
0x35: {  	s10 =	sld [smem:$0x3FB1];
	_ =	sdelay $0x3  }
0x36: {  	p1 =	seq.s32 s10, $0x1;
	s10 =	sld [smem:$0x3FB2];
	_ =	sdelay $0x3  }
0x37: {  	[smem:$0x3FB2] =	sst s10  }
0x38: {  	s10 =	sld [smem:$0x3FB3]  }
0x39: {  	_ = 	snop;
	(pc) =	sbr.ind lr, $3  }
0x3a: {  	_ = 	snop  }
0x3b: {  	_ = 	snop  }
0x3c: {  	p2 =	seq.s32 s10, $0x1;
	s10 =	sld [smem:$0x3FB2]  }
0x3d: {  	_ =	shalt  }
0x3e: {  	_ =	shalt  }
0x3f: {  	_ =	shalt  }
0x40: {  	_ =	shalt  }
0x41: {  	_ =	shalt  }
0x42: {  	_ =	shalt  }
0x43: {  	_ =	shalt  }
0x44: {  	_ =	shalt  }
0x45: {  	_ =	shalt  }
0x46: {  	_ =	shalt  }
0x47: {  	_ =	shalt  }
0x48: {  	_ =	shalt  }
0x49: {  	_ =	shalt  }
0x4a: {  	_ =	shalt  }
0x4b: {  	_ =	shalt  }
0x4c: {  	_ =	shalt  }
0x4d: {  	_ =	shalt  }
0x4e: {  	_ =	shalt  }
0x4f: {  	_ =	shalt  }
0x50: {  	_ =	shalt  }
0x51: {  	_ =	shalt  }
0x52: {  	_ =	shalt  }
0x53: {  	_ =	shalt  }
0x54: {  	_ =	shalt  }
0x55: {  	_ =	shalt  }
0x56: {  	_ =	shalt  }
0x57: {  	_ =	shalt  }
0x58: {  	_ =	shalt  }
0x59: {  	_ =	shalt  }
0x5a: {  	_ =	shalt  }
0x5b: {  	_ =	shalt  }
0x5c: {  	_ =	shalt  }
0x5d: {  	_ =	shalt  }
0x5e: {  	_ =	shalt  }
0x5f: {  	_ =	shalt  }
0x60: {  	_ =	shalt  }
0x61: {  	_ =	shalt  }
0x62: {  	_ =	shalt  }
0x63: {  	_ =	shalt  }
0x64: {  	_ =	shalt  }
0x65: {  	_ =	shalt  }
0x66: {  	_ =	shalt  }
0x67: {  	_ =	shalt  }
0x68: {  	_ =	shalt  }
0x69: {  	_ =	shalt  }
0x6a: {  	_ =	shalt  }
0x6b: {  	_ =	shalt  }
0x6c: {  	_ =	shalt  }
0x6d: {  	_ =	shalt  }
0x6e: {  	_ =	shalt  }
0x6f: {  	_ =	shalt  }
0x70: {  	_ =	shalt  }
0x71: {  	_ =	shalt  }
0x72: {  	_ =	shalt  }
0x73: {  	_ =	shalt  }
0x74: {  	_ =	shalt  }
0x75: {  	_ =	shalt  }
0x76: {  	_ =	shalt  }
0x77: {  	_ =	shalt  }
0x78: {  	_ =	shalt  }
0x79: {  	_ =	shalt  }
0x7a: {  	_ =	shalt  }
0x7b: {  	_ =	shalt  }
0x7c: {  	_ =	shalt  }
0x7d: {  	_ =	shalt  }
0x7e: {  	_ =	shalt  }
0x7f: {  	_ =	shalt  }
0x80: {  	_ =	shalt  }
0x81: {  	_ =	shalt  }
0x82: {  	_ =	shalt  }
0x83: {  	_ =	shalt  }
0x84: {  	_ =	shalt  }
0x85: {  	_ =	shalt  }
0x86: {  	_ =	shalt  }
0x87: {  	_ =	shalt  }
.Lfunc_end0:
.L_simem_size_0:
called_computation.1_lowered:
.L_overlay_start_0:
0x88: {  	s2 =	sld [smem:$0x3FD9]  }
0x89: {  	s3 =	sld [smem:$0x3FFE];
	_ =	sdelay $0x1  }
0x8a: {  	s1 =	srdreg.scid  }
0x8b: {  	s0 =	sand.u32 $0x1, s1  }
0x8c: {  	s16 =	sshll.u32 s0, $0xA;
	s2 =	sadd.s32 s3, s2  }
0x8d: {  	s2 =	sadd.s32 s2, s16  }
0x8e: {  	[smem:$0x3FBE] =	sst s2  }
0x8f: {  	_ = 	snop  }
0x90: {  	(tm) =	ssettm $0x1  }
0x91: {  	s17 =	sld [smem:$0x3FFB];
	_ =	sdelay $0x3  }
0x92: {  	_ =	strace s17  }
0x93: {  	s2 =	sld [smem:$0x3FFC];
	_ =	sdelay $0x3  }
0x94: {  	_ =	strace s2  }
0x95: {  	s2 =	sld [smem:$0x3FFD];
	_ =	sdelay $0x3  }
0x96: {  	_ =	strace s2  }
0x97: {  	_ =	strace $0x8FFFFFFF  }
0x98: {  	s18 =	sld [smem:$0x3FDB];
	_ =	sdelay $0x1  }
0x99: {  	s19 =	simm.s32 $_scs_section_size  }
0x9a: {  	s4 =	simm.s32 $_size__tile_overlayer_lowered;
	s5 =	simm.s32 $_tile_overlayer_lowered  }
0x9b: {  	s22 =	simm.s32 $0x1BFF;
	s21 =	sshll.u32 s5, $0x1;
	s2 =	sadd.s32 s19, s18  }
0x9c: {  	s6 =	simm.s32 $0x0;
	s20 =	sshll.u32 s4, $0x1;
	s4 =	sadd.s32 s21, s2  }
0x9d: {  	[timem:s6], [sflag:s22] =	dma.local [hbm:s4], s20  }
0x9e: {  	_ =	swait.ge [sflag:s22], s20  }
0x9f: {  	s3 =	ssub.s32 $0x0, s20;
	[sflag:s22] =	ssyncset.done $0x0  }
0xa0: {  	[sflag:s22] =	ssyncadd.s32 s3;
	_ =	sdelay $0x1  }
0xa1: {  	s23 =	simm.s32 $0x1B8B  }
0xa2: {  	_ =	swait.ge [sflag:s23], $0x1  }
0xa3: {  	[sflag:s23] =	ssyncset.done $0x0  }
0xa4: {  	s25 =	simm.s32 $0x1B8E;
	s24 =	sld [smem:$0x3FFE];
	[sflag:s23] =	ssyncadd.s32 $0xFFFFFFFF  }
0xa5: {  	s26 =	simm.s32 $execute0_lowered;
	[smem:$0x3FD2] =	sst s25  }
0xa6: {  	s4 =	sshll.u32 s26, $0x1;
	_ =	strace $0x80000049;
	[dreg:$0x1] =	wrdreg $0xFFFFFFFF  }
0xa7: {  	s28 =	simm.s32 $_size_execute0_lowered;
	s2 =	sadd.s32 s2, s4;
	[dreg:$0x0] =	wrdreg $0x0  }
0xa8: {  	s4 =	sshll.u32 s28, $0x1;
	[dreg:$0x2] =	wrdreg s2  }
0xa9: {  	[dreg:$0x3] =	wrdreg s4  }
0xaa: {  	[dreg:$0x4] =	wrdreg $0xC0  }
0xab: {  	_ =	task [dreg:s6], $0x5FFFF  }
0xac: {  	[dreg:$0x1] =	wrdreg $0xFFFFFFFF  }
0xad: {  	[dreg:$0x0] =	wrdreg $0x60  }
0xae: {  	[dreg:$0x2] =	wrdreg s24  }
0xaf: {  	[dreg:$0x3] =	wrdreg $0x130000  }
0xb0: {  	[dreg:$0x4] =	wrdreg $0x90000  }
0xb1: {  	[dreg:$0x5] =	wrdreg $0x9  }
0xb2: {  	_ =	task.clear_ibuf [dreg:s6], $0x6FFFF;
	_ =	strace $0x90000049  }
0xb3: {  	s29 =	simm.s32 $0x9;
	_ =	strace $0x8000004B  }
0xb4: {  	_ =	swait.ge [sflag:s29], $0x1  }
0xb5: {  	[sflag:s29] =	ssyncadd.s32 $0xFFFFFFFF  }
0xb6: {  	_ =	strace $0x9000004B  }
0xb7: {  	_ =	sfence  }
0xb8: {  	s30 =	sld [smem:$0x0];
	_ =	sdelay $0x2  }
0xb9: {  	s31 =	sshll.u32 s1, $0xD;
	s1 =	sshrl.u32 s1, $0x2  }
0xba: {  	s3 =	sand.u32 $0x4000, s31;
	s1 =	sadd.s32 s1, s30  }
0xbb: {  	s0 =	sor.u32 s3, s0;
	s1 =	sshll.u32 s1, $0x11  }
0xbc: {  	s0 =	sor.u32 s1, s0  }
0xbd: {  	s0 =	sadd.s32 $0x8F2B, s0  }
0xbe: {  	[sflag:s0] =	ssyncadd.remote.s32 $0x1  }
0xbf: {  	_ =	sfence.sel $0xFFFF  }
0xc0: {  	[dreg:$0x0] =	wrdreg $0xFFFFFFFF;
	(pc) =	sbr.abs _section_cstart, $3  }
0xc1: {  	[dreg:$0x1] =	wrdreg $0xFFFFFFFF  }
0xc2: {  	_ =	task.clear_ibuf [dreg:s6], $0x2FFFF;
	_ =	strace $0x9FFFFFFF  }
0xc3: {  	(tm) =	ssettm $0x7FFFFFFF  }
tec
execute0_lowered:
.L_overlay_start_1:
0x0: {  	(tag) =	ssettag $0x1  }
0x1: {  	s5 =	rddreg [dreg:$0x0]  }
0x2: {  	s1 =	rddreg [dreg:$0x1]  }
0x3: {  	s2 =	rddreg [dreg:$0x2];
	s3 =	simm.s32 $0x0;
	s6 =	srdreg.scid  }
0x4: {  	s4 =	stileid.u32;
	s22 =	simm.s32 $0x1;
	s23 =	simm.s32 $0x7000  }
0x5: {  	s24 =	simm.s32 $0x2;
	s25 =	simm.s32 $0x2780;
	s26 =	simm.s32 $0x4F00  }
0x6: {  	s28 =	simm.s32 $0x4F80;
	[smem:$0x7FF] =	sst s3;
	s14 =	sadd.s32 $0xA2200, s5  }
0x7: {  	s15 =	sadd.s32 $0x8E200, s5;
	s12 =	sadd.s32 $0xC200, s5;
	s30 =	smul.u32 $0x28000, s4  }
0x8: {  	s13 =	sadd.s32 $0x2200, s5;
	s10 =	sand.u32 $0x1, s6;
	s11 =	smul.u32 $0xA000, s4  }
0x9: {  	s16 =	sadd.s32 $0xCA200, s5;
	s17 =	sadd.s32 $0xB6200, s5;
	s19 =	smul.u32 $0x5000, s4  }
0xa: {  	_ =	strace $0x8000004A;
	s7 =	ssub.s32 $0x2, s10;
	p0 =	seq.s32 s10, $0x0  }
0xb: {  	s31 =	sshrl.u32 s7, $0x1;
	s6 =	sshrl.u32 s30, $0x2;
	s5 =	sadd.s32 s11, s1  }
0xc: {  	s20 =	sadd.s32 s11, s2;
	s21 =	sshrl.u32 s11, $0x3;
	s19 =	sshrl.u32 s19, $0x3  }
0xd: {  	s15 =	smov.u32 @p0 s14;
	s17 =	smov.u32 @p0 s16;
	s18 =	ssub.s32 s7, s31  }
0xe: {  	s9 =	sadd.s32 s6, s1;
	s10 =	sadd.s32 s12, s19;
	s11 =	sadd.s32 s13, s19  }
0xf: {  	s19 =	sadd.s32 $0x500, s19;
	s15 =	sadd.s32 s15, s21;
	s16 =	sadd.s32 s17, s21  }
0x10: {  	s17 =	simm.s32 $0x5000;
	s21 =	simm.s32 $0x80;
	s6 =	sadd.s32 $0x2000, s9  }
0x11: {  	s7 =	sadd.s32 $0x4000, s9;
	s8 =	sadd.s32 $0x6000, s9;
	s9 =	sadd.s32 $0x8000, s9  }
0x12: {  	s12 =	sadd.s32 s12, s19;
	s13 =	sadd.s32 s13, s19;
	s14 =	smax.u32 s18, $0x1  }
0x13: {  	v0 =	vimm.f32 $0.0e+00;
	s18 =	simm.s32 $0x3;
	s19 =	sshrl.u32 s20, $0x3;
	s20 =	simm.s32 $0x2800  }
.LBB2_1:
0x14: {  	s30 =	simm.s32 $0x100;
	s29 =	simm.s32 $0x0  }
.LBB2_2:
0x15: {  	p0 =	sne.s32 s30, $0x7F00;
	[tilespmem:s29+$0x5030] =	vst v0;
	s31 =	smov.u32 s30;
	s30 =	sadd.s32 $0x100, s30  }
.Ltmp0:
0x16: {  	[tilespmem:s29+$0x5020] =	vst v0;
	(pc) =	sbr.rel @p0 .LBB2_2-.Ltmp0, $3  }
0x17: {  	[tilespmem:s29+$0x5000] =	vst v0  }
0x18: {  	[tilespmem:s29+$0x5010] =	vst v0;
	_ =	sdelay $0x1  }
0x19: {  	s29 =	sshra.s32 s31, $0x2  }
0x1a: {  	[tilespmem:s29+$0x5030] =	vst v0  }
0x1b: {  	[tilespmem:s29+$0x5020] =	vst v0  }
0x1c: {  	[tilespmem:s29+$0x5000] =	vst v0  }
0x1d: {  	[tilespmem:s29+$0x5010] =	vst v0  }
0x1e: {  	[spmem:s5] =	stream.linear.scatter [tilespmem:s17], [sflag:$0x3], $0x2000, $0x38;
	[tilespmem:$0x1D000] =	vst v63  }
0x1f: {  	_ =	swait.ge [sflag:s18], $0x2000  }
0x20: {  	[sflag:s18] =	ssyncset.done $0x0  }
0x21: {  	[sflag:s18] =	ssyncadd.s32 $0xFFFFE000  }
0x22: {  	[spmem:s6] =	stream.linear.scatter [tilespmem:s17], [sflag:$0x3], $0x2000, $0x38;
	[tilespmem:$0x1D000] =	vst v63  }
0x23: {  	_ =	swait.ge [sflag:s18], $0x2000  }
0x24: {  	[sflag:s18] =	ssyncset.done $0x0  }
0x25: {  	[sflag:s18] =	ssyncadd.s32 $0xFFFFE000  }
0x26: {  	[spmem:s7] =	stream.linear.scatter [tilespmem:s17], [sflag:$0x3], $0x2000, $0x38;
	[tilespmem:$0x1D000] =	vst v63  }
0x27: {  	_ =	swait.ge [sflag:s18], $0x2000  }
0x28: {  	[sflag:s18] =	ssyncset.done $0x0  }
0x29: {  	[sflag:s18] =	ssyncadd.s32 $0xFFFFE000  }
0x2a: {  	[spmem:s8] =	stream.linear.scatter [tilespmem:s17], [sflag:$0x3], $0x2000, $0x38;
	[tilespmem:$0x1D000] =	vst v63  }
0x2b: {  	_ =	swait.ge [sflag:s18], $0x2000  }
0x2c: {  	[sflag:s18] =	ssyncset.done $0x0  }
0x2d: {  	[sflag:s18] =	ssyncadd.s32 $0xFFFFE000  }
0x2e: {  	[spmem:s9] =	stream.linear.scatter [tilespmem:s17], [sflag:$0x3], $0x2000, $0x38;
	[tilespmem:$0x1D000] =	vst v63  }
0x2f: {  	_ =	swait.ge [sflag:s18], $0x2000  }
0x30: {  	s29 =	sshll.u32 s4, $0x6;
	[sflag:s18] =	ssyncset.done $0x0  }
0x31: {  	s29 =	sor.u32 $0x1C03, s29;
	[sflag:s18] =	ssyncadd.s32 $0xFFFFE000  }
0x32: {  	[spmem:s19], [sflag:s29] =	dma.local [hbm:s15], $0x1400  }
0x33: {  	_ =	swait.ge [sflag:s18], $0x1400  }
0x34: {  	[sflag:s18] =	ssyncset.done $0x0  }
0x35: {  	[sflag:s18] =	ssyncadd.s32 $0xFFFFEC00  }
0x36: {  	s30 =	simm.s32 $0x0;
	[bflag:$0x0] =	sbarrier.arrive $0xFFFF  }
0x37: {  	[tilespmem:s30], [sflag:$0x3] =	stream.linear.gather [hbm4b:s10+s30], $0x2800, $0x38;
	[tilespmem:$0x1D000] =	vst v63  }
0x38: {  	_ =	swait.ge [sflag:s18], $0x2800  }
0x39: {  	[sflag:s18] =	ssyncset.done $0x0  }
0x3a: {  	[sflag:s18] =	ssyncadd.s32 $0xFFFFD800  }
0x3b: {  	[tilespmem:s20], [sflag:$0x3] =	stream.linear.gather [hbm4b:s11+s30], $0x2800, $0x38;
	[tilespmem:$0x1D000] =	vst v63  }
0x3c: {  	_ =	swait.ge [sflag:s18], $0x2800  }
0x3d: {  	[sflag:s18] =	ssyncset.done $0x0  }
0x3e: {  	[sflag:s18] =	ssyncadd.s32 $0xFFFFD800  }
0x3f: {  	[tilespmem:s17], [sflag:$0x1] =	stream.indirect.gather [spmem:s2], $0x40, s30, s21, $0xb8;
	[tilespmem:$0x1D000] =	vst v63  }
0x40: {  	_ =	swait.ge [sflag:s22], $0x2000  }
0x41: {  	[sflag:s22] =	ssyncset.done $0x0  }
0x42: {  	s30 =	simm.s32 $0x80;
	[sflag:s22] =	ssyncadd.s32 $0xFFFFE000  }
0x43: {  	[tilespmem:s23], [sflag:$0x2] =	stream.indirect.gather [spmem:s2], $0x40, s30, s21, $0xb8;
	[tilespmem:$0x1D000] =	vst v63  }
0x44: {  	s30 =	simm.s32 $0x2800  }
0x45: {  	[spmem:s1] =	stream.indirect.scatter.add.f32 [tilespmem:s17], [sflag:$0x3], $0x40, s30, s21, $0xb8;
	[tilespmem:$0x1D000] =	vst v63  }
0x46: {  	_ =	swait.ge [sflag:s18], $0x2000  }
0x47: {  	[sflag:s18] =	ssyncset.done $0x0  }
0x48: {  	[sflag:s18] =	ssyncadd.s32 $0xFFFFE000  }
0x49: {  	_ =	swait.ge [sflag:s24], $0x2000  }
0x4a: {  	[sflag:s24] =	ssyncset.done $0x0  }
0x4b: {  	s30 =	simm.s32 $0x100;
	[sflag:s24] =	ssyncadd.s32 $0xFFFFE000  }
0x4c: {  	[tilespmem:s17], [sflag:$0x1] =	stream.indirect.gather [spmem:s2], $0x40, s30, s21, $0xb8;
	[tilespmem:$0x1D000] =	vst v63  }
0x4d: {  	s30 =	simm.s32 $0x2880  }
0x4e: {  	[spmem:s1] =	stream.indirect.scatter.add.f32 [tilespmem:s23], [sflag:$0x3], $0x40, s30, s21, $0xb8;
	[tilespmem:$0x1D000] =	vst v63  }
0x4f: {  	_ =	swait.ge [sflag:s18], $0x2000  }
0x50: {  	s30 =	simm.s32 $0x400;
	[sflag:s18] =	ssyncset.done $0x0  }
.LBB2_4:
0x51: {  	p0 =	sne.s32 s30, $0x9800  }
0x52: {  	[sflag:s18] =	ssyncadd.s32 $0xFFFFE000;
	s31 =	smov.u32 s30;
	s30 =	sadd.s32 $0x400, s30  }
0x53: {  	_ = 	snop  }
0x54: {  	_ =	swait.ge [sflag:s22], $0x2000  }
0x55: {  	s31 =	sshra.s32 s31, $0x2;
	[sflag:s22] =	ssyncset.done $0x0  }
0x56: {  	s0 =	sadd.s32 $0x80, s31;
	[sflag:s22] =	ssyncadd.s32 $0xFFFFE000  }
0x57: {  	[tilespmem:s23], [sflag:$0x2] =	stream.indirect.gather [spmem:s2], $0x40, s0, s21, $0xb8;
	[tilespmem:$0x1D000] =	vst v63  }
0x58: {  	s0 =	sadd.s32 $0x2800, s31  }
0x59: {  	[spmem:s1] =	stream.indirect.scatter.add.f32 [tilespmem:s17], [sflag:$0x3], $0x40, s0, s21, $0xb8;
	[tilespmem:$0x1D000] =	vst v63  }
0x5a: {  	_ =	swait.ge [sflag:s18], $0x2000  }
0x5b: {  	[sflag:s18] =	ssyncset.done $0x0  }
0x5c: {  	[sflag:s18] =	ssyncadd.s32 $0xFFFFE000  }
0x5d: {  	_ =	swait.ge [sflag:s24], $0x2000  }
0x5e: {  	[sflag:s24] =	ssyncset.done $0x0  }
0x5f: {  	s0 =	sadd.s32 $0x100, s31;
	[sflag:s24] =	ssyncadd.s32 $0xFFFFE000  }
0x60: {  	[tilespmem:s17], [sflag:$0x1] =	stream.indirect.gather [spmem:s2], $0x40, s0, s21, $0xb8;
	[tilespmem:$0x1D000] =	vst v63  }
.Ltmp1:
0x61: {  	_ = 	snop;
	(pc) =	sbr.rel @p0 .LBB2_4-.Ltmp1, $4  }
0x62: {  	s0 =	sadd.s32 $0x2880, s31  }
0x63: {  	[spmem:s1] =	stream.indirect.scatter.add.f32 [tilespmem:s23], [sflag:$0x3], $0x40, s0, s21, $0xb8;
	[tilespmem:$0x1D000] =	vst v63  }
0x64: {  	_ =	swait.ge [sflag:s18], $0x2000  }
0x65: {  	[sflag:s18] =	ssyncset.done $0x0  }
0x66: {  	[sflag:s18] =	ssyncadd.s32 $0xFFFFE000  }
0x67: {  	_ =	swait.ge [sflag:s22], $0x2000  }
0x68: {  	[sflag:s22] =	ssyncset.done $0x0  }
0x69: {  	[sflag:s22] =	ssyncadd.s32 $0xFFFFE000  }
0x6a: {  	[tilespmem:s23], [sflag:$0x2] =	stream.indirect.gather [spmem:s2], $0x40, s25, s21, $0xb8;
	[tilespmem:$0x1D000] =	vst v63  }
0x6b: {  	_ = 	snop  }
0x6c: {  	[spmem:s1] =	stream.indirect.scatter.add.f32 [tilespmem:s17], [sflag:$0x3], $0x40, s26, s21, $0xb8;
	[tilespmem:$0x1D000] =	vst v63  }
0x6d: {  	_ =	swait.ge [sflag:s18], $0x2000  }
0x6e: {  	[sflag:s18] =	ssyncset.done $0x0  }
0x6f: {  	[sflag:s18] =	ssyncadd.s32 $0xFFFFE000  }
0x70: {  	_ =	swait.ge [sflag:s24], $0x2000  }
0x71: {  	[sflag:s24] =	ssyncset.done $0x0  }
0x72: {  	[sflag:s24] =	ssyncadd.s32 $0xFFFFE000  }
0x73: {  	[spmem:s1] =	stream.indirect.scatter.add.f32 [tilespmem:s23], [sflag:$0x3], $0x40, s28, s21, $0xb8;
	[tilespmem:$0x1D000] =	vst v63  }
0x74: {  	_ =	swait.ge [sflag:s18], $0x2000  }
0x75: {  	[sflag:s18] =	ssyncset.done $0x0  }
0x76: {  	s0 =	simm.s32 $0x0;
	[sflag:s18] =	ssyncadd.s32 $0xFFFFE000  }
0x77: {  	[tilespmem:s0], [sflag:$0x3] =	stream.linear.gather [hbm4b:s12+s0], $0x2800, $0x38;
	[tilespmem:$0x1D000] =	vst v63  }
0x78: {  	_ =	swait.ge [sflag:s18], $0x2800  }
0x79: {  	[sflag:s18] =	ssyncset.done $0x0  }
0x7a: {  	[sflag:s18] =	ssyncadd.s32 $0xFFFFD800  }
0x7b: {  	[tilespmem:s20], [sflag:$0x3] =	stream.linear.gather [hbm4b:s13+s0], $0x2800, $0x38;
	[tilespmem:$0x1D000] =	vst v63  }
0x7c: {  	_ =	swait.ge [sflag:s18], $0x2800  }
0x7d: {  	[sflag:s18] =	ssyncset.done $0x0  }
0x7e: {  	[sflag:s18] =	ssyncadd.s32 $0xFFFFD800  }
0x7f: {  	[tilespmem:s17], [sflag:$0x1] =	stream.indirect.gather [spmem:s2], $0x40, s0, s21, $0xb8;
	[tilespmem:$0x1D000] =	vst v63  }
0x80: {  	_ =	swait.ge [sflag:s22], $0x2000  }
0x81: {  	[sflag:s22] =	ssyncset.done $0x0  }
0x82: {  	s31 =	simm.s32 $0x80;
	[sflag:s22] =	ssyncadd.s32 $0xFFFFE000  }
0x83: {  	[tilespmem:s23], [sflag:$0x2] =	stream.indirect.gather [spmem:s2], $0x40, s31, s21, $0xb8;
	[tilespmem:$0x1D000] =	vst v63  }
0x84: {  	s31 =	simm.s32 $0x2800  }
0x85: {  	[spmem:s1] =	stream.indirect.scatter.add.f32 [tilespmem:s17], [sflag:$0x3], $0x40, s31, s21, $0xb8;
	[tilespmem:$0x1D000] =	vst v63  }
0x86: {  	_ =	swait.ge [sflag:s18], $0x2000  }
0x87: {  	[sflag:s18] =	ssyncset.done $0x0  }
0x88: {  	[sflag:s18] =	ssyncadd.s32 $0xFFFFE000  }
0x89: {  	_ =	swait.ge [sflag:s24], $0x2000  }
0x8a: {  	[sflag:s24] =	ssyncset.done $0x0  }
0x8b: {  	s31 =	simm.s32 $0x100;
	[sflag:s24] =	ssyncadd.s32 $0xFFFFE000  }
0x8c: {  	[tilespmem:s17], [sflag:$0x1] =	stream.indirect.gather [spmem:s2], $0x40, s31, s21, $0xb8;
	[tilespmem:$0x1D000] =	vst v63  }
0x8d: {  	s31 =	simm.s32 $0x2880  }
0x8e: {  	[spmem:s1] =	stream.indirect.scatter.add.f32 [tilespmem:s23], [sflag:$0x3], $0x40, s31, s21, $0xb8;
	[tilespmem:$0x1D000] =	vst v63  }
0x8f: {  	_ =	swait.ge [sflag:s18], $0x2000  }
0x90: {  	s30 =	simm.s32 $0x400;
	[sflag:s18] =	ssyncset.done $0x0  }
.LBB2_6:
0x91: {  	p0 =	sne.s32 s30, $0x9800  }
0x92: {  	[sflag:s18] =	ssyncadd.s32 $0xFFFFE000;
	s0 =	smov.u32 s30;
	s30 =	sadd.s32 $0x400, s30  }
0x93: {  	_ = 	snop  }
0x94: {  	_ =	swait.ge [sflag:s22], $0x2000  }
0x95: {  	s0 =	sshra.s32 s0, $0x2;
	[sflag:s22] =	ssyncset.done $0x0  }
0x96: {  	s31 =	sadd.s32 $0x80, s0;
	[sflag:s22] =	ssyncadd.s32 $0xFFFFE000  }
0x97: {  	[tilespmem:s23], [sflag:$0x2] =	stream.indirect.gather [spmem:s2], $0x40, s31, s21, $0xb8;
	[tilespmem:$0x1D000] =	vst v63  }
0x98: {  	s31 =	sadd.s32 $0x2800, s0  }
0x99: {  	[spmem:s1] =	stream.indirect.scatter.add.f32 [tilespmem:s17], [sflag:$0x3], $0x40, s31, s21, $0xb8;
	[tilespmem:$0x1D000] =	vst v63  }
0x9a: {  	_ =	swait.ge [sflag:s18], $0x2000  }
0x9b: {  	[sflag:s18] =	ssyncset.done $0x0  }
0x9c: {  	[sflag:s18] =	ssyncadd.s32 $0xFFFFE000  }
0x9d: {  	_ =	swait.ge [sflag:s24], $0x2000  }
0x9e: {  	[sflag:s24] =	ssyncset.done $0x0  }
0x9f: {  	s31 =	sadd.s32 $0x100, s0;
	[sflag:s24] =	ssyncadd.s32 $0xFFFFE000  }
0xa0: {  	[tilespmem:s17], [sflag:$0x1] =	stream.indirect.gather [spmem:s2], $0x40, s31, s21, $0xb8;
	[tilespmem:$0x1D000] =	vst v63  }
.Ltmp2:
0xa1: {  	_ = 	snop;
	(pc) =	sbr.rel @p0 .LBB2_6-.Ltmp2, $4  }
0xa2: {  	s0 =	sadd.s32 $0x2880, s0  }
0xa3: {  	[spmem:s1] =	stream.indirect.scatter.add.f32 [tilespmem:s23], [sflag:$0x3], $0x40, s0, s21, $0xb8;
	[tilespmem:$0x1D000] =	vst v63  }
0xa4: {  	_ =	swait.ge [sflag:s18], $0x2000  }
0xa5: {  	[sflag:s18] =	ssyncset.done $0x0  }
0xa6: {  	[sflag:s18] =	ssyncadd.s32 $0xFFFFE000  }
0xa7: {  	_ =	swait.ge [sflag:s22], $0x2000  }
0xa8: {  	[sflag:s22] =	ssyncset.done $0x0  }
0xa9: {  	[sflag:s22] =	ssyncadd.s32 $0xFFFFE000  }
0xaa: {  	[tilespmem:s23], [sflag:$0x2] =	stream.indirect.gather [spmem:s2], $0x40, s25, s21, $0xb8;
	[tilespmem:$0x1D000] =	vst v63  }
0xab: {  	_ = 	snop  }
0xac: {  	[spmem:s1] =	stream.indirect.scatter.add.f32 [tilespmem:s17], [sflag:$0x3], $0x40, s26, s21, $0xb8;
	[tilespmem:$0x1D000] =	vst v63  }
0xad: {  	_ =	swait.ge [sflag:s18], $0x2000  }
0xae: {  	[sflag:s18] =	ssyncset.done $0x0  }
0xaf: {  	[sflag:s18] =	ssyncadd.s32 $0xFFFFE000  }
0xb0: {  	_ =	swait.ge [sflag:s24], $0x2000  }
0xb1: {  	[sflag:s24] =	ssyncset.done $0x0  }
0xb2: {  	[sflag:s24] =	ssyncadd.s32 $0xFFFFE000  }
0xb3: {  	[spmem:s1] =	stream.indirect.scatter.add.f32 [tilespmem:s23], [sflag:$0x3], $0x40, s28, s21, $0xb8;
	[tilespmem:$0x1D000] =	vst v63  }
0xb4: {  	_ =	swait.ge [sflag:s18], $0x2000  }
0xb5: {  	s3 =	sadd.s32 $0x1, s3;
	[sflag:s18] =	ssyncset.done $0x0  }
0xb6: {  	p0 =	sne.s32 s3, s14;
	[sflag:s18] =	ssyncadd.s32 $0xFFFFE000  }
.Ltmp3:
0xb7: {  	s0 =	sshrl.u32 s5, $0x3;
	[bflag:$0x0] =	sbarrier.arrive $0xFFFF;
	(pc) =	sbr.rel @p0 .LBB2_1-.Ltmp3, $4  }
0xb8: {  	[hbm:s16], [sflag:s29] =	dma.local [spmem:s0], $0x1400  }
0xb9: {  	_ =	swait.ge [sflag:s18], $0x1400  }
0xba: {  	[sflag:s18] =	ssyncset.done $0x0  }
0xbb: {  	[sflag:s18] =	ssyncadd.s32 $0xFFFFEC00  }
0xbc: {  	_ =	sfence.sel $0x180000  }
0xbd: {  	[bflag:$0x0] =	sbarrier.arrive $0xFFFF  }
0xbe: {  	_ =	strace $0x9000004A  }
0xbf: {  	[bflag:$0x2] =	sbarrier.arrive $0xFFFF  }
0xc0: {  	p0 =	sne.s32 s4, $0x0;
	s0 =	rddreg [dreg:$0x3]  }
0xc1: {  	s0 =	sadd.s32 @!p0 $0x100000, s0  }
0xc2: {  	[sflag:s0] =	ssyncadd.tile.s32 @!p0 $0x1;
	_ =	shalt  }
.Lfunc_end2:
_tile_overlayer_lowered:
.L_overlay_start_2:
0xc3: {  	(tag) =	ssettag $0x2  }
0xc4: {  	s0 =	rddreg [dreg:$0x0];
	s2 =	stileid.u32  }
0xc5: {  	s1 =	rddreg [dreg:$0x1];
	p0 =	sne.s32 s2, $0x0  }
0xc6: {  	s3 =	rddreg [dreg:$0x2];
	[bflag:$0x3] =	sbarrier.arrive $0xFFFF;
	s2 =	simm.s32 @!p0 $0x1C03  }
0xc7: {  	[timem:s3], [sflag:s2] =	dma.local @!p0 [hbm:s0], s1  }
0xc8: {  	s0 =	simm.s32 @!p0 $0x3  }
0xc9: {  	_ =	swait.ge @!p0 [sflag:s0], s1  }
0xca: {  	s1 =	ssub.s32 @!p0 $0x0, s1;
	[sflag:s0] =	ssyncset.done @!p0 $0x0  }
0xcb: {  	[sflag:s0] =	ssyncadd.s32 @!p0 s1  }
0xcc: {  	[bflag:$0x3] =	sbarrier.arrive $0xFFFF  }
0xcd: {  	_ =	shalt  }

// kernel: kernel.16.cloned.1.call-start
scs
__scs_entry_jumppad:
0x0: {  	(pc) =	sbr.rel $0x88, $3  }
0x1: {  	(tag) =	ssettag $0x0;
	lr =	simm.s32 $0x1  }
0x2: {  	[smem:$0x3F97] =	sst lr;
	_ =	strace $0xD0000000  }
0x3: {  	_ = 	snop  }
0x4: {  	_ = 	snop  }
0x5: {  	_ = 	snop  }
0x6: {  	_ = 	snop  }
0x7: {  	_ = 	snop  }
__scs_overlays_trampoline_lowered:
0x8: {  	[smem:$0x3FA6] =	sst s0  }
0x9: {  	[smem:$0x3FA7] =	sst s1  }
0xa: {  	[smem:$0x3FA8] =	sst s2  }
0xb: {  	[smem:$0x3FA9] =	sst s3  }
0xc: {  	[smem:$0x3FAA] =	sst s4  }
0xd: {  	[smem:$0x3FAB] =	sst s5  }
0xe: {  	[smem:$0x3FAC] =	sst s6  }
0xf: {  	[smem:$0x3FAD] =	sst s7  }
0x10: {  	[smem:$0x3FAE] =	sst s8  }
0x11: {  	[smem:$0x3FAF] =	sst s9;
	s0 =	simm.s32 @!p0 $0x0  }
0x12: {  	s1 =	sld [smem:$0x3F95];
	s0 =	simm.s32 @p0 $0x1  }
0x13: {  	[smem:$0x3FB0] =	sst s0;
	s0 =	simm.s32 @!p1 $0x0  }
0x14: {  	s2 =	sld [smem:$0x3F94];
	s0 =	simm.s32 @p1 $0x1  }
0x15: {  	[smem:$0x3FB1] =	sst s0;
	s0 =	simm.s32 @!p2 $0x0  }
0x16: {  	s3 =	sld [smem:$0x3FDB];
	s0 =	simm.s32 @p2 $0x1  }
0x17: {  	s4 =	simm.s32 $0x1BF5;
	[smem:$0x3FB3] =	sst s0  }
0x18: {  	s0 =	sld [smem:$0x3F96];
	_ =	swait.ge [sflag:s4], $0x0  }
0x19: {  	s7 =	sld [smem:$0x3F97]  }
0x1a: {  	s8 =	sadd.s32 $0xFFFFE003, lr  }
0x1b: {  	s9 =	sadd.s32 $0xFFFFFEF7, lr;
	s5 =	simm.s32 $0xFFFFFFFF;
	p2 =	slt.u32 s8, $0xFFFFF086  }
0x1c: {  	p1 =	slt.u32 s9, $0xF7A;
	s5 =	simm.s32 @!p2 $0x0  }
0x1d: {  	s5 =	simm.s32 @p1 $0x1;
	p0 =	seq.s32 s7, s2  }
0x1e: {  	s7 =	smul.u32 @!p0 $0xF7A, s2;
	p2 =	seq.s32 @!p0 s5, $0x0  }
0x1f: {  	s9 =	smul.u32 $0xF7A, s1;
	s8 =	simm.s32 @!p0 $0x1BF5;
	p2 =	por !p2, p0  }
0x20: {  	[sflag:s8] =	ssyncset.s32 @!p0 $0xFFFFF086;
	s6 =	sadd.s32 @!p0 s3, s7;
	s7 =	simm.s32 @!p0 $0x108  }
0x21: {  	s3 =	sadd.s32 s3, s9;
	s6 =	sadd.s32 @!p0 $0x88, s6;
	s7 =	simm.s32 @p2 $0x1082  }
0x22: {  	[simem:s7], [sflag:s8] =	dma.local @!p0 [hbm:s6], $0xF7A  }
0x23: {  	s9 =	sor.u32 $0xD0000000, s2;
	s6 =	simm.s32 $0x108;
	_ =	swait.ge @!p0 [sflag:s8], $0x0  }
0x24: {  	s3 =	sadd.s32 $0x88, s3;
	s6 =	simm.s32 @!p1 $0x1082;
	[sflag:s4] =	ssyncset.s32 $0xFFFFF086  }
0x25: {  	[simem:s6], [sflag:s4] =	dma.local [hbm:s3], $0xF7A  }
0x26: {  	[smem:$0x3F97] =	sst s1;
	(tag) =	ssettag s2;
	_ =	strace s9  }
0x27: {  	s1 =	sld [smem:$0x3FA7]  }
0x28: {  	s2 =	sld [smem:$0x3FA8]  }
0x29: {  	s4 =	sld [smem:$0x3FAA]  }
0x2a: {  	p0 =	seq.s32 s5, $0x0;
	s5 =	sld [smem:$0x3FAB]  }
0x2b: {  	s6 =	sld [smem:$0x3FAC]  }
0x2c: {  	s7 =	sld [smem:$0x3FAD]  }
0x2d: {  	s3 =	simm.s32 $0x108;
	s8 =	sld [smem:$0x3FAE]  }
0x2e: {  	s3 =	simm.s32 @!p0 $0x1082;
	s9 =	sld [smem:$0x3FAF]  }
0x2f: {  	lr =	sadd.s32 s0, s3;
	s0 =	sld [smem:$0x3FA6]  }
0x30: {  	s3 =	sld [smem:$0x3FA9]  }
0x31: {  	[smem:$0x3FB2] =	sst s10  }
0x32: {  	s10 =	sld [smem:$0x3FB0];
	_ =	sdelay $0x3  }
0x33: {  	p0 =	seq.s32 s10, $0x1;
	s10 =	sld [smem:$0x3FB2];
	_ =	sdelay $0x3  }
0x34: {  	[smem:$0x3FB2] =	sst s10  }
0x35: {  	s10 =	sld [smem:$0x3FB1];
	_ =	sdelay $0x3  }
0x36: {  	p1 =	seq.s32 s10, $0x1;
	s10 =	sld [smem:$0x3FB2];
	_ =	sdelay $0x3  }
0x37: {  	[smem:$0x3FB2] =	sst s10  }
0x38: {  	s10 =	sld [smem:$0x3FB3]  }
0x39: {  	_ = 	snop;
	(pc) =	sbr.ind lr, $3  }
0x3a: {  	_ = 	snop  }
0x3b: {  	_ = 	snop  }
0x3c: {  	p2 =	seq.s32 s10, $0x1;
	s10 =	sld [smem:$0x3FB2]  }
0x3d: {  	_ =	shalt  }
0x3e: {  	_ =	shalt  }
0x3f: {  	_ =	shalt  }
0x40: {  	_ =	shalt  }
0x41: {  	_ =	shalt  }
0x42: {  	_ =	shalt  }
0x43: {  	_ =	shalt  }
0x44: {  	_ =	shalt  }
0x45: {  	_ =	shalt  }
0x46: {  	_ =	shalt  }
0x47: {  	_ =	shalt  }
0x48: {  	_ =	shalt  }
0x49: {  	_ =	shalt  }
0x4a: {  	_ =	shalt  }
0x4b: {  	_ =	shalt  }
0x4c: {  	_ =	shalt  }
0x4d: {  	_ =	shalt  }
0x4e: {  	_ =	shalt  }
0x4f: {  	_ =	shalt  }
0x50: {  	_ =	shalt  }
0x51: {  	_ =	shalt  }
0x52: {  	_ =	shalt  }
0x53: {  	_ =	shalt  }
0x54: {  	_ =	shalt  }
0x55: {  	_ =	shalt  }
0x56: {  	_ =	shalt  }
0x57: {  	_ =	shalt  }
0x58: {  	_ =	shalt  }
0x59: {  	_ =	shalt  }
0x5a: {  	_ =	shalt  }
0x5b: {  	_ =	shalt  }
0x5c: {  	_ =	shalt  }
0x5d: {  	_ =	shalt  }
0x5e: {  	_ =	shalt  }
0x5f: {  	_ =	shalt  }
0x60: {  	_ =	shalt  }
0x61: {  	_ =	shalt  }
0x62: {  	_ =	shalt  }
0x63: {  	_ =	shalt  }
0x64: {  	_ =	shalt  }
0x65: {  	_ =	shalt  }
0x66: {  	_ =	shalt  }
0x67: {  	_ =	shalt  }
0x68: {  	_ =	shalt  }
0x69: {  	_ =	shalt  }
0x6a: {  	_ =	shalt  }
0x6b: {  	_ =	shalt  }
0x6c: {  	_ =	shalt  }
0x6d: {  	_ =	shalt  }
0x6e: {  	_ =	shalt  }
0x6f: {  	_ =	shalt  }
0x70: {  	_ =	shalt  }
0x71: {  	_ =	shalt  }
0x72: {  	_ =	shalt  }
0x73: {  	_ =	shalt  }
0x74: {  	_ =	shalt  }
0x75: {  	_ =	shalt  }
0x76: {  	_ =	shalt  }
0x77: {  	_ =	shalt  }
0x78: {  	_ =	shalt  }
0x79: {  	_ =	shalt  }
0x7a: {  	_ =	shalt  }
0x7b: {  	_ =	shalt  }
0x7c: {  	_ =	shalt  }
0x7d: {  	_ =	shalt  }
0x7e: {  	_ =	shalt  }
0x7f: {  	_ =	shalt  }
0x80: {  	_ =	shalt  }
0x81: {  	_ =	shalt  }
0x82: {  	_ =	shalt  }
0x83: {  	_ =	shalt  }
0x84: {  	_ =	shalt  }
0x85: {  	_ =	shalt  }
0x86: {  	_ =	shalt  }
0x87: {  	_ =	shalt  }
.Lfunc_end0:
.L_simem_size_0:
called_computation.2_lowered:
.L_overlay_start_0:
0x88: {  	s2 =	sld [smem:$0x3FD9]  }
0x89: {  	s3 =	sld [smem:$0x3FFE];
	_ =	sdelay $0x1  }
0x8a: {  	s1 =	srdreg.scid  }
0x8b: {  	s0 =	sand.u32 $0x1, s1  }
0x8c: {  	s16 =	sshll.u32 s0, $0xA;
	s2 =	sadd.s32 s3, s2  }
0x8d: {  	s2 =	sadd.s32 s2, s16  }
0x8e: {  	[smem:$0x3FBE] =	sst s2  }
0x8f: {  	_ = 	snop  }
0x90: {  	(tm) =	ssettm $0x1  }
0x91: {  	s17 =	sld [smem:$0x3FFB];
	_ =	sdelay $0x3  }
0x92: {  	_ =	strace s17  }
0x93: {  	s2 =	sld [smem:$0x3FFC];
	_ =	sdelay $0x3  }
0x94: {  	_ =	strace s2  }
0x95: {  	s2 =	sld [smem:$0x3FFD];
	_ =	sdelay $0x3  }
0x96: {  	_ =	strace s2  }
0x97: {  	_ =	strace $0x8FFFFFFF  }
0x98: {  	s18 =	sld [smem:$0x3FDB];
	_ =	sdelay $0x1  }
0x99: {  	s19 =	simm.s32 $_scs_section_size  }
0x9a: {  	s4 =	simm.s32 $_size__tile_overlayer_lowered;
	s5 =	simm.s32 $_tile_overlayer_lowered  }
0x9b: {  	s22 =	simm.s32 $0x1BFF;
	s21 =	sshll.u32 s5, $0x1;
	s2 =	sadd.s32 s19, s18  }
0x9c: {  	s6 =	simm.s32 $0x0;
	s20 =	sshll.u32 s4, $0x1;
	s4 =	sadd.s32 s21, s2  }
0x9d: {  	[timem:s6], [sflag:s22] =	dma.local [hbm:s4], s20  }
0x9e: {  	_ =	swait.ge [sflag:s22], s20  }
0x9f: {  	s3 =	ssub.s32 $0x0, s20;
	[sflag:s22] =	ssyncset.done $0x0  }
0xa0: {  	[sflag:s22] =	ssyncadd.s32 s3;
	_ =	sdelay $0x1  }
0xa1: {  	s23 =	simm.s32 $0x1B8B  }
0xa2: {  	_ =	swait.ge [sflag:s23], $0x1  }
0xa3: {  	[sflag:s23] =	ssyncset.done $0x0  }
0xa4: {  	s25 =	simm.s32 $0x1B8E;
	s24 =	sld [smem:$0x3FFE];
	[sflag:s23] =	ssyncadd.s32 $0xFFFFFFFF  }
0xa5: {  	s26 =	simm.s32 $execute0_lowered;
	[smem:$0x3FD2] =	sst s25  }
0xa6: {  	s4 =	sshll.u32 s26, $0x1;
	_ =	strace $0x8000004C;
	[dreg:$0x1] =	wrdreg $0xFFFFFFFF  }
0xa7: {  	s28 =	simm.s32 $_size_execute0_lowered;
	s2 =	sadd.s32 s2, s4;
	[dreg:$0x0] =	wrdreg $0x0  }
0xa8: {  	s4 =	sshll.u32 s28, $0x1;
	[dreg:$0x2] =	wrdreg s2  }
0xa9: {  	[dreg:$0x3] =	wrdreg s4  }
0xaa: {  	[dreg:$0x4] =	wrdreg $0xC0  }
0xab: {  	_ =	task [dreg:s6], $0x5FFFF  }
0xac: {  	[dreg:$0x1] =	wrdreg $0xFFFFFFFF  }
0xad: {  	[dreg:$0x0] =	wrdreg $0x60  }
0xae: {  	[dreg:$0x2] =	wrdreg s24  }
0xaf: {  	[dreg:$0x3] =	wrdreg $0xC0000  }
0xb0: {  	[dreg:$0x4] =	wrdreg $0x70000  }
0xb1: {  	[dreg:$0x5] =	wrdreg $0x9  }
0xb2: {  	_ =	task.clear_ibuf [dreg:s6], $0x6FFFF;
	_ =	strace $0x9000004C  }
0xb3: {  	s29 =	simm.s32 $0x9;
	_ =	strace $0x8000004E  }
0xb4: {  	_ =	swait.ge [sflag:s29], $0x1  }
0xb5: {  	[sflag:s29] =	ssyncadd.s32 $0xFFFFFFFF  }
0xb6: {  	_ =	strace $0x9000004E  }
0xb7: {  	_ =	sfence  }
0xb8: {  	s30 =	sld [smem:$0x0];
	_ =	sdelay $0x2  }
0xb9: {  	s31 =	sshll.u32 s1, $0xD;
	s1 =	sshrl.u32 s1, $0x2  }
0xba: {  	s3 =	sand.u32 $0x4000, s31;
	s1 =	sadd.s32 s1, s30  }
0xbb: {  	s0 =	sor.u32 s3, s0;
	s1 =	sshll.u32 s1, $0x11  }
0xbc: {  	s0 =	sor.u32 s1, s0  }
0xbd: {  	s0 =	sadd.s32 $0x8F2B, s0  }
0xbe: {  	[sflag:s0] =	ssyncadd.remote.s32 $0x1  }
0xbf: {  	_ =	sfence.sel $0xFFFF  }
0xc0: {  	[dreg:$0x0] =	wrdreg $0xFFFFFFFF;
	(pc) =	sbr.abs _section_cstart, $3  }
0xc1: {  	[dreg:$0x1] =	wrdreg $0xFFFFFFFF  }
0xc2: {  	_ =	task.clear_ibuf [dreg:s6], $0x2FFFF;
	_ =	strace $0x9FFFFFFF  }
0xc3: {  	(tm) =	ssettm $0x7FFFFFFF  }
tec
execute0_lowered:
.L_overlay_start_1:
0x0: {  	(tag) =	ssettag $0x1  }
0x1: {  	s5 =	rddreg [dreg:$0x0]  }
0x2: {  	s1 =	rddreg [dreg:$0x1]  }
0x3: {  	s2 =	rddreg [dreg:$0x2]  }
0x4: {  	s3 =	simm.s32 $0x0;
	s4 =	stileid.u32;
	s6 =	srdreg.scid  }
0x5: {  	s22 =	simm.s32 $0x1;
	s23 =	simm.s32 $0x6000;
	s24 =	simm.s32 $0x2  }
0x6: {  	s25 =	simm.s32 $0x2780;
	s26 =	simm.s32 $0x4F00;
	s28 =	simm.s32 $0x4F80  }
0x7: {  	[smem:$0x7FF] =	sst s3;
	s14 =	sadd.s32 $0x70200, s5;
	s15 =	sadd.s32 $0x66200, s5  }
0x8: {  	s12 =	sadd.s32 $0xC200, s5;
	s7 =	smul.u32 $0x14000, s4;
	s13 =	sadd.s32 $0x2200, s5  }
0x9: {  	s16 =	sadd.s32 $0x84200, s5;
	s10 =	sand.u32 $0x1, s6;
	s11 =	smul.u32 $0x5000, s4  }
0xa: {  	s17 =	sadd.s32 $0x7A200, s5;
	_ =	strace $0x8000004D;
	s6 =	ssub.s32 $0x2, s10  }
0xb: {  	p0 =	seq.s32 s10, $0x0;
	s7 =	sshrl.u32 s7, $0x2;
	s31 =	sshrl.u32 s6, $0x1  }
0xc: {  	s5 =	sadd.s32 s11, s1;
	s19 =	sadd.s32 s11, s2;
	s20 =	sshrl.u32 s11, $0x3  }
0xd: {  	s15 =	smov.u32 @p0 s14;
	s17 =	smov.u32 @p0 s16;
	s9 =	sadd.s32 s7, s1  }
0xe: {  	s18 =	ssub.s32 s6, s31;
	s10 =	sadd.s32 s12, s20;
	s11 =	sadd.s32 s13, s20  }
0xf: {  	s21 =	sadd.s32 $0x500, s20;
	s15 =	sadd.s32 s15, s20;
	s16 =	sadd.s32 s17, s20  }
0x10: {  	s17 =	simm.s32 $0x5000;
	s19 =	sshrl.u32 s19, $0x3;
	s20 =	simm.s32 $0x2800  }
0x11: {  	s6 =	sadd.s32 $0x1000, s9;
	s7 =	sadd.s32 $0x2000, s9;
	s8 =	sadd.s32 $0x3000, s9  }
0x12: {  	s9 =	sadd.s32 $0x4000, s9;
	s12 =	sadd.s32 s12, s21;
	s13 =	sadd.s32 s13, s21  }
0x13: {  	v0 =	vimm.f32 $0.0e+00;
	s14 =	smax.u32 s18, $0x1;
	s18 =	simm.s32 $0x3;
	s21 =	simm.s32 $0x80  }
.LBB2_1:
0x14: {  	s29 =	simm.s32 $0x80;
	s30 =	simm.s32 $0x0  }
.LBB2_2:
0x15: {  	p0 =	sne.s32 s29, $0x3F80;
	[tilespmem:s30+$0x5000] =	vst v0;
	s31 =	smov.u32 s29;
	s29 =	sadd.s32 $0x80, s29  }
.Ltmp0:
0x16: {  	[tilespmem:s30+$0x5010] =	vst v0;
	(pc) =	sbr.rel @p0 .LBB2_2-.Ltmp0, $2  }
0x17: {  	_ =	sdelay $0x2  }
0x18: {  	s30 =	sshra.s32 s31, $0x2  }
0x19: {  	[tilespmem:s30+$0x5000] =	vst v0  }
0x1a: {  	[tilespmem:s30+$0x5010] =	vst v0  }
0x1b: {  	[spmem:s5] =	stream.linear.scatter [tilespmem:s17], [sflag:$0x3], $0x1000, $0x38;
	[tilespmem:$0x11000] =	vst v63  }
0x1c: {  	_ =	swait.ge [sflag:s18], $0x1000  }
0x1d: {  	[sflag:s18] =	ssyncset.done $0x0  }
0x1e: {  	[sflag:s18] =	ssyncadd.s32 $0xFFFFF000  }
0x1f: {  	[spmem:s6] =	stream.linear.scatter [tilespmem:s17], [sflag:$0x3], $0x1000, $0x38;
	[tilespmem:$0x11000] =	vst v63  }
0x20: {  	_ =	swait.ge [sflag:s18], $0x1000  }
0x21: {  	[sflag:s18] =	ssyncset.done $0x0  }
0x22: {  	[sflag:s18] =	ssyncadd.s32 $0xFFFFF000  }
0x23: {  	[spmem:s7] =	stream.linear.scatter [tilespmem:s17], [sflag:$0x3], $0x1000, $0x38;
	[tilespmem:$0x11000] =	vst v63  }
0x24: {  	_ =	swait.ge [sflag:s18], $0x1000  }
0x25: {  	[sflag:s18] =	ssyncset.done $0x0  }
0x26: {  	[sflag:s18] =	ssyncadd.s32 $0xFFFFF000  }
0x27: {  	[spmem:s8] =	stream.linear.scatter [tilespmem:s17], [sflag:$0x3], $0x1000, $0x38;
	[tilespmem:$0x11000] =	vst v63  }
0x28: {  	_ =	swait.ge [sflag:s18], $0x1000  }
0x29: {  	[sflag:s18] =	ssyncset.done $0x0  }
0x2a: {  	[sflag:s18] =	ssyncadd.s32 $0xFFFFF000  }
0x2b: {  	[spmem:s9] =	stream.linear.scatter [tilespmem:s17], [sflag:$0x3], $0x1000, $0x38;
	[tilespmem:$0x11000] =	vst v63  }
0x2c: {  	_ =	swait.ge [sflag:s18], $0x1000  }
0x2d: {  	s29 =	sshll.u32 s4, $0x6;
	[sflag:s18] =	ssyncset.done $0x0  }
0x2e: {  	s29 =	sor.u32 $0x1C03, s29;
	[sflag:s18] =	ssyncadd.s32 $0xFFFFF000  }
0x2f: {  	[spmem:s19], [sflag:s29] =	dma.local [hbm:s15], $0xA00  }
0x30: {  	_ =	swait.ge [sflag:s18], $0xA00  }
0x31: {  	[sflag:s18] =	ssyncset.done $0x0  }
0x32: {  	[sflag:s18] =	ssyncadd.s32 $0xFFFFF600  }
0x33: {  	s30 =	simm.s32 $0x0;
	[bflag:$0x0] =	sbarrier.arrive $0xFFFF  }
0x34: {  	[tilespmem:s30], [sflag:$0x3] =	stream.linear.gather [hbm4b:s10+s30], $0x2800, $0x38;
	[tilespmem:$0x11000] =	vst v63  }
0x35: {  	_ =	swait.ge [sflag:s18], $0x2800  }
0x36: {  	[sflag:s18] =	ssyncset.done $0x0  }
0x37: {  	[sflag:s18] =	ssyncadd.s32 $0xFFFFD800  }
0x38: {  	[tilespmem:s20], [sflag:$0x3] =	stream.linear.gather [hbm4b:s11+s30], $0x2800, $0x38;
	[tilespmem:$0x11000] =	vst v63  }
0x39: {  	_ =	swait.ge [sflag:s18], $0x2800  }
0x3a: {  	[sflag:s18] =	ssyncset.done $0x0  }
0x3b: {  	[sflag:s18] =	ssyncadd.s32 $0xFFFFD800  }
0x3c: {  	[tilespmem:s17], [sflag:$0x1] =	stream.indirect.gather [spmem:s2], $0x20, s30, s21, $0xb8;
	[tilespmem:$0x11000] =	vst v63  }
0x3d: {  	_ =	swait.ge [sflag:s22], $0x1000  }
0x3e: {  	[sflag:s22] =	ssyncset.done $0x0  }
0x3f: {  	s30 =	simm.s32 $0x80;
	[sflag:s22] =	ssyncadd.s32 $0xFFFFF000  }
0x40: {  	[tilespmem:s23], [sflag:$0x2] =	stream.indirect.gather [spmem:s2], $0x20, s30, s21, $0xb8;
	[tilespmem:$0x11000] =	vst v63  }
0x41: {  	s30 =	simm.s32 $0x2800  }
0x42: {  	[spmem:s1] =	stream.indirect.scatter.add.f32 [tilespmem:s17], [sflag:$0x3], $0x20, s30, s21, $0xb8;
	[tilespmem:$0x11000] =	vst v63  }
0x43: {  	_ =	swait.ge [sflag:s18], $0x1000  }
0x44: {  	[sflag:s18] =	ssyncset.done $0x0  }
0x45: {  	[sflag:s18] =	ssyncadd.s32 $0xFFFFF000  }
0x46: {  	_ =	swait.ge [sflag:s24], $0x1000  }
0x47: {  	[sflag:s24] =	ssyncset.done $0x0  }
0x48: {  	s30 =	simm.s32 $0x100;
	[sflag:s24] =	ssyncadd.s32 $0xFFFFF000  }
0x49: {  	[tilespmem:s17], [sflag:$0x1] =	stream.indirect.gather [spmem:s2], $0x20, s30, s21, $0xb8;
	[tilespmem:$0x11000] =	vst v63  }
0x4a: {  	s30 =	simm.s32 $0x2880  }
0x4b: {  	[spmem:s1] =	stream.indirect.scatter.add.f32 [tilespmem:s23], [sflag:$0x3], $0x20, s30, s21, $0xb8;
	[tilespmem:$0x11000] =	vst v63  }
0x4c: {  	_ =	swait.ge [sflag:s18], $0x1000  }
0x4d: {  	s30 =	simm.s32 $0x400;
	[sflag:s18] =	ssyncset.done $0x0  }
.LBB2_4:
0x4e: {  	p0 =	sne.s32 s30, $0x9800  }
0x4f: {  	[sflag:s18] =	ssyncadd.s32 $0xFFFFF000;
	s31 =	smov.u32 s30;
	s30 =	sadd.s32 $0x400, s30  }
0x50: {  	_ = 	snop  }
0x51: {  	_ =	swait.ge [sflag:s22], $0x1000  }
0x52: {  	s31 =	sshra.s32 s31, $0x2;
	[sflag:s22] =	ssyncset.done $0x0  }
0x53: {  	s0 =	sadd.s32 $0x80, s31;
	[sflag:s22] =	ssyncadd.s32 $0xFFFFF000  }
0x54: {  	[tilespmem:s23], [sflag:$0x2] =	stream.indirect.gather [spmem:s2], $0x20, s0, s21, $0xb8;
	[tilespmem:$0x11000] =	vst v63  }
0x55: {  	s0 =	sadd.s32 $0x2800, s31  }
0x56: {  	[spmem:s1] =	stream.indirect.scatter.add.f32 [tilespmem:s17], [sflag:$0x3], $0x20, s0, s21, $0xb8;
	[tilespmem:$0x11000] =	vst v63  }
0x57: {  	_ =	swait.ge [sflag:s18], $0x1000  }
0x58: {  	[sflag:s18] =	ssyncset.done $0x0  }
0x59: {  	[sflag:s18] =	ssyncadd.s32 $0xFFFFF000  }
0x5a: {  	_ =	swait.ge [sflag:s24], $0x1000  }
0x5b: {  	[sflag:s24] =	ssyncset.done $0x0  }
0x5c: {  	s0 =	sadd.s32 $0x100, s31;
	[sflag:s24] =	ssyncadd.s32 $0xFFFFF000  }
0x5d: {  	[tilespmem:s17], [sflag:$0x1] =	stream.indirect.gather [spmem:s2], $0x20, s0, s21, $0xb8;
	[tilespmem:$0x11000] =	vst v63  }
.Ltmp1:
0x5e: {  	_ = 	snop;
	(pc) =	sbr.rel @p0 .LBB2_4-.Ltmp1, $4  }
0x5f: {  	s0 =	sadd.s32 $0x2880, s31  }
0x60: {  	[spmem:s1] =	stream.indirect.scatter.add.f32 [tilespmem:s23], [sflag:$0x3], $0x20, s0, s21, $0xb8;
	[tilespmem:$0x11000] =	vst v63  }
0x61: {  	_ =	swait.ge [sflag:s18], $0x1000  }
0x62: {  	[sflag:s18] =	ssyncset.done $0x0  }
0x63: {  	[sflag:s18] =	ssyncadd.s32 $0xFFFFF000  }
0x64: {  	_ =	swait.ge [sflag:s22], $0x1000  }
0x65: {  	[sflag:s22] =	ssyncset.done $0x0  }
0x66: {  	[sflag:s22] =	ssyncadd.s32 $0xFFFFF000  }
0x67: {  	[tilespmem:s23], [sflag:$0x2] =	stream.indirect.gather [spmem:s2], $0x20, s25, s21, $0xb8;
	[tilespmem:$0x11000] =	vst v63  }
0x68: {  	_ = 	snop  }
0x69: {  	[spmem:s1] =	stream.indirect.scatter.add.f32 [tilespmem:s17], [sflag:$0x3], $0x20, s26, s21, $0xb8;
	[tilespmem:$0x11000] =	vst v63  }
0x6a: {  	_ =	swait.ge [sflag:s18], $0x1000  }
0x6b: {  	[sflag:s18] =	ssyncset.done $0x0  }
0x6c: {  	[sflag:s18] =	ssyncadd.s32 $0xFFFFF000  }
0x6d: {  	_ =	swait.ge [sflag:s24], $0x1000  }
0x6e: {  	[sflag:s24] =	ssyncset.done $0x0  }
0x6f: {  	[sflag:s24] =	ssyncadd.s32 $0xFFFFF000  }
0x70: {  	[spmem:s1] =	stream.indirect.scatter.add.f32 [tilespmem:s23], [sflag:$0x3], $0x20, s28, s21, $0xb8;
	[tilespmem:$0x11000] =	vst v63  }
0x71: {  	_ =	swait.ge [sflag:s18], $0x1000  }
0x72: {  	[sflag:s18] =	ssyncset.done $0x0  }
0x73: {  	s0 =	simm.s32 $0x0;
	[sflag:s18] =	ssyncadd.s32 $0xFFFFF000  }
0x74: {  	[tilespmem:s0], [sflag:$0x3] =	stream.linear.gather [hbm4b:s12+s0], $0x2800, $0x38;
	[tilespmem:$0x11000] =	vst v63  }
0x75: {  	_ =	swait.ge [sflag:s18], $0x2800  }
0x76: {  	[sflag:s18] =	ssyncset.done $0x0  }
0x77: {  	[sflag:s18] =	ssyncadd.s32 $0xFFFFD800  }
0x78: {  	[tilespmem:s20], [sflag:$0x3] =	stream.linear.gather [hbm4b:s13+s0], $0x2800, $0x38;
	[tilespmem:$0x11000] =	vst v63  }
0x79: {  	_ =	swait.ge [sflag:s18], $0x2800  }
0x7a: {  	[sflag:s18] =	ssyncset.done $0x0  }
0x7b: {  	[sflag:s18] =	ssyncadd.s32 $0xFFFFD800  }
0x7c: {  	[tilespmem:s17], [sflag:$0x1] =	stream.indirect.gather [spmem:s2], $0x20, s0, s21, $0xb8;
	[tilespmem:$0x11000] =	vst v63  }
0x7d: {  	_ =	swait.ge [sflag:s22], $0x1000  }
0x7e: {  	[sflag:s22] =	ssyncset.done $0x0  }
0x7f: {  	s31 =	simm.s32 $0x80;
	[sflag:s22] =	ssyncadd.s32 $0xFFFFF000  }
0x80: {  	[tilespmem:s23], [sflag:$0x2] =	stream.indirect.gather [spmem:s2], $0x20, s31, s21, $0xb8;
	[tilespmem:$0x11000] =	vst v63  }
0x81: {  	s31 =	simm.s32 $0x2800  }
0x82: {  	[spmem:s1] =	stream.indirect.scatter.add.f32 [tilespmem:s17], [sflag:$0x3], $0x20, s31, s21, $0xb8;
	[tilespmem:$0x11000] =	vst v63  }
0x83: {  	_ =	swait.ge [sflag:s18], $0x1000  }
0x84: {  	[sflag:s18] =	ssyncset.done $0x0  }
0x85: {  	[sflag:s18] =	ssyncadd.s32 $0xFFFFF000  }
0x86: {  	_ =	swait.ge [sflag:s24], $0x1000  }
0x87: {  	[sflag:s24] =	ssyncset.done $0x0  }
0x88: {  	s31 =	simm.s32 $0x100;
	[sflag:s24] =	ssyncadd.s32 $0xFFFFF000  }
0x89: {  	[tilespmem:s17], [sflag:$0x1] =	stream.indirect.gather [spmem:s2], $0x20, s31, s21, $0xb8;
	[tilespmem:$0x11000] =	vst v63  }
0x8a: {  	s31 =	simm.s32 $0x2880  }
0x8b: {  	[spmem:s1] =	stream.indirect.scatter.add.f32 [tilespmem:s23], [sflag:$0x3], $0x20, s31, s21, $0xb8;
	[tilespmem:$0x11000] =	vst v63  }
0x8c: {  	_ =	swait.ge [sflag:s18], $0x1000  }
0x8d: {  	s30 =	simm.s32 $0x400;
	[sflag:s18] =	ssyncset.done $0x0  }
.LBB2_6:
0x8e: {  	p0 =	sne.s32 s30, $0x9800  }
0x8f: {  	[sflag:s18] =	ssyncadd.s32 $0xFFFFF000;
	s0 =	smov.u32 s30;
	s30 =	sadd.s32 $0x400, s30  }
0x90: {  	_ = 	snop  }
0x91: {  	_ =	swait.ge [sflag:s22], $0x1000  }
0x92: {  	s0 =	sshra.s32 s0, $0x2;
	[sflag:s22] =	ssyncset.done $0x0  }
0x93: {  	s31 =	sadd.s32 $0x80, s0;
	[sflag:s22] =	ssyncadd.s32 $0xFFFFF000  }
0x94: {  	[tilespmem:s23], [sflag:$0x2] =	stream.indirect.gather [spmem:s2], $0x20, s31, s21, $0xb8;
	[tilespmem:$0x11000] =	vst v63  }
0x95: {  	s31 =	sadd.s32 $0x2800, s0  }
0x96: {  	[spmem:s1] =	stream.indirect.scatter.add.f32 [tilespmem:s17], [sflag:$0x3], $0x20, s31, s21, $0xb8;
	[tilespmem:$0x11000] =	vst v63  }
0x97: {  	_ =	swait.ge [sflag:s18], $0x1000  }
0x98: {  	[sflag:s18] =	ssyncset.done $0x0  }
0x99: {  	[sflag:s18] =	ssyncadd.s32 $0xFFFFF000  }
0x9a: {  	_ =	swait.ge [sflag:s24], $0x1000  }
0x9b: {  	[sflag:s24] =	ssyncset.done $0x0  }
0x9c: {  	s31 =	sadd.s32 $0x100, s0;
	[sflag:s24] =	ssyncadd.s32 $0xFFFFF000  }
0x9d: {  	[tilespmem:s17], [sflag:$0x1] =	stream.indirect.gather [spmem:s2], $0x20, s31, s21, $0xb8;
	[tilespmem:$0x11000] =	vst v63  }
.Ltmp2:
0x9e: {  	_ = 	snop;
	(pc) =	sbr.rel @p0 .LBB2_6-.Ltmp2, $4  }
0x9f: {  	s0 =	sadd.s32 $0x2880, s0  }
0xa0: {  	[spmem:s1] =	stream.indirect.scatter.add.f32 [tilespmem:s23], [sflag:$0x3], $0x20, s0, s21, $0xb8;
	[tilespmem:$0x11000] =	vst v63  }
0xa1: {  	_ =	swait.ge [sflag:s18], $0x1000  }
0xa2: {  	[sflag:s18] =	ssyncset.done $0x0  }
0xa3: {  	[sflag:s18] =	ssyncadd.s32 $0xFFFFF000  }
0xa4: {  	_ =	swait.ge [sflag:s22], $0x1000  }
0xa5: {  	[sflag:s22] =	ssyncset.done $0x0  }
0xa6: {  	[sflag:s22] =	ssyncadd.s32 $0xFFFFF000  }
0xa7: {  	[tilespmem:s23], [sflag:$0x2] =	stream.indirect.gather [spmem:s2], $0x20, s25, s21, $0xb8;
	[tilespmem:$0x11000] =	vst v63  }
0xa8: {  	_ = 	snop  }
0xa9: {  	[spmem:s1] =	stream.indirect.scatter.add.f32 [tilespmem:s17], [sflag:$0x3], $0x20, s26, s21, $0xb8;
	[tilespmem:$0x11000] =	vst v63  }
0xaa: {  	_ =	swait.ge [sflag:s18], $0x1000  }
0xab: {  	[sflag:s18] =	ssyncset.done $0x0  }
0xac: {  	[sflag:s18] =	ssyncadd.s32 $0xFFFFF000  }
0xad: {  	_ =	swait.ge [sflag:s24], $0x1000  }
0xae: {  	[sflag:s24] =	ssyncset.done $0x0  }
0xaf: {  	[sflag:s24] =	ssyncadd.s32 $0xFFFFF000  }
0xb0: {  	[spmem:s1] =	stream.indirect.scatter.add.f32 [tilespmem:s23], [sflag:$0x3], $0x20, s28, s21, $0xb8;
	[tilespmem:$0x11000] =	vst v63  }
0xb1: {  	_ =	swait.ge [sflag:s18], $0x1000  }
0xb2: {  	s3 =	sadd.s32 $0x1, s3;
	[sflag:s18] =	ssyncset.done $0x0  }
0xb3: {  	p0 =	sne.s32 s3, s14;
	[sflag:s18] =	ssyncadd.s32 $0xFFFFF000  }
.Ltmp3:
0xb4: {  	s0 =	sshrl.u32 s5, $0x3;
	[bflag:$0x0] =	sbarrier.arrive $0xFFFF;
	(pc) =	sbr.rel @p0 .LBB2_1-.Ltmp3, $4  }
0xb5: {  	[hbm:s16], [sflag:s29] =	dma.local [spmem:s0], $0xA00  }
0xb6: {  	_ =	swait.ge [sflag:s18], $0xA00  }
0xb7: {  	[sflag:s18] =	ssyncset.done $0x0  }
0xb8: {  	[sflag:s18] =	ssyncadd.s32 $0xFFFFF600  }
0xb9: {  	_ =	sfence.sel $0x180000  }
0xba: {  	[bflag:$0x0] =	sbarrier.arrive $0xFFFF  }
0xbb: {  	_ =	strace $0x9000004D  }
0xbc: {  	[bflag:$0x2] =	sbarrier.arrive $0xFFFF  }
0xbd: {  	p0 =	sne.s32 s4, $0x0;
	s0 =	rddreg [dreg:$0x3]  }
0xbe: {  	s0 =	sadd.s32 @!p0 $0x100000, s0  }
0xbf: {  	[sflag:s0] =	ssyncadd.tile.s32 @!p0 $0x1;
	_ =	shalt  }
.Lfunc_end2:
_tile_overlayer_lowered:
.L_overlay_start_2:
0xc0: {  	(tag) =	ssettag $0x2  }
0xc1: {  	s0 =	rddreg [dreg:$0x0];
	s2 =	stileid.u32  }
0xc2: {  	s1 =	rddreg [dreg:$0x1];
	p0 =	sne.s32 s2, $0x0  }
0xc3: {  	s3 =	rddreg [dreg:$0x2];
	[bflag:$0x3] =	sbarrier.arrive $0xFFFF;
	s2 =	simm.s32 @!p0 $0x1C03  }
0xc4: {  	[timem:s3], [sflag:s2] =	dma.local @!p0 [hbm:s0], s1  }
0xc5: {  	s0 =	simm.s32 @!p0 $0x3  }
0xc6: {  	_ =	swait.ge @!p0 [sflag:s0], s1  }
0xc7: {  	s1 =	ssub.s32 @!p0 $0x0, s1;
	[sflag:s0] =	ssyncset.done @!p0 $0x0  }
0xc8: {  	[sflag:s0] =	ssyncadd.s32 @!p0 s1  }
0xc9: {  	[bflag:$0x3] =	sbarrier.arrive $0xFFFF  }
0xca: {  	_ =	shalt  }

// kernel: kernel.19.cloned.1.call-start
scs
__scs_entry_jumppad:
0x0: {  	(pc) =	sbr.rel $0x88, $3  }
0x1: {  	(tag) =	ssettag $0x0;
	lr =	simm.s32 $0x1  }
0x2: {  	[smem:$0x3F97] =	sst lr;
	_ =	strace $0xD0000000  }
0x3: {  	_ = 	snop  }
0x4: {  	_ = 	snop  }
0x5: {  	_ = 	snop  }
0x6: {  	_ = 	snop  }
0x7: {  	_ = 	snop  }
__scs_overlays_trampoline_lowered:
0x8: {  	[smem:$0x3FA6] =	sst s0  }
0x9: {  	[smem:$0x3FA7] =	sst s1  }
0xa: {  	[smem:$0x3FA8] =	sst s2  }
0xb: {  	[smem:$0x3FA9] =	sst s3  }
0xc: {  	[smem:$0x3FAA] =	sst s4  }
0xd: {  	[smem:$0x3FAB] =	sst s5  }
0xe: {  	[smem:$0x3FAC] =	sst s6  }
0xf: {  	[smem:$0x3FAD] =	sst s7  }
0x10: {  	[smem:$0x3FAE] =	sst s8  }
0x11: {  	[smem:$0x3FAF] =	sst s9;
	s0 =	simm.s32 @!p0 $0x0  }
0x12: {  	s1 =	sld [smem:$0x3F95];
	s0 =	simm.s32 @p0 $0x1  }
0x13: {  	[smem:$0x3FB0] =	sst s0;
	s0 =	simm.s32 @!p1 $0x0  }
0x14: {  	s2 =	sld [smem:$0x3F94];
	s0 =	simm.s32 @p1 $0x1  }
0x15: {  	[smem:$0x3FB1] =	sst s0;
	s0 =	simm.s32 @!p2 $0x0  }
0x16: {  	s3 =	sld [smem:$0x3FDB];
	s0 =	simm.s32 @p2 $0x1  }
0x17: {  	s4 =	simm.s32 $0x1BF5;
	[smem:$0x3FB3] =	sst s0  }
0x18: {  	s0 =	sld [smem:$0x3F96];
	_ =	swait.ge [sflag:s4], $0x0  }
0x19: {  	s7 =	sld [smem:$0x3F97]  }
0x1a: {  	s8 =	sadd.s32 $0xFFFFE003, lr  }
0x1b: {  	s9 =	sadd.s32 $0xFFFFFEF7, lr;
	s5 =	simm.s32 $0xFFFFFFFF;
	p2 =	slt.u32 s8, $0xFFFFF086  }
0x1c: {  	p1 =	slt.u32 s9, $0xF7A;
	s5 =	simm.s32 @!p2 $0x0  }
0x1d: {  	s5 =	simm.s32 @p1 $0x1;
	p0 =	seq.s32 s7, s2  }
0x1e: {  	s7 =	smul.u32 @!p0 $0xF7A, s2;
	p2 =	seq.s32 @!p0 s5, $0x0  }
0x1f: {  	s9 =	smul.u32 $0xF7A, s1;
	s8 =	simm.s32 @!p0 $0x1BF5;
	p2 =	por !p2, p0  }
0x20: {  	[sflag:s8] =	ssyncset.s32 @!p0 $0xFFFFF086;
	s6 =	sadd.s32 @!p0 s3, s7;
	s7 =	simm.s32 @!p0 $0x108  }
0x21: {  	s3 =	sadd.s32 s3, s9;
	s6 =	sadd.s32 @!p0 $0x88, s6;
	s7 =	simm.s32 @p2 $0x1082  }
0x22: {  	[simem:s7], [sflag:s8] =	dma.local @!p0 [hbm:s6], $0xF7A  }
0x23: {  	s9 =	sor.u32 $0xD0000000, s2;
	s6 =	simm.s32 $0x108;
	_ =	swait.ge @!p0 [sflag:s8], $0x0  }
0x24: {  	s3 =	sadd.s32 $0x88, s3;
	s6 =	simm.s32 @!p1 $0x1082;
	[sflag:s4] =	ssyncset.s32 $0xFFFFF086  }
0x25: {  	[simem:s6], [sflag:s4] =	dma.local [hbm:s3], $0xF7A  }
0x26: {  	[smem:$0x3F97] =	sst s1;
	(tag) =	ssettag s2;
	_ =	strace s9  }
0x27: {  	s1 =	sld [smem:$0x3FA7]  }
0x28: {  	s2 =	sld [smem:$0x3FA8]  }
0x29: {  	s4 =	sld [smem:$0x3FAA]  }
0x2a: {  	p0 =	seq.s32 s5, $0x0;
	s5 =	sld [smem:$0x3FAB]  }
0x2b: {  	s6 =	sld [smem:$0x3FAC]  }
0x2c: {  	s7 =	sld [smem:$0x3FAD]  }
0x2d: {  	s3 =	simm.s32 $0x108;
	s8 =	sld [smem:$0x3FAE]  }
0x2e: {  	s3 =	simm.s32 @!p0 $0x1082;
	s9 =	sld [smem:$0x3FAF]  }
0x2f: {  	lr =	sadd.s32 s0, s3;
	s0 =	sld [smem:$0x3FA6]  }
0x30: {  	s3 =	sld [smem:$0x3FA9]  }
0x31: {  	[smem:$0x3FB2] =	sst s10  }
0x32: {  	s10 =	sld [smem:$0x3FB0];
	_ =	sdelay $0x3  }
0x33: {  	p0 =	seq.s32 s10, $0x1;
	s10 =	sld [smem:$0x3FB2];
	_ =	sdelay $0x3  }
0x34: {  	[smem:$0x3FB2] =	sst s10  }
0x35: {  	s10 =	sld [smem:$0x3FB1];
	_ =	sdelay $0x3  }
0x36: {  	p1 =	seq.s32 s10, $0x1;
	s10 =	sld [smem:$0x3FB2];
	_ =	sdelay $0x3  }
0x37: {  	[smem:$0x3FB2] =	sst s10  }
0x38: {  	s10 =	sld [smem:$0x3FB3]  }
0x39: {  	_ = 	snop;
	(pc) =	sbr.ind lr, $3  }
0x3a: {  	_ = 	snop  }
0x3b: {  	_ = 	snop  }
0x3c: {  	p2 =	seq.s32 s10, $0x1;
	s10 =	sld [smem:$0x3FB2]  }
0x3d: {  	_ =	shalt  }
0x3e: {  	_ =	shalt  }
0x3f: {  	_ =	shalt  }
0x40: {  	_ =	shalt  }
0x41: {  	_ =	shalt  }
0x42: {  	_ =	shalt  }
0x43: {  	_ =	shalt  }
0x44: {  	_ =	shalt  }
0x45: {  	_ =	shalt  }
0x46: {  	_ =	shalt  }
0x47: {  	_ =	shalt  }
0x48: {  	_ =	shalt  }
0x49: {  	_ =	shalt  }
0x4a: {  	_ =	shalt  }
0x4b: {  	_ =	shalt  }
0x4c: {  	_ =	shalt  }
0x4d: {  	_ =	shalt  }
0x4e: {  	_ =	shalt  }
0x4f: {  	_ =	shalt  }
0x50: {  	_ =	shalt  }
0x51: {  	_ =	shalt  }
0x52: {  	_ =	shalt  }
0x53: {  	_ =	shalt  }
0x54: {  	_ =	shalt  }
0x55: {  	_ =	shalt  }
0x56: {  	_ =	shalt  }
0x57: {  	_ =	shalt  }
0x58: {  	_ =	shalt  }
0x59: {  	_ =	shalt  }
0x5a: {  	_ =	shalt  }
0x5b: {  	_ =	shalt  }
0x5c: {  	_ =	shalt  }
0x5d: {  	_ =	shalt  }
0x5e: {  	_ =	shalt  }
0x5f: {  	_ =	shalt  }
0x60: {  	_ =	shalt  }
0x61: {  	_ =	shalt  }
0x62: {  	_ =	shalt  }
0x63: {  	_ =	shalt  }
0x64: {  	_ =	shalt  }
0x65: {  	_ =	shalt  }
0x66: {  	_ =	shalt  }
0x67: {  	_ =	shalt  }
0x68: {  	_ =	shalt  }
0x69: {  	_ =	shalt  }
0x6a: {  	_ =	shalt  }
0x6b: {  	_ =	shalt  }
0x6c: {  	_ =	shalt  }
0x6d: {  	_ =	shalt  }
0x6e: {  	_ =	shalt  }
0x6f: {  	_ =	shalt  }
0x70: {  	_ =	shalt  }
0x71: {  	_ =	shalt  }
0x72: {  	_ =	shalt  }
0x73: {  	_ =	shalt  }
0x74: {  	_ =	shalt  }
0x75: {  	_ =	shalt  }
0x76: {  	_ =	shalt  }
0x77: {  	_ =	shalt  }
0x78: {  	_ =	shalt  }
0x79: {  	_ =	shalt  }
0x7a: {  	_ =	shalt  }
0x7b: {  	_ =	shalt  }
0x7c: {  	_ =	shalt  }
0x7d: {  	_ =	shalt  }
0x7e: {  	_ =	shalt  }
0x7f: {  	_ =	shalt  }
0x80: {  	_ =	shalt  }
0x81: {  	_ =	shalt  }
0x82: {  	_ =	shalt  }
0x83: {  	_ =	shalt  }
0x84: {  	_ =	shalt  }
0x85: {  	_ =	shalt  }
0x86: {  	_ =	shalt  }
0x87: {  	_ =	shalt  }
.Lfunc_end0:
.L_simem_size_0:
called_computation.3_lowered:
.L_overlay_start_0:
0x88: {  	s2 =	sld [smem:$0x3FD9]  }
0x89: {  	s3 =	sld [smem:$0x3FFE];
	_ =	sdelay $0x1  }
0x8a: {  	s1 =	srdreg.scid  }
0x8b: {  	s0 =	sand.u32 $0x1, s1  }
0x8c: {  	s14 =	sshll.u32 s0, $0xA;
	s2 =	sadd.s32 s3, s2  }
0x8d: {  	s2 =	sadd.s32 s2, s14  }
0x8e: {  	[smem:$0x3FBE] =	sst s2  }
0x8f: {  	_ = 	snop  }
0x90: {  	s2 =	sld [smem:$0x3FD0];
	_ =	sdelay $0x2  }
0x91: {  	s15 =	simm.s32 $0xA;
	s4 =	simm.s32 $0x10  }
0x92: {  	[smem:s4], [sflag:s15] =	dma.local [hbm:s2], $0x1  }
0x93: {  	_ =	swait.eq [sflag:s15], $0x1  }
0x94: {  	[sflag:s15] =	ssyncset.done $0x0  }
0x95: {  	[sflag:s15] =	ssyncadd.s32 $0xFFFFFFFF  }
0x96: {  	s16 =	sld [smem:$0x10];
	(tm) =	ssettm $0x1  }
0x97: {  	s17 =	sld [smem:$0x3FFB];
	_ =	sdelay $0x3  }
0x98: {  	_ =	strace s17  }
0x99: {  	s3 =	sld [smem:$0x3FFC];
	_ =	sdelay $0x3  }
0x9a: {  	_ =	strace s3  }
0x9b: {  	s3 =	sld [smem:$0x3FFD];
	_ =	sdelay $0x3  }
0x9c: {  	_ =	strace s3  }
0x9d: {  	_ =	strace $0x8FFFFFFF  }
0x9e: {  	s18 =	sld [smem:$0x3FDB];
	_ =	sdelay $0x1  }
0x9f: {  	s19 =	simm.s32 $_scs_section_size  }
0xa0: {  	s5 =	simm.s32 $_size__tile_overlayer_lowered;
	s6 =	simm.s32 $_tile_overlayer_lowered  }
0xa1: {  	s22 =	simm.s32 $0x1BFF;
	s21 =	sshll.u32 s6, $0x1;
	s3 =	sadd.s32 s19, s18  }
0xa2: {  	s7 =	simm.s32 $0x0;
	s20 =	sshll.u32 s5, $0x1;
	s5 =	sadd.s32 s21, s3  }
0xa3: {  	[timem:s7], [sflag:s22] =	dma.local [hbm:s5], s20  }
0xa4: {  	_ =	swait.ge [sflag:s22], s20  }
0xa5: {  	s4 =	ssub.s32 $0x0, s20;
	[sflag:s22] =	ssyncset.done $0x0  }
0xa6: {  	[sflag:s22] =	ssyncadd.s32 s4;
	_ =	sdelay $0x1  }
0xa7: {  	s23 =	simm.s32 $0x1B8B  }
0xa8: {  	_ =	swait.ge [sflag:s23], $0x1  }
0xa9: {  	[sflag:s23] =	ssyncset.done $0x0  }
0xaa: {  	s25 =	simm.s32 $0x1B8E;
	s24 =	sld [smem:$0x3FFE];
	[sflag:s23] =	ssyncadd.s32 $0xFFFFFFFF  }
0xab: {  	s26 =	simm.s32 $execute0_lowered;
	[smem:$0x3FD2] =	sst s25  }
0xac: {  	s5 =	sshll.u32 s26, $0x1;
	_ =	strace $0x8000004F;
	[dreg:$0x1] =	wrdreg $0xFFFFFFFF  }
0xad: {  	s28 =	simm.s32 $_size_execute0_lowered;
	s3 =	sadd.s32 s3, s5;
	[dreg:$0x0] =	wrdreg $0x0  }
0xae: {  	s5 =	sshll.u32 s28, $0x1;
	[dreg:$0x2] =	wrdreg s3  }
0xaf: {  	[dreg:$0x3] =	wrdreg s5  }
0xb0: {  	[dreg:$0x4] =	wrdreg $0xC0  }
0xb1: {  	_ =	task [dreg:s7], $0x5FFFF  }
0xb2: {  	[dreg:$0x1] =	wrdreg $0xFFFFFFFF  }
0xb3: {  	[dreg:$0x0] =	wrdreg $0x60  }
0xb4: {  	[dreg:$0x2] =	wrdreg s16  }
0xb5: {  	[dreg:$0x3] =	wrdreg s24  }
0xb6: {  	[dreg:$0x4] =	wrdreg $0x9  }
0xb7: {  	_ =	task.clear_ibuf [dreg:s7], $0x5FFFF;
	_ =	strace $0x9000004F  }
0xb8: {  	s29 =	simm.s32 $0x9;
	_ =	strace $0x80000051  }
0xb9: {  	_ =	swait.ge [sflag:s29], $0x1  }
0xba: {  	[sflag:s29] =	ssyncadd.s32 $0xFFFFFFFF  }
0xbb: {  	_ =	strace $0x90000051  }
0xbc: {  	_ =	sfence  }
0xbd: {  	s30 =	sld [smem:$0x0];
	_ =	sdelay $0x2  }
0xbe: {  	s31 =	sshll.u32 s1, $0xD;
	s1 =	sshrl.u32 s1, $0x2  }
0xbf: {  	s3 =	sand.u32 $0x4000, s31;
	s1 =	sadd.s32 s1, s30  }
0xc0: {  	s0 =	sor.u32 s3, s0;
	s1 =	sshll.u32 s1, $0x11  }
0xc1: {  	s0 =	sor.u32 s1, s0  }
0xc2: {  	s0 =	sadd.s32 $0x8F2B, s0  }
0xc3: {  	[sflag:s0] =	ssyncadd.remote.s32 $0x1  }
0xc4: {  	_ =	sfence.sel $0xFFFF  }
0xc5: {  	[dreg:$0x0] =	wrdreg $0xFFFFFFFF;
	(pc) =	sbr.abs _section_cstart, $3  }
0xc6: {  	[dreg:$0x1] =	wrdreg $0xFFFFFFFF  }
0xc7: {  	_ =	task.clear_ibuf [dreg:s7], $0x2FFFF;
	_ =	strace $0x9FFFFFFF  }
0xc8: {  	(tm) =	ssettm $0x7FFFFFFF  }
0xc9: {  	_ =	shalt  }
tec
execute0_lowered:
.L_overlay_start_1:
0x0: {  	(tag) =	ssettag $0x1  }
0x1: {  	s2 =	rddreg [dreg:$0x0]  }
0x2: {  	s0 =	srdreg.scid;
	s6 =	rddreg [dreg:$0x1];
	s3 =	simm.s32 $0x0  }
0x3: {  	s11 =	simm.s32 $0x80;
	s12 =	simm.s32 $0x400;
	s13 =	simm.s32 $0x2800  }
0x4: {  	s14 =	simm.s32 $0x4F80;
	s15 =	simm.s32 $0x9E80;
	s5 =	sand.u32 $0x1, s0  }
0x5: {  	s16 =	simm.s32 $0x7700;
	s0 =	stileid.u32;
	s1 =	sshll.u32 s5, $0x4  }
0x6: {  	s17 =	simm.s32 $0x9F00;
	s18 =	simm.s32 $0x0;
	s4 =	sor.u32 s0, s1  }
0x7: {  	[smem:$0x7FF] =	sst s3;
	s7 =	sshll.u32 s0, $0x7;
	s4 =	sshrl.u32 s4, $0x3  }
0x8: {  	s5 =	ssub.s32 $0x2, s5;
	s1 =	rddreg [dreg:$0x2];
	s8 =	smul.u32 $0x13C00, s4  }
0x9: {  	_ =	strace $0x80000050;
	s7 =	sand.u32 $0x380, s7;
	s31 =	sshrl.u32 s5, $0x1  }
0xa: {  	s10 =	ssub.s32 s5, s31;
	s9 =	sshll.u32 s4, $0xA;
	s8 =	sor.u32 s7, s8  }
0xb: {  	s4 =	sadd.s32 $0x2200, s6;
	s7 =	sor.u32 s7, s9;
	s8 =	sshrl.u32 s8, $0x3  }
0xc: {  	s9 =	smax.u32 s10, $0x1;
	s7 =	sshrl.u32 s7, $0x3;
	s8 =	sadd.s32 s8, s6  }
0xd: {  	s10 =	simm.s32 $0x1;
	s30 =	sadd.s32 s7, s6;
	s5 =	sadd.s32 $0x8E200, s8  }
0xe: {  	s6 =	sadd.s32 $0x98000, s8;
	s7 =	sadd.s32 $0x2400, s8;
	s8 =	sadd.s32 $0xC200, s30  }
.LBB2_1:
0xf: {  	[tilespmem:s3], [sflag:$0x1] =	stream.linear.gather [hbm4b:s2+s3], $0x2800, $0x38;
	[tilespmem:$0x9F80] =	vst v63  }
0x10: {  	_ =	swait.ge [sflag:s10], $0x2800  }
0x11: {  	[sflag:s10] =	ssyncset.done $0x0  }
0x12: {  	[sflag:s10] =	ssyncadd.s32 $0xFFFFD800  }
0x13: {  	[tilespmem:s13], [sflag:$0x1] =	stream.strided.gather [hbm4b:s5+s11], $0x2780, s12, s11, $0x38;
	[tilespmem:$0x9F80] =	vst v63  }
0x14: {  	_ =	swait.ge [sflag:s10], $0x2780  }
0x15: {  	[sflag:s10] =	ssyncset.done $0x0  }
0x16: {  	[sflag:s10] =	ssyncadd.s32 $0xFFFFD880  }
0x17: {  	[tilespmem:s14], [sflag:$0x1] =	stream.strided.gather [hbm4b:s6+s11], $0x2780, s12, s11, $0x38;
	[tilespmem:$0x9F80] =	vst v63  }
0x18: {  	_ =	swait.ge [sflag:s10], $0x2780  }
0x19: {  	[sflag:s10] =	ssyncset.done $0x0  }
0x1a: {  	[sflag:s10] =	ssyncadd.s32 $0xFFFFD880  }
0x1b: {  	[tilespmem:s15], [sflag:$0x1] =	stream.linear.gather [hbm4b:s4+s3], $0x80, $0x38;
	[tilespmem:$0x9F80] =	vst v63  }
0x1c: {  	_ =	swait.ge [sflag:s10], $0x80  }
0x1d: {  	[sflag:s10] =	ssyncset.done $0x0  }
0x1e: {  	s19 =	simm.s32 $0x0;
	[sflag:s10] =	ssyncadd.s32 $0xFFFFFF80  }
0x1f: {  	v1 =	vld [tilespmem:s19+$0x4F80]  }
0x20: {  	v2 =	vld [tilespmem:s19+$0x2800];
	_ =	sdelay $0x6  }
0x21: {  	v3 =	vld.idx.msk [tilespmem:v1+s3+$0x0], $0xffff  }
0x22: {  	v4 =	vld.idx.msk [tilespmem:v2+s3+$0x0], $0xffff;
	_ =	sdelay $0x1  }
0x23: {  	s20 =	simm.s32 $0x10;
	v0 =	vld [tilespmem:$0x9E80]  }
0x24: {  	s21 =	simm.s32 $0x80;
	v1 =	vimm.f32 $0.0e+00;
	v2 =	vld [tilespmem:s20+$0x4F80]  }
.LBB2_2:
0x25: {  	p0 =	sne.s32 s21, $0x9C00;
	v5 =	vld [tilespmem:s20+$0x2800]  }
0x26: {  	v3 =	vsub.f32 v4, v3;
	_ =	sdelay $0x1  }
0x27: {  	v4 =	vadd.f32 v3, v0;
	v1 =	vadd.f32 v3, v1;
	_ =	sdelay $0x1  }
0x28: {  	v3 =	vmax.f32 v4, $0.0e+00  }
0x29: {  	[tilespmem:s19+$0x7700] =	vst v3;
	s19 =	smov.u32 s20  }
0x2a: {  	v3 =	vld.idx.msk [tilespmem:v2+s3+$0x0], $0xffff  }
.Ltmp0:
0x2b: {  	v4 =	vld.idx.msk [tilespmem:v5+s3+$0x0], $0xffff;
	(pc) =	sbr.rel @p0 .LBB2_2-.Ltmp0, $3  }
0x2c: {  	_ =	sdelay $0x1  }
0x2d: {  	s20 =	sshra.s32 s21, $0x2  }
0x2e: {  	s21 =	sadd.s32 $0x40, s21;
	v2 =	vld [tilespmem:s20+$0x4F80]  }
0x2f: {  	_ = 	snop  }
0x30: {  	v5 =	vld [tilespmem:s20+$0x2800]  }
0x31: {  	v3 =	vsub.f32 v4, v3;
	_ =	sdelay $0x1  }
0x32: {  	v4 =	vadd.f32 v3, v0;
	_ =	sdelay $0x1  }
0x33: {  	v4 =	vmax.f32 v4, $0.0e+00  }
0x34: {  	[tilespmem:s19+$0x7700] =	vst v4  }
0x35: {  	v2 =	vld.idx.msk [tilespmem:v2+s3+$0x0], $0xffff  }
0x36: {  	v4 =	vld.idx.msk [tilespmem:v5+s3+$0x0], $0xffff;
	_ =	sdelay $0x4  }
0x37: {  	v2 =	vsub.f32 v4, v2;
	_ =	sdelay $0x1  }
0x38: {  	v1 =	vadd.f32 v3, v1;
	v63 =	vadd.f32 v2, v0;
	_ =	sdelay $0x1  }
0x39: {  	v1 =	vadd.f32 v2, v1;
	v0 =	vmax.f32 v63, $0.0e+00  }
0x3a: {  	[tilespmem:s20+$0x7700] =	vst v0  }
0x3b: {  	[tilespmem:$0x9F00] =	vst v1  }
0x3c: {  	[hbm4b:s7+s11] =	stream.strided.scatter [tilespmem:s16], [sflag:$0x1], $0x2780, s12, s11, $0x38;
	[tilespmem:$0x9F80] =	vst v63  }
0x3d: {  	s18 =	sadd.s32 $0x1, s18;
	_ =	swait.ge [sflag:s10], $0x2780  }
0x3e: {  	p0 =	sne.s32 s18, s9;
	[sflag:s10] =	ssyncset.done $0x0  }
.Ltmp1:
0x3f: {  	[sflag:s10] =	ssyncadd.s32 $0xFFFFD880;
	(pc) =	sbr.rel @p0 .LBB2_1-.Ltmp1, $4  }
0x40: {  	[hbm4b:s8+s3] =	stream.linear.scatter [tilespmem:s17], [sflag:$0x1], $0x80, $0x38;
	[tilespmem:$0x9F80] =	vst v63  }
0x41: {  	_ =	swait.ge [sflag:s10], $0x80  }
0x42: {  	[sflag:s10] =	ssyncset.done $0x0  }
0x43: {  	[sflag:s10] =	ssyncadd.s32 $0xFFFFFF80  }
0x44: {  	_ =	sfence.sel $0x180000  }
0x45: {  	[bflag:$0x0] =	sbarrier.arrive $0xFFFF  }
0x46: {  	p0 =	sne.s32 s0, $0x0;
	_ =	strace $0x90000050  }
0x47: {  	s0 =	sadd.s32 @!p0 $0x100000, s1;
	[bflag:$0x2] =	sbarrier.arrive $0xFFFF  }
0x48: {  	[sflag:s0] =	ssyncadd.tile.s32 @!p0 $0x1;
	_ =	shalt  }
.Lfunc_end2:
_tile_overlayer_lowered:
.L_overlay_start_2:
0x49: {  	(tag) =	ssettag $0x2  }
0x4a: {  	s0 =	rddreg [dreg:$0x0];
	s2 =	stileid.u32  }
0x4b: {  	s1 =	rddreg [dreg:$0x1];
	p0 =	sne.s32 s2, $0x0  }
0x4c: {  	s3 =	rddreg [dreg:$0x2];
	[bflag:$0x3] =	sbarrier.arrive $0xFFFF;
	s2 =	simm.s32 @!p0 $0x1C01  }
0x4d: {  	[timem:s3], [sflag:s2] =	dma.local @!p0 [hbm:s0], s1  }
0x4e: {  	s0 =	simm.s32 @!p0 $0x1  }
0x4f: {  	_ =	swait.ge @!p0 [sflag:s0], s1  }
0x50: {  	s1 =	ssub.s32 @!p0 $0x0, s1;
	[sflag:s0] =	ssyncset.done @!p0 $0x0  }
0x51: {  	[sflag:s0] =	ssyncadd.s32 @!p0 s1  }
0x52: {  	[bflag:$0x3] =	sbarrier.arrive $0xFFFF  }
0x53: {  	_ =	shalt  }

</sc_bundles>
